<compile_context>
chip_gen: v7x
topology: tpu7x:2x2x1
jax: 0.10.2.dev20260603
libtpu: 0.0.44.dev20260713+nightly
codegen_flags: <defaults>
</compile_context>

<pallas_src>
import functools

import jax
import jax.numpy as jnp
from jax import lax
from jax.experimental import pallas as pl
from jax.experimental.pallas import tpu as pltpu
from jax.experimental.pallas import tpu_sc as plsc

_N = 10000
_E = 320000
_F = 128
_G = 64
_NC = 2
_NS = 16
_NP = 10112
_RS = _NP // _NS
_ZR = 8
_DW = 16

_K = 128
_NCH = 80
_EP = _NC * _NS * _NCH * _K

_f32 = jnp.float32


def _fill_rows(buf, n_rows, n_cols, value):
    vec = jnp.full((16,), value, _f32)

    def body(r, _):
        for cb in range(n_cols // 16):
            buf[r, pl.ds(cb * 16, 16)] = vec
        return 0

    lax.fori_loop(0, n_rows, body, 0)


def _zero_my_slice(zsrc, accum, s):

    def zcopy(i, _):
        pltpu.sync_copy(zsrc, accum.at[pl.ds(s * _RS + i * _ZR, _ZR)])
        return 0

    lax.fori_loop(0, _RS // _ZR, zcopy, 0)


def _unpack_chunk(packed_v, j, sidx, didx):
    for cb in range(_K // 16):
        v = packed_v[j, pl.ds(cb * 16, 16)]
        sidx[pl.ds(cb * 16, 16)] = jnp.bitwise_and(v, 0xFFFF)
        didx[pl.ds(cb * 16, 16)] = lax.shift_right_logical(v, 16)


def _sc_degree(packed):
    mesh = plsc.VectorSubcoreMesh(core_axis_name="c", subcore_axis_name="s")

    @functools.partial(
        pl.kernel,
        out_type=jax.ShapeDtypeStruct((_NC, _NP, _DW), _f32),
        mesh=mesh,
        compiler_params=pltpu.CompilerParams(use_tc_tiling_on_sc=False),
        scratch_types=[
            pltpu.VMEM((_NCH, _K), jnp.int32),
            pltpu.VMEM((_K,), jnp.int32),
            pltpu.VMEM((_K,), jnp.int32),
            pltpu.VMEM((_K, _DW), _f32),
            pltpu.VMEM((_ZR, _DW), _f32),
            pltpu.VMEM_SHARED((_NP, _DW), _f32),
        ],
    )
    def deg_kernel(packed_hbm, out_hbm, packed_v, sidx, didx,
                   ones_v, zbuf, accum):
        c = lax.axis_index("c")
        s = lax.axis_index("s")
        _fill_rows(zbuf, _ZR, _DW, 0.0)
        _fill_rows(ones_v, _K, _DW, 1.0)
        _zero_my_slice(zbuf, accum, s)
        pltpu.sync_copy(packed_hbm.at[c, s], packed_v)
        plsc.subcore_barrier()

        def step(j, _):
            _unpack_chunk(packed_v, j, sidx, didx)
            pltpu.sync_copy(ones_v, accum.at[didx], add=True)
            return 0

        lax.fori_loop(0, _NCH, step, 0)
        plsc.subcore_barrier()
        pltpu.sync_copy(accum.at[pl.ds(s * _RS, _RS)],
                        out_hbm.at[c, pl.ds(s * _RS, _RS)])

    return deg_kernel(packed)


def _sc_aggregate(table, packed):
    mesh = plsc.VectorSubcoreMesh(core_axis_name="c", subcore_axis_name="s")

    @functools.partial(
        pl.kernel,
        out_type=jax.ShapeDtypeStruct((_NC, _NP, _F), _f32),
        mesh=mesh,
        compiler_params=pltpu.CompilerParams(use_tc_tiling_on_sc=False),
        scratch_types=[
            pltpu.VMEM((_NCH, _K), jnp.int32),
            pltpu.VMEM((_K,), jnp.int32),
            pltpu.VMEM((_K,), jnp.int32),
            pltpu.VMEM((_K,), jnp.int32),
            pltpu.VMEM((_K,), jnp.int32),
            pltpu.VMEM((_K, _F), _f32),
            pltpu.VMEM((_K, _F), _f32),
            pltpu.VMEM_SHARED((_NP, _F), _f32),
            pltpu.SemaphoreType.DMA,
            pltpu.SemaphoreType.DMA,
        ],
    )
    def agg_kernel(table_hbm, packed_hbm, out_hbm,
                   packed_v, sidx0, didx0, sidx1, didx1,
                   buf0, buf1, accum, sem0, sem1):
        c = lax.axis_index("c")
        s = lax.axis_index("s")
        _fill_rows(buf0, _ZR, _F, 0.0)
        _zero_my_slice(buf0.at[pl.ds(0, _ZR)], accum, s)
        pltpu.sync_copy(packed_hbm.at[c, s], packed_v)
        plsc.subcore_barrier()

        _unpack_chunk(packed_v, 0, sidx0, didx0)
        _unpack_chunk(packed_v, 1, sidx1, didx1)
        g0 = pltpu.async_copy(table_hbm.at[sidx0], buf0, sem0)
        g1 = pltpu.async_copy(table_hbm.at[sidx1], buf1, sem1)

        def step(jj, _):
            j0 = jj * 2
            g0.wait()
            pltpu.sync_copy(buf0, accum.at[didx0], add=True)
            _unpack_chunk(packed_v, j0 + 2, sidx0, didx0)
            pltpu.async_copy(table_hbm.at[sidx0], buf0, sem0)
            g1.wait()
            pltpu.sync_copy(buf1, accum.at[didx1], add=True)
            _unpack_chunk(packed_v, j0 + 3, sidx1, didx1)
            pltpu.async_copy(table_hbm.at[sidx1], buf1, sem1)
            return 0

        lax.fori_loop(0, _NCH // 2 - 1, step, 0)
        g0.wait()
        pltpu.sync_copy(buf0, accum.at[didx0], add=True)
        g1.wait()
        pltpu.sync_copy(buf1, accum.at[didx1], add=True)
        plsc.subcore_barrier()
        pltpu.sync_copy(accum.at[pl.ds(s * _RS, _RS)],
                        out_hbm.at[c, pl.ds(s * _RS, _RS)])

    return agg_kernel(table, packed)


def _tc_prepare(degp, x):

    def body(degp_ref, x_ref, dinv_ref, xs_ref):
        deg = degp_ref[0, pl.ds(0, _N), :] + degp_ref[1, pl.ds(0, _N), :]
        dinv = lax.rsqrt(deg + 1.0)
        dinv_ref[...] = dinv
        xs_ref[pl.ds(0, _N), :] = x_ref[...] * dinv[:, 0:1]
        xs_ref[pl.ds(_N, _NP - _N), :] = jnp.zeros((_NP - _N, _F), _f32)

    return pl.pallas_call(
        body,
        out_shape=(jax.ShapeDtypeStruct((_N, _DW), _f32),
                   jax.ShapeDtypeStruct((_NP, _F), _f32)),
    )(degp, x)


def _tc_conv1(p, xs, dinv, W1, b1):

    def body(p_ref, xs_ref, dinv_ref, W1_ref, b1_ref, h1_ref, h1s_ref):
        d = dinv_ref[:, 0:1]
        agg = (p_ref[0, pl.ds(0, _N), :] + p_ref[1, pl.ds(0, _N), :]
               + xs_ref[pl.ds(0, _N), :]) * d
        h1 = jnp.dot(agg, W1_ref[...], preferred_element_type=_f32)
        h1 = jnp.maximum(h1 + b1_ref[...], 0.0)
        h1_ref[...] = h1
        h1s_ref[pl.ds(0, _N), :] = h1 * d
        h1s_ref[pl.ds(_N, _NP - _N), :] = jnp.zeros((_NP - _N, _F), _f32)

    return pl.pallas_call(
        body,
        out_shape=(jax.ShapeDtypeStruct((_N, _F), _f32),
                   jax.ShapeDtypeStruct((_NP, _F), _f32)),
    )(p, xs, dinv, W1, b1)


def _tc_head(p, h1s, h1, dinv, batch2d,
             W2, b2, Wr, br, Wa1, ba1, Wa2, ba2, Wg, bg):

    def body(p_ref, h1s_ref, h1_ref, dinv_ref, b_ref,
             W2_ref, b2_ref, Wr_ref, br_ref, Wa1_ref, ba1_ref,
             Wa2_ref, ba2_ref, Wg_ref, bg_ref, emb_ref, logit_ref):
        d = dinv_ref[:, 0:1]
        agg = (p_ref[0, pl.ds(0, _N), :] + p_ref[1, pl.ds(0, _N), :]
               + h1s_ref[pl.ds(0, _N), :]) * d
        h2 = jnp.dot(agg, W2_ref[...], preferred_element_type=_f32) + b2_ref[...]
        h2 = h2 + jnp.dot(h1_ref[...], Wr_ref[...],
                          preferred_element_type=_f32) + br_ref[...]
        h2 = jnp.maximum(h2, 0.0)
        a = jnp.maximum(
            jnp.dot(h2, Wa1_ref[...], preferred_element_type=_f32) + ba1_ref[...],
            0.0)
        nw = jnp.dot(a, Wa2_ref[...], preferred_element_type=_f32) + ba2_ref[...]
        w = jax.nn.sigmoid(nw)
        wx = h2 * w
        gids = lax.broadcasted_iota(jnp.int32, (_N, _G), 1)
        oh = (b_ref[...] == gids).astype(_f32)
        dn = (((0,), (0,)), ((), ()))
        sums = lax.dot_general(oh, wx, dn, preferred_element_type=_f32)
        cnt = lax.dot_general(oh, jnp.ones((_N, 1), _f32), dn,
                              preferred_element_type=_f32)
        emb = sums / jnp.maximum(cnt, 1.0)
        emb_ref[...] = emb
        logit_ref[...] = jnp.dot(emb, Wg_ref[...],
                                 preferred_element_type=_f32) + bg_ref[...]

    return pl.pallas_call(
        body,
        out_shape=(jax.ShapeDtypeStruct((_G, 256), _f32),
                   jax.ShapeDtypeStruct((_G, 16), _f32)),
    )(p, h1s, h1, dinv, batch2d,
      W2, b2, Wr, br, Wa1, ba1, Wa2, ba2, Wg, bg)


def kernel(x, edge_index, batch, W1, b1, W2, b2, Wr, br,
           Wa1, ba1, Wa2, ba2, Wg, bg):
    nw = _NC * _NS
    padw = (_EP - _E) // nw
    real = (edge_index[0] | (edge_index[1] << 16)).reshape(nw, _E // nw)
    pad_dst_a = jnp.arange(nw * padw, dtype=jnp.int32).reshape(nw, padw)
    pad_a = _N | (pad_dst_a << 16)
    packed_a = jnp.concatenate([real, pad_a], axis=1).reshape(_NC, _NS, _NCH, _K)
    pad_dst_d = _N + (jnp.arange(padw, dtype=jnp.int32) % (_NP - _N))
    pad_d = jnp.broadcast_to(pad_dst_d << 16, (nw, padw))
    packed_d = jnp.concatenate([real, pad_d], axis=1).reshape(_NC, _NS, _NCH, _K)

    degp = _sc_degree(packed_d)
    dinv, xs = _tc_prepare(degp, x)
    p1 = _sc_aggregate(xs, packed_a)
    h1, h1s = _tc_conv1(p1, xs, dinv, W1, b1.reshape(1, -1))
    p2 = _sc_aggregate(h1s, packed_a)
    emb, logits = _tc_head(
        p2, h1s, h1, dinv, batch.reshape(-1, 1),
        W2, b2.reshape(1, -1), Wr, br.reshape(1, -1),
        Wa1, ba1.reshape(1, -1), Wa2, ba2.reshape(1, -1),
        Wg, bg.reshape(1, -1))
    return emb, logits

# --- scband reference (transcript-rebuilt; emitter-appended) ---
"""Pipeline reference for scband-hierarchical-malware-gnn-39058432590506 (READ-ONLY COPY).

The authoritative reference and input builder live on the scoring server;
editing this copy changes nothing except your own understanding.
"""

import jax, jax.numpy as jnp
import numpy as np

N = 10000
E = 320000
F_IN = 128
H = 128
D = 256
G = 64
NUM_GROUPS = 16


def setup_inputs(seed: int = 0) -> dict:
    key = jax.random.key(seed)
    ks = jax.random.split(key, 16)
    s = 0.05
    x = jax.random.normal(ks[0], (N, F_IN), dtype=jnp.float32)
    edge_index = jax.random.randint(ks[1], (2, E), 0, N, dtype=jnp.int32)
    batch = jnp.sort(jax.random.randint(ks[2], (N,), 0, G, dtype=jnp.int32))
    W1 = jax.random.normal(ks[3], (F_IN, H), dtype=jnp.float32) * s
    b1 = jnp.zeros((H,), dtype=jnp.float32)
    W2 = jax.random.normal(ks[4], (H, D), dtype=jnp.float32) * s
    b2 = jnp.zeros((D,), dtype=jnp.float32)
    Wr = jax.random.normal(ks[5], (H, D), dtype=jnp.float32) * s
    br = jnp.zeros((D,), dtype=jnp.float32)
    Wa1 = jax.random.normal(ks[6], (D, 64), dtype=jnp.float32) * s
    ba1 = jnp.zeros((64,), dtype=jnp.float32)
    Wa2 = jax.random.normal(ks[7], (64, 1), dtype=jnp.float32) * s
    ba2 = jnp.zeros((1,), dtype=jnp.float32)
    Wg = jax.random.normal(ks[8], (D, NUM_GROUPS), dtype=jnp.float32) * s
    bg = jnp.zeros((NUM_GROUPS,), dtype=jnp.float32)
    return {"x": x, "edge_index": edge_index, "batch": batch,
            "W1": W1, "b1": b1, "W2": W2, "b2": b2, "Wr": Wr, "br": br,
            "Wa1": Wa1, "ba1": ba1, "Wa2": Wa2, "ba2": ba2, "Wg": Wg, "bg": bg}


def _gcn_conv(x, edge_index, W, b):
    # GCNConv: linear transform, add self-loops, symmetric normalization, scatter-add aggregate
    loop = jnp.arange(N, dtype=edge_index.dtype)
    src = jnp.concatenate([edge_index[0], loop])
    dst = jnp.concatenate([edge_index[1], loop])
    h = x @ W
    deg = jax.ops.segment_sum(jnp.ones_like(dst, dtype=x.dtype), dst, num_segments=N)
    dinv = jnp.where(deg > 0, deg ** -0.5, 0.0)
    norm = dinv[src] * dinv[dst]
    msg = h[src] * norm[:, None]
    out = jax.ops.segment_sum(msg, dst, num_segments=N)
    return out + b


def reference(x, edge_index, batch, W1, b1, W2, b2, Wr, br, Wa1, ba1, Wa2, ba2, Wg, bg):
    # conv1 + ReLU (dropout is identity in eval mode)
    h1 = jax.nn.relu(_gcn_conv(x, edge_index, W1, b1))
    # conv2 + residual projection + ReLU
    h2 = _gcn_conv(h1, edge_index, W2, b2)
    h2 = h2 + (h1 @ Wr + br)
    h2 = jax.nn.relu(h2)
    # attention MLP -> node weights
    a = jax.nn.relu(h2 @ Wa1 + ba1)
    node_weights = a @ Wa2 + ba2  # [N, 1]
    w = jax.nn.sigmoid(node_weights)
    weighted_x = h2 * w
    # global mean pool per graph
    sums = jax.ops.segment_sum(weighted_x, batch, num_segments=G)
    cnt = jax.ops.segment_sum(jnp.ones((N,), dtype=x.dtype), batch, num_segments=G)
    embeddings = sums / jnp.maximum(cnt, 1.0)[:, None]
    group_logits = embeddings @ Wg + bg
    # family_classifiers ModuleDict is empty at init -> family_logits == {}
    return embeddings, group_logits

if __name__ == "__main__":
    import jax
    _d = setup_inputs()
    print(jax.jit(kernel)(*tuple(_d.values())))

</pallas_src>

<mosaic_0001>
#map = affine_map<(d0, d1) -> (0, 0, 0, 0)>
#map1 = affine_map<(d0, d1) -> (0, 0, 0)>
module attributes {stable_mosaic.version = 14 : i64} {
  func.func @deg_kernel(%arg0: i32, %arg1: i32, %arg2: memref<2x16x80x128xi32, #tpu.memory_space<hbm>>, %arg3: memref<2x10112x16xf32, #tpu.memory_space<hbm>>, %arg4: memref<80x128xi32, #tpu.memory_space<vmem>>, %arg5: memref<128xi32, #tpu.memory_space<vmem>>, %arg6: memref<128xi32, #tpu.memory_space<vmem>>, %arg7: memref<128x16xf32, #tpu.memory_space<vmem>>, %arg8: memref<8x16xf32, #tpu.memory_space<vmem>>, %arg9: memref<10112x16xf32, #tpu.memory_space<vmem_shared>>) attributes {dimension_semantics = [#tpu.dimension_semantics<core_parallel>, #tpu.dimension_semantics<subcore_parallel>], iteration_bounds = array<i64: 2, 16>, scalar_prefetch = 0 : i64, scratch_operands = 6 : i64, tpu.core_type = #tpu.core_type<sc_vector_subcore>, window_params = [{transform_indices = #map}, {transform_indices = #map1}]} {
    %broadcast_in_dim3A = arith.constant 0.000000e+00 : f32
    %broadcast_in_dim3A_0 = vector.broadcast %broadcast_in_dim3A : f32 to vector<16xf32>
    %scan3A = arith.constant 0 : i32
    %scan3A_1 = arith.constant 0 : i32
    %scan3A_2 = arith.constant 8 : i32
    %scan3A_3 = arith.addi %scan3A_1, %scan3A_2 : i32
    %scan3A_4 = arith.constant 1 : i32
    %scan3A_5 = scf.for %scan3A_34 = %scan3A_1 to %scan3A_3 step %scan3A_4 iter_args(%scan3A_35 = %scan3A) -> (i32)  : i32 {
      %swap3A = arith.index_cast %scan3A_34 : i32 to index
      %swap3A_36 = arith.constant 0 : index
      %swap3A_37 = tpu.vector_load %arg8[%swap3A, %swap3A_36] {strides = array<i32>} : memref<8x16xf32, #tpu.memory_space<vmem>>, vector<1x16xf32>,
      %swap3A_38 = vector.shape_cast %swap3A_37 : vector<1x16xf32> to vector<16xf32>
      %swap3A_39 = vector.shape_cast %broadcast_in_dim3A_0 : vector<16xf32> to vector<1x16xf32>
      tpu.vector_store %arg8[%swap3A, %swap3A_36], %swap3A_39 {strides = array<i32>} : memref<8x16xf32, #tpu.memory_space<vmem>>, vector<1x16xf32>,
      %scan3A_40 = arith.constant 0 : i32
      scf.yield %scan3A_40 : i32
    }
    %scan3A_6 = arith.constant 8 : i32
    %broadcast_in_dim3A_7 = arith.constant 1.000000e+00 : f32
    %broadcast_in_dim3A_8 = vector.broadcast %broadcast_in_dim3A_7 : f32 to vector<16xf32>
    %scan3A_9 = arith.constant 0 : i32
    %scan3A_10 = arith.constant 0 : i32
    %scan3A_11 = arith.constant 128 : i32
    %scan3A_12 = arith.addi %scan3A_10, %scan3A_11 : i32
    %scan3A_13 = arith.constant 1 : i32
    %scan3A_14 = scf.for %scan3A_34 = %scan3A_10 to %scan3A_12 step %scan3A_13 iter_args(%scan3A_35 = %scan3A_9) -> (i32)  : i32 {
      %swap3A = arith.index_cast %scan3A_34 : i32 to index
      %swap3A_36 = arith.constant 0 : index
      %swap3A_37 = tpu.vector_load %arg7[%swap3A, %swap3A_36] {strides = array<i32>} : memref<128x16xf32, #tpu.memory_space<vmem>>, vector<1x16xf32>,
      %swap3A_38 = vector.shape_cast %swap3A_37 : vector<1x16xf32> to vector<16xf32>
      %swap3A_39 = vector.shape_cast %broadcast_in_dim3A_8 : vector<16xf32> to vector<1x16xf32>
      tpu.vector_store %arg7[%swap3A, %swap3A_36], %swap3A_39 {strides = array<i32>} : memref<128x16xf32, #tpu.memory_space<vmem>>, vector<1x16xf32>,
      %scan3A_40 = arith.constant 0 : i32
      scf.yield %scan3A_40 : i32
    }
    %scan3A_15 = arith.constant 128 : i32
    %scan3A_16 = arith.constant 0 : i32
    %scan3A_17 = arith.constant 0 : i32
    %scan3A_18 = arith.constant 79 : i32
    %scan3A_19 = arith.addi %scan3A_17, %scan3A_18 : i32
    %scan3A_20 = arith.constant 1 : i32
    %scan3A_21 = scf.for %scan3A_34 = %scan3A_17 to %scan3A_19 step %scan3A_20 iter_args(%scan3A_35 = %scan3A_16) -> (i32)  : i32 {
      %mul3A_36 = arith.constant 632 : i32
      %mul3A_37 = arith.muli %arg1, %mul3A_36 : i32
      %mul3A_38 = arith.constant 8 : i32
      %mul3A_39 = arith.muli %scan3A_34, %mul3A_38 : i32
      %add3A = arith.addi %mul3A_37, %mul3A_39 : i32
      "tpu.region"() ({
        %run_scoped3A = tpu.sem_alloc : memref<!tpu.dma_semaphore, #tpu.memory_space<semaphore_mem>>
        %dma_start3A = arith.constant 0 : i32
        %dma_start3A_41 = tpu.memref_slice %arg9[%add3A, %dma_start3A] : memref<10112x16xf32, #tpu.memory_space<vmem_shared>> -> memref<8x16xf32, #tpu.memory_space<vmem_shared>>
        %dma_start3A_42 = arith.constant 0 : i32
        %dma_start3A_43 = tpu.memref_slice %arg9[%add3A, %dma_start3A_42] : memref<10112x16xf32, #tpu.memory_space<vmem_shared>> -> memref<8x16xf32, #tpu.memory_space<vmem_shared>>
        tpu.enqueue_dma source(%arg8 : memref<8x16xf32, #tpu.memory_space<vmem>>) target(%dma_start3A_43 : memref<8x16xf32, #tpu.memory_space<vmem_shared>>) target_semaphore(%run_scoped3A : memref<!tpu.dma_semaphore, #tpu.memory_space<semaphore_mem>>)
        %dma_wait3A = arith.constant 0 : i32
        %dma_wait3A_44 = tpu.memref_slice %arg9[%add3A, %dma_wait3A] : memref<10112x16xf32, #tpu.memory_space<vmem_shared>> -> memref<8x16xf32, #tpu.memory_space<vmem_shared>>
        %dma_wait3A_45 = arith.constant 0 : i32
        %dma_wait3A_46 = tpu.memref_slice %arg9[%add3A, %dma_wait3A_45] : memref<10112x16xf32, #tpu.memory_space<vmem_shared>> -> memref<8x16xf32, #tpu.memory_space<vmem_shared>>
        tpu.wait_dma2 semaphore(%run_scoped3A : memref<!tpu.dma_semaphore, #tpu.memory_space<semaphore_mem>>) src(%arg8 : memref<8x16xf32, #tpu.memory_space<vmem>>) dst(%dma_wait3A_46 : memref<8x16xf32, #tpu.memory_space<vmem_shared>>)
        tpu.yield
      }) : () -> ()
      %scan3A_40 = arith.constant 0 : i32
      scf.yield %scan3A_40 : i32
    }
    %scan3A_22 = arith.constant 79 : i32
    "tpu.region"() ({
      %run_scoped3A = tpu.sem_alloc : memref<!tpu.dma_semaphore, #tpu.memory_space<semaphore_mem>>
      %dma_start3A = arith.constant 0 : i32
      %dma_start3A_34 = arith.constant 0 : i32
      %dma_start3A_35 = tpu.memref_slice %arg2[%arg0, %arg1, %dma_start3A, %dma_start3A_34] : memref<2x16x80x128xi32, #tpu.memory_space<hbm>> -> memref<1x1x80x128xi32, #tpu.memory_space<hbm>>
      %dma_start3A_36 = tpu.memref_squeeze %dma_start3A_35 : memref<1x1x80x128xi32, #tpu.memory_space<hbm>> -> memref<80x128xi32, #tpu.memory_space<hbm>>
      %dma_start3A_37 = arith.constant 0 : i32
      %dma_start3A_38 = arith.constant 0 : i32
      %dma_start3A_39 = tpu.memref_slice %arg2[%arg0, %arg1, %dma_start3A_37, %dma_start3A_38] : memref<2x16x80x128xi32, #tpu.memory_space<hbm>> -> memref<1x1x80x128xi32, #tpu.memory_space<hbm>>
      %dma_start3A_40 = tpu.memref_squeeze %dma_start3A_39 : memref<1x1x80x128xi32, #tpu.memory_space<hbm>> -> memref<80x128xi32, #tpu.memory_space<hbm>>
      tpu.enqueue_dma source(%dma_start3A_40 : memref<80x128xi32, #tpu.memory_space<hbm>>) target(%arg4 : memref<80x128xi32, #tpu.memory_space<vmem>>) target_semaphore(%run_scoped3A : memref<!tpu.dma_semaphore, #tpu.memory_space<semaphore_mem>>)
      %dma_wait3A = arith.constant 0 : i32
      %dma_wait3A_41 = arith.constant 0 : i32
      %dma_wait3A_42 = tpu.memref_slice %arg2[%arg0, %arg1, %dma_wait3A, %dma_wait3A_41] : memref<2x16x80x128xi32, #tpu.memory_space<hbm>> -> memref<1x1x80x128xi32, #tpu.memory_space<hbm>>
      %dma_wait3A_43 = tpu.memref_squeeze %dma_wait3A_42 : memref<1x1x80x128xi32, #tpu.memory_space<hbm>> -> memref<80x128xi32, #tpu.memory_space<hbm>>
      %dma_wait3A_44 = arith.constant 0 : i32
      %dma_wait3A_45 = arith.constant 0 : i32
      %dma_wait3A_46 = tpu.memref_slice %arg2[%arg0, %arg1, %dma_wait3A_44, %dma_wait3A_45] : memref<2x16x80x128xi32, #tpu.memory_space<hbm>> -> memref<1x1x80x128xi32, #tpu.memory_space<hbm>>
      %dma_wait3A_47 = tpu.memref_squeeze %dma_wait3A_46 : memref<1x1x80x128xi32, #tpu.memory_space<hbm>> -> memref<80x128xi32, #tpu.memory_space<hbm>>
      tpu.wait_dma2 semaphore(%run_scoped3A : memref<!tpu.dma_semaphore, #tpu.memory_space<semaphore_mem>>) src(%dma_wait3A_47 : memref<80x128xi32, #tpu.memory_space<hbm>>) dst(%arg4 : memref<80x128xi32, #tpu.memory_space<vmem>>)
      tpu.yield
    }) : () -> ()
    %barrier3A = arith.constant 0 : index
    tpu.barrier barrier_id(%barrier3A)
    %scan3A_23 = arith.constant 0 : i32
    %scan3A_24 = arith.constant 0 : i32
    %scan3A_25 = arith.constant 80 : i32
    %scan3A_26 = arith.addi %scan3A_24, %scan3A_25 : i32
    %scan3A_27 = arith.constant 1 : i32
    %scan3A_28 = scf.for %scan3A_34 = %scan3A_24 to %scan3A_26 step %scan3A_27 iter_args(%scan3A_35 = %scan3A_23) -> (i32)  : i32 {
      %get3A = arith.index_cast %scan3A_34 : i32 to index
      %get3A_36 = arith.constant 0 : index
      %get3A_37 = tpu.vector_load %arg4[%get3A, %get3A_36] {strides = array<i32>} : memref<80x128xi32, #tpu.memory_space<vmem>>, vector<1x16xi32>,
      %get3A_38 = vector.shape_cast %get3A_37 : vector<1x16xi32> to vector<16xi32>
      %and3A = arith.constant 65535 : i32
      %and3A_39 = vector.broadcast %and3A : i32 to vector<16xi32>
      %and3A_40 = arith.andi %get3A_38, %and3A_39 : vector<16xi32>
      %swap3A = arith.constant 0 : index
      %swap3A_41 = tpu.vector_load %arg5[%swap3A] {strides = array<i32>} : memref<128xi32, #tpu.memory_space<vmem>>, vector<16xi32>,
      %swap3A_42 = vector.shape_cast %swap3A_41 : vector<16xi32> to vector<16xi32>
      %swap3A_43 = vector.shape_cast %and3A_40 : vector<16xi32> to vector<16xi32>
      tpu.vector_store %arg5[%swap3A], %swap3A_43 {strides = array<i32>} : memref<128xi32, #tpu.memory_space<vmem>>, vector<16xi32>,
      %shift_right_logical3A = arith.constant 16 : i32
      %shift_right_logical3A_44 = vector.broadcast %shift_right_logical3A : i32 to vector<16xi32>
      %shift_right_logical3A_45 = arith.shrui %get3A_38, %shift_right_logical3A_44 : vector<16xi32>
      %swap3A_46 = arith.constant 0 : index
      %swap3A_47 = tpu.vector_load %arg6[%swap3A_46] {strides = array<i32>} : memref<128xi32, #tpu.memory_space<vmem>>, vector<16xi32>,
      %swap3A_48 = vector.shape_cast %swap3A_47 : vector<16xi32> to vector<16xi32>
      %swap3A_49 = vector.shape_cast %shift_right_logical3A_45 : vector<16xi32> to vector<16xi32>
      tpu.vector_store %arg6[%swap3A_46], %swap3A_49 {strides = array<i32>} : memref<128xi32, #tpu.memory_space<vmem>>, vector<16xi32>,
      %get3A_50 = arith.index_cast %scan3A_34 : i32 to index
      %get3A_51 = arith.constant 16 : index
      %get3A_52 = tpu.vector_load %arg4[%get3A_50, %get3A_51] {strides = array<i32>} : memref<80x128xi32, #tpu.memory_space<vmem>>, vector<1x16xi32>,
      %get3A_53 = vector.shape_cast %get3A_52 : vector<1x16xi32> to vector<16xi32>
      %and3A_54 = arith.constant 65535 : i32
      %and3A_55 = vector.broadcast %and3A_54 : i32 to vector<16xi32>
      %and3A_56 = arith.andi %get3A_53, %and3A_55 : vector<16xi32>
      %swap3A_57 = arith.constant 16 : index
      %swap3A_58 = tpu.vector_load %arg5[%swap3A_57] {strides = array<i32>} : memref<128xi32, #tpu.memory_space<vmem>>, vector<16xi32>,
      %swap3A_59 = vector.shape_cast %swap3A_58 : vector<16xi32> to vector<16xi32>
      %swap3A_60 = vector.shape_cast %and3A_56 : vector<16xi32> to vector<16xi32>
      tpu.vector_store %arg5[%swap3A_57], %swap3A_60 {strides = array<i32>} : memref<128xi32, #tpu.memory_space<vmem>>, vector<16xi32>,
      %shift_right_logical3A_61 = arith.constant 16 : i32
      %shift_right_logical3A_62 = vector.broadcast %shift_right_logical3A_61 : i32 to vector<16xi32>
      %shift_right_logical3A_63 = arith.shrui %get3A_53, %shift_right_logical3A_62 : vector<16xi32>
      %swap3A_64 = arith.constant 16 : index
      %swap3A_65 = tpu.vector_load %arg6[%swap3A_64] {strides = array<i32>} : memref<128xi32, #tpu.memory_space<vmem>>, vector<16xi32>,
      %swap3A_66 = vector.shape_cast %swap3A_65 : vector<16xi32> to vector<16xi32>
      %swap3A_67 = vector.shape_cast %shift_right_logical3A_63 : vector<16xi32> to vector<16xi32>
      tpu.vector_store %arg6[%swap3A_64], %swap3A_67 {strides = array<i32>} : memref<128xi32, #tpu.memory_space<vmem>>, vector<16xi32>,
      %get3A_68 = arith.index_cast %scan3A_34 : i32 to index
      %get3A_69 = arith.constant 32 : index
      %get3A_70 = tpu.vector_load %arg4[%get3A_68, %get3A_69] {strides = array<i32>} : memref<80x128xi32, #tpu.memory_space<vmem>>, vector<1x16xi32>,
      %get3A_71 = vector.shape_cast %get3A_70 : vector<1x16xi32> to vector<16xi32>
      %and3A_72 = arith.constant 65535 : i32
      %and3A_73 = vector.broadcast %and3A_72 : i32 to vector<16xi32>
      %and3A_74 = arith.andi %get3A_71, %and3A_73 : vector<16xi32>
      %swap3A_75 = arith.constant 32 : index
      %swap3A_76 = tpu.vector_load %arg5[%swap3A_75] {strides = array<i32>} : memref<128xi32, #tpu.memory_space<vmem>>, vector<16xi32>,
      %swap3A_77 = vector.shape_cast %swap3A_76 : vector<16xi32> to vector<16xi32>
      %swap3A_78 = vector.shape_cast %and3A_74 : vector<16xi32> to vector<16xi32>
      tpu.vector_store %arg5[%swap3A_75], %swap3A_78 {strides = array<i32>} : memref<128xi32, #tpu.memory_space<vmem>>, vector<16xi32>,
      %shift_right_logical3A_79 = arith.constant 16 : i32
      %shift_right_logical3A_80 = vector.broadcast %shift_right_logical3A_79 : i32 to vector<16xi32>
      %shift_right_logical3A_81 = arith.shrui %get3A_71, %shift_right_logical3A_80 : vector<16xi32>
      %swap3A_82 = arith.constant 32 : index
      %swap3A_83 = tpu.vector_load %arg6[%swap3A_82] {strides = array<i32>} : memref<128xi32, #tpu.memory_space<vmem>>, vector<16xi32>,
      %swap3A_84 = vector.shape_cast %swap3A_83 : vector<16xi32> to vector<16xi32>
      %swap3A_85 = vector.shape_cast %shift_right_logical3A_81 : vector<16xi32> to vector<16xi32>
      tpu.vector_store %arg6[%swap3A_82], %swap3A_85 {strides = array<i32>} : memref<128xi32, #tpu.memory_space<vmem>>, vector<16xi32>,
      %get3A_86 = arith.index_cast %scan3A_34 : i32 to index
      %get3A_87 = arith.constant 48 : index
      %get3A_88 = tpu.vector_load %arg4[%get3A_86, %get3A_87] {strides = array<i32>} : memref<80x128xi32, #tpu.memory_space<vmem>>, vector<1x16xi32>,
      %get3A_89 = vector.shape_cast %get3A_88 : vector<1x16xi32> to vector<16xi32>
      %and3A_90 = arith.constant 65535 : i32
      %and3A_91 = vector.broadcast %and3A_90 : i32 to vector<16xi32>
      %and3A_92 = arith.andi %get3A_89, %and3A_91 : vector<16xi32>
      %swap3A_93 = arith.constant 48 : index
      %swap3A_94 = tpu.vector_load %arg5[%swap3A_93] {strides = array<i32>} : memref<128xi32, #tpu.memory_space<vmem>>, vector<16xi32>,
      %swap3A_95 = vector.shape_cast %swap3A_94 : vector<16xi32> to vector<16xi32>
      %swap3A_96 = vector.shape_cast %and3A_92 : vector<16xi32> to vector<16xi32>
      tpu.vector_store %arg5[%swap3A_93], %swap3A_96 {strides = array<i32>} : memref<128xi32, #tpu.memory_space<vmem>>, vector<16xi32>,
      %shift_right_logical3A_97 = arith.constant 16 : i32
      %shift_right_logical3A_98 = vector.broadcast %shift_right_logical3A_97 : i32 to vector<16xi32>
      %shift_right_logical3A_99 = arith.shrui %get3A_89, %shift_right_logical3A_98 : vector<16xi32>
      %swap3A_100 = arith.constant 48 : index
      %swap3A_101 = tpu.vector_load %arg6[%swap3A_100] {strides = array<i32>} : memref<128xi32, #tpu.memory_space<vmem>>, vector<16xi32>,
      %swap3A_102 = vector.shape_cast %swap3A_101 : vector<16xi32> to vector<16xi32>
      %swap3A_103 = vector.shape_cast %shift_right_logical3A_99 : vector<16xi32> to vector<16xi32>
      tpu.vector_store %arg6[%swap3A_100], %swap3A_103 {strides = array<i32>} : memref<128xi32, #tpu.memory_space<vmem>>, vector<16xi32>,
      %get3A_104 = arith.index_cast %scan3A_34 : i32 to index
      %get3A_105 = arith.constant 64 : index
      %get3A_106 = tpu.vector_load %arg4[%get3A_104, %get3A_105] {strides = array<i32>} : memref<80x128xi32, #tpu.memory_space<vmem>>, vector<1x16xi32>,
      %get3A_107 = vector.shape_cast %get3A_106 : vector<1x16xi32> to vector<16xi32>
      %and3A_108 = arith.constant 65535 : i32
      %and3A_109 = vector.broadcast %and3A_108 : i32 to vector<16xi32>
      %and3A_110 = arith.andi %get3A_107, %and3A_109 : vector<16xi32>
      %swap3A_111 = arith.constant 64 : index
      %swap3A_112 = tpu.vector_load %arg5[%swap3A_111] {strides = array<i32>} : memref<128xi32, #tpu.memory_space<vmem>>, vector<16xi32>,
      %swap3A_113 = vector.shape_cast %swap3A_112 : vector<16xi32> to vector<16xi32>
      %swap3A_114 = vector.shape_cast %and3A_110 : vector<16xi32> to vector<16xi32>
      tpu.vector_store %arg5[%swap3A_111], %swap3A_114 {strides = array<i32>} : memref<128xi32, #tpu.memory_space<vmem>>, vector<16xi32>,
      %shift_right_logical3A_115 = arith.constant 16 : i32
      %shift_right_logical3A_116 = vector.broadcast %shift_right_logical3A_115 : i32 to vector<16xi32>
      %shift_right_logical3A_117 = arith.shrui %get3A_107, %shift_right_logical3A_116 : vector<16xi32>
      %swap3A_118 = arith.constant 64 : index
      %swap3A_119 = tpu.vector_load %arg6[%swap3A_118] {strides = array<i32>} : memref<128xi32, #tpu.memory_space<vmem>>, vector<16xi32>,
      %swap3A_120 = vector.shape_cast %swap3A_119 : vector<16xi32> to vector<16xi32>
      %swap3A_121 = vector.shape_cast %shift_right_logical3A_117 : vector<16xi32> to vector<16xi32>
      tpu.vector_store %arg6[%swap3A_118], %swap3A_121 {strides = array<i32>} : memref<128xi32, #tpu.memory_space<vmem>>, vector<16xi32>,
      %get3A_122 = arith.index_cast %scan3A_34 : i32 to index
      %get3A_123 = arith.constant 80 : index
      %get3A_124 = tpu.vector_load %arg4[%get3A_122, %get3A_123] {strides = array<i32>} : memref<80x128xi32, #tpu.memory_space<vmem>>, vector<1x16xi32>,
      %get3A_125 = vector.shape_cast %get3A_124 : vector<1x16xi32> to vector<16xi32>
      %and3A_126 = arith.constant 65535 : i32
      %and3A_127 = vector.broadcast %and3A_126 : i32 to vector<16xi32>
      %and3A_128 = arith.andi %get3A_125, %and3A_127 : vector<16xi32>
      %swap3A_129 = arith.constant 80 : index
      %swap3A_130 = tpu.vector_load %arg5[%swap3A_129] {strides = array<i32>} : memref<128xi32, #tpu.memory_space<vmem>>, vector<16xi32>,
      %swap3A_131 = vector.shape_cast %swap3A_130 : vector<16xi32> to vector<16xi32>
      %swap3A_132 = vector.shape_cast %and3A_128 : vector<16xi32> to vector<16xi32>
      tpu.vector_store %arg5[%swap3A_129], %swap3A_132 {strides = array<i32>} : memref<128xi32, #tpu.memory_space<vmem>>, vector<16xi32>,
      %shift_right_logical3A_133 = arith.constant 16 : i32
      %shift_right_logical3A_134 = vector.broadcast %shift_right_logical3A_133 : i32 to vector<16xi32>
      %shift_right_logical3A_135 = arith.shrui %get3A_125, %shift_right_logical3A_134 : vector<16xi32>
      %swap3A_136 = arith.constant 80 : index
      %swap3A_137 = tpu.vector_load %arg6[%swap3A_136] {strides = array<i32>} : memref<128xi32, #tpu.memory_space<vmem>>, vector<16xi32>,
      %swap3A_138 = vector.shape_cast %swap3A_137 : vector<16xi32> to vector<16xi32>
      %swap3A_139 = vector.shape_cast %shift_right_logical3A_135 : vector<16xi32> to vector<16xi32>
      tpu.vector_store %arg6[%swap3A_136], %swap3A_139 {strides = array<i32>} : memref<128xi32, #tpu.memory_space<vmem>>, vector<16xi32>,
      %get3A_140 = arith.index_cast %scan3A_34 : i32 to index
      %get3A_141 = arith.constant 96 : index
      %get3A_142 = tpu.vector_load %arg4[%get3A_140, %get3A_141] {strides = array<i32>} : memref<80x128xi32, #tpu.memory_space<vmem>>, vector<1x16xi32>,
      %get3A_143 = vector.shape_cast %get3A_142 : vector<1x16xi32> to vector<16xi32>
      %and3A_144 = arith.constant 65535 : i32
      %and3A_145 = vector.broadcast %and3A_144 : i32 to vector<16xi32>
      %and3A_146 = arith.andi %get3A_143, %and3A_145 : vector<16xi32>
      %swap3A_147 = arith.constant 96 : index
      %swap3A_148 = tpu.vector_load %arg5[%swap3A_147] {strides = array<i32>} : memref<128xi32, #tpu.memory_space<vmem>>, vector<16xi32>,
      %swap3A_149 = vector.shape_cast %swap3A_148 : vector<16xi32> to vector<16xi32>
      %swap3A_150 = vector.shape_cast %and3A_146 : vector<16xi32> to vector<16xi32>
      tpu.vector_store %arg5[%swap3A_147], %swap3A_150 {strides = array<i32>} : memref<128xi32, #tpu.memory_space<vmem>>, vector<16xi32>,
      %shift_right_logical3A_151 = arith.constant 16 : i32
      %shift_right_logical3A_152 = vector.broadcast %shift_right_logical3A_151 : i32 to vector<16xi32>
      %shift_right_logical3A_153 = arith.shrui %get3A_143, %shift_right_logical3A_152 : vector<16xi32>
      %swap3A_154 = arith.constant 96 : index
      %swap3A_155 = tpu.vector_load %arg6[%swap3A_154] {strides = array<i32>} : memref<128xi32, #tpu.memory_space<vmem>>, vector<16xi32>,
      %swap3A_156 = vector.shape_cast %swap3A_155 : vector<16xi32> to vector<16xi32>
      %swap3A_157 = vector.shape_cast %shift_right_logical3A_153 : vector<16xi32> to vector<16xi32>
      tpu.vector_store %arg6[%swap3A_154], %swap3A_157 {strides = array<i32>} : memref<128xi32, #tpu.memory_space<vmem>>, vector<16xi32>,
      %get3A_158 = arith.index_cast %scan3A_34 : i32 to index
      %get3A_159 = arith.constant 112 : index
      %get3A_160 = tpu.vector_load %arg4[%get3A_158, %get3A_159] {strides = array<i32>} : memref<80x128xi32, #tpu.memory_space<vmem>>, vector<1x16xi32>,
      %get3A_161 = vector.shape_cast %get3A_160 : vector<1x16xi32> to vector<16xi32>
      %and3A_162 = arith.constant 65535 : i32
      %and3A_163 = vector.broadcast %and3A_162 : i32 to vector<16xi32>
      %and3A_164 = arith.andi %get3A_161, %and3A_163 : vector<16xi32>
      %swap3A_165 = arith.constant 112 : index
      %swap3A_166 = tpu.vector_load %arg5[%swap3A_165] {strides = array<i32>} : memref<128xi32, #tpu.memory_space<vmem>>, vector<16xi32>,
      %swap3A_167 = vector.shape_cast %swap3A_166 : vector<16xi32> to vector<16xi32>
      %swap3A_168 = vector.shape_cast %and3A_164 : vector<16xi32> to vector<16xi32>
      tpu.vector_store %arg5[%swap3A_165], %swap3A_168 {strides = array<i32>} : memref<128xi32, #tpu.memory_space<vmem>>, vector<16xi32>,
      %shift_right_logical3A_169 = arith.constant 16 : i32
      %shift_right_logical3A_170 = vector.broadcast %shift_right_logical3A_169 : i32 to vector<16xi32>
      %shift_right_logical3A_171 = arith.shrui %get3A_161, %shift_right_logical3A_170 : vector<16xi32>
      %swap3A_172 = arith.constant 112 : index
      %swap3A_173 = tpu.vector_load %arg6[%swap3A_172] {strides = array<i32>} : memref<128xi32, #tpu.memory_space<vmem>>, vector<16xi32>,
      %swap3A_174 = vector.shape_cast %swap3A_173 : vector<16xi32> to vector<16xi32>
      %swap3A_175 = vector.shape_cast %shift_right_logical3A_171 : vector<16xi32> to vector<16xi32>
      tpu.vector_store %arg6[%swap3A_172], %swap3A_175 {strides = array<i32>} : memref<128xi32, #tpu.memory_space<vmem>>, vector<16xi32>,
      "tpu.region"() ({
        %run_scoped3A = tpu.sem_alloc : memref<!tpu.dma_semaphore, #tpu.memory_space<semaphore_mem>>
        %dma_start3A = arith.constant 0 : i32
        %dma_start3A_177 = arith.constant 0 : i32
        %dma_start3A_178 = tpu.memref_slice %arg9[%dma_start3A, %dma_start3A_177] : memref<10112x16xf32, #tpu.memory_space<vmem_shared>> -> memref<10112x16xf32, #tpu.memory_space<vmem_shared>>
        tpu.enqueue_indirect_dma source(%arg7 : memref<128x16xf32, #tpu.memory_space<vmem>>) target(%dma_start3A_178 : memref<10112x16xf32, #tpu.memory_space<vmem_shared>>) offsets(%arg6 : memref<128xi32, #tpu.memory_space<vmem>>) semaphore(%run_scoped3A : memref<!tpu.dma_semaphore, #tpu.memory_space<semaphore_mem>>) {add = true}
        %dma_wait3A = arith.constant 0 : i32
        %dma_wait3A_179 = arith.constant 0 : i32
        %dma_wait3A_180 = tpu.memref_slice %arg9[%dma_wait3A, %dma_wait3A_179] : memref<10112x16xf32, #tpu.memory_space<vmem_shared>> -> memref<10112x16xf32, #tpu.memory_space<vmem_shared>>
        tpu.wait_indirect_dma semaphore(%run_scoped3A : memref<!tpu.dma_semaphore, #tpu.memory_space<semaphore_mem>>) src(%arg7 : memref<128x16xf32, #tpu.memory_space<vmem>>) dst(%dma_wait3A_180 : memref<10112x16xf32, #tpu.memory_space<vmem_shared>>)
        tpu.yield
      }) : () -> ()
      %scan3A_176 = arith.constant 0 : i32
      scf.yield %scan3A_176 : i32
    }
    %scan3A_29 = arith.constant 80 : i32
    %barrier3A_30 = arith.constant 0 : index
    tpu.barrier barrier_id(%barrier3A_30)
    %mul3A = arith.constant 632 : i32
    %mul3A_31 = arith.muli %arg1, %mul3A : i32
    %mul3A_32 = arith.constant 632 : i32
    %mul3A_33 = arith.muli %arg1, %mul3A_32 : i32
    "tpu.region"() ({
      %run_scoped3A = tpu.sem_alloc : memref<!tpu.dma_semaphore, #tpu.memory_space<semaphore_mem>>
      %dma_start3A = arith.constant 0 : i32
      %dma_start3A_34 = tpu.memref_slice %arg3[%arg0, %mul3A_33, %dma_start3A] : memref<2x10112x16xf32, #tpu.memory_space<hbm>> -> memref<1x632x16xf32, #tpu.memory_space<hbm>>
      %dma_start3A_35 = tpu.memref_squeeze %dma_start3A_34 : memref<1x632x16xf32, #tpu.memory_space<hbm>> -> memref<632x16xf32, #tpu.memory_space<hbm>>
      %dma_start3A_36 = arith.constant 0 : i32
      %dma_start3A_37 = tpu.memref_slice %arg9[%mul3A_31, %dma_start3A_36] : memref<10112x16xf32, #tpu.memory_space<vmem_shared>> -> memref<632x16xf32, #tpu.memory_space<vmem_shared>>
      tpu.enqueue_dma source(%dma_start3A_37 : memref<632x16xf32, #tpu.memory_space<vmem_shared>>) target(%dma_start3A_35 : memref<632x16xf32, #tpu.memory_space<hbm>>) target_semaphore(%run_scoped3A : memref<!tpu.dma_semaphore, #tpu.memory_space<semaphore_mem>>)
      %dma_wait3A = arith.constant 0 : i32
      %dma_wait3A_38 = tpu.memref_slice %arg3[%arg0, %mul3A_33, %dma_wait3A] : memref<2x10112x16xf32, #tpu.memory_space<hbm>> -> memref<1x632x16xf32, #tpu.memory_space<hbm>>
      %dma_wait3A_39 = tpu.memref_squeeze %dma_wait3A_38 : memref<1x632x16xf32, #tpu.memory_space<hbm>> -> memref<632x16xf32, #tpu.memory_space<hbm>>
      %dma_wait3A_40 = arith.constant 0 : i32
      %dma_wait3A_41 = tpu.memref_slice %arg9[%mul3A_31, %dma_wait3A_40] : memref<10112x16xf32, #tpu.memory_space<vmem_shared>> -> memref<632x16xf32, #tpu.memory_space<vmem_shared>>
      tpu.wait_dma2 semaphore(%run_scoped3A : memref<!tpu.dma_semaphore, #tpu.memory_space<semaphore_mem>>) src(%dma_wait3A_41 : memref<632x16xf32, #tpu.memory_space<vmem_shared>>) dst(%dma_wait3A_39 : memref<632x16xf32, #tpu.memory_space<hbm>>)
      tpu.yield
    }) : () -> ()
    return
  }
}

#map = affine_map<(d0, d1) -> (0, 0)>
#map1 = affine_map<(d0, d1) -> (0, 0, 0, 0)>
#map2 = affine_map<(d0, d1) -> (0, 0, 0)>
module attributes {stable_mosaic.version = 14 : i64} {
  func.func @agg_kernel(%arg0: i32, %arg1: i32, %arg2: memref<10112x128xf32, #tpu.memory_space<hbm>>, %arg3: memref<2x16x80x128xi32, #tpu.memory_space<hbm>>, %arg4: memref<2x10112x128xf32, #tpu.memory_space<hbm>>, %arg5: memref<80x128xi32, #tpu.memory_space<vmem>>, %arg6: memref<128xi32, #tpu.memory_space<vmem>>, %arg7: memref<128xi32, #tpu.memory_space<vmem>>, %arg8: memref<128xi32, #tpu.memory_space<vmem>>, %arg9: memref<128xi32, #tpu.memory_space<vmem>>, %arg10: memref<128x128xf32, #tpu.memory_space<vmem>>, %arg11: memref<128x128xf32, #tpu.memory_space<vmem>>, %arg12: memref<10112x128xf32, #tpu.memory_space<vmem_shared>>, %arg13: memref<!tpu.dma_semaphore, #tpu.memory_space<semaphore_mem>>, %arg14: memref<!tpu.dma_semaphore, #tpu.memory_space<semaphore_mem>>) attributes {dimension_semantics = [#tpu.dimension_semantics<core_parallel>, #tpu.dimension_semantics<subcore_parallel>], iteration_bounds = array<i64: 2, 16>, scalar_prefetch = 0 : i64, scratch_operands = 10 : i64, tpu.core_type = #tpu.core_type<sc_vector_subcore>, window_params = [{transform_indices = #map}, {transform_indices = #map1}, {transform_indices = #map2}]} {
    %broadcast_in_dim3A = arith.constant 0.000000e+00 : f32
    %broadcast_in_dim3A_0 = vector.broadcast %broadcast_in_dim3A : f32 to vector<16xf32>
    %scan3A = arith.constant 0 : i32
    %scan3A_1 = arith.constant 0 : i32
    %scan3A_2 = arith.constant 8 : i32
    %scan3A_3 = arith.addi %scan3A_1, %scan3A_2 : i32
    %scan3A_4 = arith.constant 1 : i32
    %scan3A_5 = scf.for %scan3A_335 = %scan3A_1 to %scan3A_3 step %scan3A_4 iter_args(%scan3A_336 = %scan3A) -> (i32)  : i32 {
      %swap3A_337 = arith.index_cast %scan3A_335 : i32 to index
      %swap3A_338 = arith.constant 0 : index
      %swap3A_339 = tpu.vector_load %arg10[%swap3A_337, %swap3A_338] {strides = array<i32>} : memref<128x128xf32, #tpu.memory_space<vmem>>, vector<1x16xf32>,
      %swap3A_340 = vector.shape_cast %swap3A_339 : vector<1x16xf32> to vector<16xf32>
      %swap3A_341 = vector.shape_cast %broadcast_in_dim3A_0 : vector<16xf32> to vector<1x16xf32>
      tpu.vector_store %arg10[%swap3A_337, %swap3A_338], %swap3A_341 {strides = array<i32>} : memref<128x128xf32, #tpu.memory_space<vmem>>, vector<1x16xf32>,
      %swap3A_342 = arith.index_cast %scan3A_335 : i32 to index
      %swap3A_343 = arith.constant 16 : index
      %swap3A_344 = tpu.vector_load %arg10[%swap3A_342, %swap3A_343] {strides = array<i32>} : memref<128x128xf32, #tpu.memory_space<vmem>>, vector<1x16xf32>,
      %swap3A_345 = vector.shape_cast %swap3A_344 : vector<1x16xf32> to vector<16xf32>
      %swap3A_346 = vector.shape_cast %broadcast_in_dim3A_0 : vector<16xf32> to vector<1x16xf32>
      tpu.vector_store %arg10[%swap3A_342, %swap3A_343], %swap3A_346 {strides = array<i32>} : memref<128x128xf32, #tpu.memory_space<vmem>>, vector<1x16xf32>,
      %swap3A_347 = arith.index_cast %scan3A_335 : i32 to index
      %swap3A_348 = arith.constant 32 : index
      %swap3A_349 = tpu.vector_load %arg10[%swap3A_347, %swap3A_348] {strides = array<i32>} : memref<128x128xf32, #tpu.memory_space<vmem>>, vector<1x16xf32>,
      %swap3A_350 = vector.shape_cast %swap3A_349 : vector<1x16xf32> to vector<16xf32>
      %swap3A_351 = vector.shape_cast %broadcast_in_dim3A_0 : vector<16xf32> to vector<1x16xf32>
      tpu.vector_store %arg10[%swap3A_347, %swap3A_348], %swap3A_351 {strides = array<i32>} : memref<128x128xf32, #tpu.memory_space<vmem>>, vector<1x16xf32>,
      %swap3A_352 = arith.index_cast %scan3A_335 : i32 to index
      %swap3A_353 = arith.constant 48 : index
      %swap3A_354 = tpu.vector_load %arg10[%swap3A_352, %swap3A_353] {strides = array<i32>} : memref<128x128xf32, #tpu.memory_space<vmem>>, vector<1x16xf32>,
      %swap3A_355 = vector.shape_cast %swap3A_354 : vector<1x16xf32> to vector<16xf32>
      %swap3A_356 = vector.shape_cast %broadcast_in_dim3A_0 : vector<16xf32> to vector<1x16xf32>
      tpu.vector_store %arg10[%swap3A_352, %swap3A_353], %swap3A_356 {strides = array<i32>} : memref<128x128xf32, #tpu.memory_space<vmem>>, vector<1x16xf32>,
      %swap3A_357 = arith.index_cast %scan3A_335 : i32 to index
      %swap3A_358 = arith.constant 64 : index
      %swap3A_359 = tpu.vector_load %arg10[%swap3A_357, %swap3A_358] {strides = array<i32>} : memref<128x128xf32, #tpu.memory_space<vmem>>, vector<1x16xf32>,
      %swap3A_360 = vector.shape_cast %swap3A_359 : vector<1x16xf32> to vector<16xf32>
      %swap3A_361 = vector.shape_cast %broadcast_in_dim3A_0 : vector<16xf32> to vector<1x16xf32>
      tpu.vector_store %arg10[%swap3A_357, %swap3A_358], %swap3A_361 {strides = array<i32>} : memref<128x128xf32, #tpu.memory_space<vmem>>, vector<1x16xf32>,
      %swap3A_362 = arith.index_cast %scan3A_335 : i32 to index
      %swap3A_363 = arith.constant 80 : index
      %swap3A_364 = tpu.vector_load %arg10[%swap3A_362, %swap3A_363] {strides = array<i32>} : memref<128x128xf32, #tpu.memory_space<vmem>>, vector<1x16xf32>,
      %swap3A_365 = vector.shape_cast %swap3A_364 : vector<1x16xf32> to vector<16xf32>
      %swap3A_366 = vector.shape_cast %broadcast_in_dim3A_0 : vector<16xf32> to vector<1x16xf32>
      tpu.vector_store %arg10[%swap3A_362, %swap3A_363], %swap3A_366 {strides = array<i32>} : memref<128x128xf32, #tpu.memory_space<vmem>>, vector<1x16xf32>,
      %swap3A_367 = arith.index_cast %scan3A_335 : i32 to index
      %swap3A_368 = arith.constant 96 : index
      %swap3A_369 = tpu.vector_load %arg10[%swap3A_367, %swap3A_368] {strides = array<i32>} : memref<128x128xf32, #tpu.memory_space<vmem>>, vector<1x16xf32>,
      %swap3A_370 = vector.shape_cast %swap3A_369 : vector<1x16xf32> to vector<16xf32>
      %swap3A_371 = vector.shape_cast %broadcast_in_dim3A_0 : vector<16xf32> to vector<1x16xf32>
      tpu.vector_store %arg10[%swap3A_367, %swap3A_368], %swap3A_371 {strides = array<i32>} : memref<128x128xf32, #tpu.memory_space<vmem>>, vector<1x16xf32>,
      %swap3A_372 = arith.index_cast %scan3A_335 : i32 to index
      %swap3A_373 = arith.constant 112 : index
      %swap3A_374 = tpu.vector_load %arg10[%swap3A_372, %swap3A_373] {strides = array<i32>} : memref<128x128xf32, #tpu.memory_space<vmem>>, vector<1x16xf32>,
      %swap3A_375 = vector.shape_cast %swap3A_374 : vector<1x16xf32> to vector<16xf32>
      %swap3A_376 = vector.shape_cast %broadcast_in_dim3A_0 : vector<16xf32> to vector<1x16xf32>
      tpu.vector_store %arg10[%swap3A_372, %swap3A_373], %swap3A_376 {strides = array<i32>} : memref<128x128xf32, #tpu.memory_space<vmem>>, vector<1x16xf32>,
      %scan3A_377 = arith.constant 0 : i32
      scf.yield %scan3A_377 : i32
    }
    %scan3A_6 = arith.constant 8 : i32
    %scan3A_7 = arith.constant 0 : i32
    %scan3A_8 = arith.constant 0 : i32
    %scan3A_9 = arith.constant 79 : i32
    %scan3A_10 = arith.addi %scan3A_8, %scan3A_9 : i32
    %scan3A_11 = arith.constant 1 : i32
    %scan3A_12 = scf.for %scan3A_335 = %scan3A_8 to %scan3A_10 step %scan3A_11 iter_args(%scan3A_336 = %scan3A_7) -> (i32)  : i32 {
      %mul3A_337 = arith.constant 632 : i32
      %mul3A_338 = arith.muli %arg1, %mul3A_337 : i32
      %mul3A_339 = arith.constant 8 : i32
      %mul3A_340 = arith.muli %scan3A_335, %mul3A_339 : i32
      %add3A = arith.addi %mul3A_338, %mul3A_340 : i32
      "tpu.region"() ({
        %run_scoped3A = tpu.sem_alloc : memref<!tpu.dma_semaphore, #tpu.memory_space<semaphore_mem>>
        %dma_start3A_342 = arith.constant 0 : i32
        %dma_start3A_343 = arith.constant 0 : i32
        %dma_start3A_344 = tpu.memref_slice %arg10[%dma_start3A_342, %dma_start3A_343] : memref<128x128xf32, #tpu.memory_space<vmem>> -> memref<8x128xf32, #tpu.memory_space<vmem>>
        %dma_start3A_345 = arith.constant 0 : i32
        %dma_start3A_346 = tpu.memref_slice %arg12[%add3A, %dma_start3A_345] : memref<10112x128xf32, #tpu.memory_space<vmem_shared>> -> memref<8x128xf32, #tpu.memory_space<vmem_shared>>
        %dma_start3A_347 = arith.constant 0 : i32
        %dma_start3A_348 = tpu.memref_slice %arg12[%add3A, %dma_start3A_347] : memref<10112x128xf32, #tpu.memory_space<vmem_shared>> -> memref<8x128xf32, #tpu.memory_space<vmem_shared>>
        %dma_start3A_349 = arith.constant 0 : i32
        %dma_start3A_350 = arith.constant 0 : i32
        %dma_start3A_351 = tpu.memref_slice %arg10[%dma_start3A_349, %dma_start3A_350] : memref<128x128xf32, #tpu.memory_space<vmem>> -> memref<8x128xf32, #tpu.memory_space<vmem>>
        tpu.enqueue_dma source(%dma_start3A_351 : memref<8x128xf32, #tpu.memory_space<vmem>>) target(%dma_start3A_348 : memref<8x128xf32, #tpu.memory_space<vmem_shared>>) target_semaphore(%run_scoped3A : memref<!tpu.dma_semaphore, #tpu.memory_space<semaphore_mem>>)
        %dma_wait3A_352 = arith.constant 0 : i32
        %dma_wait3A_353 = arith.constant 0 : i32
        %dma_wait3A_354 = tpu.memref_slice %arg10[%dma_wait3A_352, %dma_wait3A_353] : memref<128x128xf32, #tpu.memory_space<vmem>> -> memref<8x128xf32, #tpu.memory_space<vmem>>
        %dma_wait3A_355 = arith.constant 0 : i32
        %dma_wait3A_356 = tpu.memref_slice %arg12[%add3A, %dma_wait3A_355] : memref<10112x128xf32, #tpu.memory_space<vmem_shared>> -> memref<8x128xf32, #tpu.memory_space<vmem_shared>>
        %dma_wait3A_357 = arith.constant 0 : i32
        %dma_wait3A_358 = tpu.memref_slice %arg12[%add3A, %dma_wait3A_357] : memref<10112x128xf32, #tpu.memory_space<vmem_shared>> -> memref<8x128xf32, #tpu.memory_space<vmem_shared>>
        %dma_wait3A_359 = arith.constant 0 : i32
        %dma_wait3A_360 = arith.constant 0 : i32
        %dma_wait3A_361 = tpu.memref_slice %arg10[%dma_wait3A_359, %dma_wait3A_360] : memref<128x128xf32, #tpu.memory_space<vmem>> -> memref<8x128xf32, #tpu.memory_space<vmem>>
        tpu.wait_dma2 semaphore(%run_scoped3A : memref<!tpu.dma_semaphore, #tpu.memory_space<semaphore_mem>>) src(%dma_wait3A_361 : memref<8x128xf32, #tpu.memory_space<vmem>>) dst(%dma_wait3A_358 : memref<8x128xf32, #tpu.memory_space<vmem_shared>>)
        tpu.yield
      }) : () -> ()
      %scan3A_341 = arith.constant 0 : i32
      scf.yield %scan3A_341 : i32
    }
    %scan3A_13 = arith.constant 79 : i32
    "tpu.region"() ({
      %run_scoped3A = tpu.sem_alloc : memref<!tpu.dma_semaphore, #tpu.memory_space<semaphore_mem>>
      %dma_start3A_335 = arith.constant 0 : i32
      %dma_start3A_336 = arith.constant 0 : i32
      %dma_start3A_337 = tpu.memref_slice %arg3[%arg0, %arg1, %dma_start3A_335, %dma_start3A_336] : memref<2x16x80x128xi32, #tpu.memory_space<hbm>> -> memref<1x1x80x128xi32, #tpu.memory_space<hbm>>
      %dma_start3A_338 = tpu.memref_squeeze %dma_start3A_337 : memref<1x1x80x128xi32, #tpu.memory_space<hbm>> -> memref<80x128xi32, #tpu.memory_space<hbm>>
      %dma_start3A_339 = arith.constant 0 : i32
      %dma_start3A_340 = arith.constant 0 : i32
      %dma_start3A_341 = tpu.memref_slice %arg3[%arg0, %arg1, %dma_start3A_339, %dma_start3A_340] : memref<2x16x80x128xi32, #tpu.memory_space<hbm>> -> memref<1x1x80x128xi32, #tpu.memory_space<hbm>>
      %dma_start3A_342 = tpu.memref_squeeze %dma_start3A_341 : memref<1x1x80x128xi32, #tpu.memory_space<hbm>> -> memref<80x128xi32, #tpu.memory_space<hbm>>
      tpu.enqueue_dma source(%dma_start3A_342 : memref<80x128xi32, #tpu.memory_space<hbm>>) target(%arg5 : memref<80x128xi32, #tpu.memory_space<vmem>>) target_semaphore(%run_scoped3A : memref<!tpu.dma_semaphore, #tpu.memory_space<semaphore_mem>>)
      %dma_wait3A_343 = arith.constant 0 : i32
      %dma_wait3A_344 = arith.constant 0 : i32
      %dma_wait3A_345 = tpu.memref_slice %arg3[%arg0, %arg1, %dma_wait3A_343, %dma_wait3A_344] : memref<2x16x80x128xi32, #tpu.memory_space<hbm>> -> memref<1x1x80x128xi32, #tpu.memory_space<hbm>>
      %dma_wait3A_346 = tpu.memref_squeeze %dma_wait3A_345 : memref<1x1x80x128xi32, #tpu.memory_space<hbm>> -> memref<80x128xi32, #tpu.memory_space<hbm>>
      %dma_wait3A_347 = arith.constant 0 : i32
      %dma_wait3A_348 = arith.constant 0 : i32
      %dma_wait3A_349 = tpu.memref_slice %arg3[%arg0, %arg1, %dma_wait3A_347, %dma_wait3A_348] : memref<2x16x80x128xi32, #tpu.memory_space<hbm>> -> memref<1x1x80x128xi32, #tpu.memory_space<hbm>>
      %dma_wait3A_350 = tpu.memref_squeeze %dma_wait3A_349 : memref<1x1x80x128xi32, #tpu.memory_space<hbm>> -> memref<80x128xi32, #tpu.memory_space<hbm>>
      tpu.wait_dma2 semaphore(%run_scoped3A : memref<!tpu.dma_semaphore, #tpu.memory_space<semaphore_mem>>) src(%dma_wait3A_350 : memref<80x128xi32, #tpu.memory_space<hbm>>) dst(%arg5 : memref<80x128xi32, #tpu.memory_space<vmem>>)
      tpu.yield
    }) : () -> ()
    %barrier3A = arith.constant 0 : index
    tpu.barrier barrier_id(%barrier3A)
    %get3A = arith.constant 0 : i32
    %get3A_14 = arith.index_cast %get3A : i32 to index
    %get3A_15 = arith.constant 0 : index
    %get3A_16 = tpu.vector_load %arg5[%get3A_14, %get3A_15] {strides = array<i32>} : memref<80x128xi32, #tpu.memory_space<vmem>>, vector<1x16xi32>,
    %get3A_17 = vector.shape_cast %get3A_16 : vector<1x16xi32> to vector<16xi32>
    %and3A = arith.constant 65535 : i32
    %and3A_18 = vector.broadcast %and3A : i32 to vector<16xi32>
    %and3A_19 = arith.andi %get3A_17, %and3A_18 : vector<16xi32>
    %swap3A = arith.constant 0 : index
    %swap3A_20 = tpu.vector_load %arg6[%swap3A] {strides = array<i32>} : memref<128xi32, #tpu.memory_space<vmem>>, vector<16xi32>,
    %swap3A_21 = vector.shape_cast %swap3A_20 : vector<16xi32> to vector<16xi32>
    %swap3A_22 = vector.shape_cast %and3A_19 : vector<16xi32> to vector<16xi32>
    tpu.vector_store %arg6[%swap3A], %swap3A_22 {strides = array<i32>} : memref<128xi32, #tpu.memory_space<vmem>>, vector<16xi32>,
    %shift_right_logical3A = arith.constant 16 : i32
    %shift_right_logical3A_23 = vector.broadcast %shift_right_logical3A : i32 to vector<16xi32>
    %shift_right_logical3A_24 = arith.shrui %get3A_17, %shift_right_logical3A_23 : vector<16xi32>
    %swap3A_25 = arith.constant 0 : index
    %swap3A_26 = tpu.vector_load %arg7[%swap3A_25] {strides = array<i32>} : memref<128xi32, #tpu.memory_space<vmem>>, vector<16xi32>,
    %swap3A_27 = vector.shape_cast %swap3A_26 : vector<16xi32> to vector<16xi32>
    %swap3A_28 = vector.shape_cast %shift_right_logical3A_24 : vector<16xi32> to vector<16xi32>
    tpu.vector_store %arg7[%swap3A_25], %swap3A_28 {strides = array<i32>} : memref<128xi32, #tpu.memory_space<vmem>>, vector<16xi32>,
    %get3A_29 = arith.constant 0 : i32
    %get3A_30 = arith.index_cast %get3A_29 : i32 to index
    %get3A_31 = arith.constant 16 : index
    %get3A_32 = tpu.vector_load %arg5[%get3A_30, %get3A_31] {strides = array<i32>} : memref<80x128xi32, #tpu.memory_space<vmem>>, vector<1x16xi32>,
    %get3A_33 = vector.shape_cast %get3A_32 : vector<1x16xi32> to vector<16xi32>
    %and3A_34 = arith.constant 65535 : i32
    %and3A_35 = vector.broadcast %and3A_34 : i32 to vector<16xi32>
    %and3A_36 = arith.andi %get3A_33, %and3A_35 : vector<16xi32>
    %swap3A_37 = arith.constant 16 : index
    %swap3A_38 = tpu.vector_load %arg6[%swap3A_37] {strides = array<i32>} : memref<128xi32, #tpu.memory_space<vmem>>, vector<16xi32>,
    %swap3A_39 = vector.shape_cast %swap3A_38 : vector<16xi32> to vector<16xi32>
    %swap3A_40 = vector.shape_cast %and3A_36 : vector<16xi32> to vector<16xi32>
    tpu.vector_store %arg6[%swap3A_37], %swap3A_40 {strides = array<i32>} : memref<128xi32, #tpu.memory_space<vmem>>, vector<16xi32>,
    %shift_right_logical3A_41 = arith.constant 16 : i32
    %shift_right_logical3A_42 = vector.broadcast %shift_right_logical3A_41 : i32 to vector<16xi32>
    %shift_right_logical3A_43 = arith.shrui %get3A_33, %shift_right_logical3A_42 : vector<16xi32>
    %swap3A_44 = arith.constant 16 : index
    %swap3A_45 = tpu.vector_load %arg7[%swap3A_44] {strides = array<i32>} : memref<128xi32, #tpu.memory_space<vmem>>, vector<16xi32>,
    %swap3A_46 = vector.shape_cast %swap3A_45 : vector<16xi32> to vector<16xi32>
    %swap3A_47 = vector.shape_cast %shift_right_logical3A_43 : vector<16xi32> to vector<16xi32>
    tpu.vector_store %arg7[%swap3A_44], %swap3A_47 {strides = array<i32>} : memref<128xi32, #tpu.memory_space<vmem>>, vector<16xi32>,
    %get3A_48 = arith.constant 0 : i32
    %get3A_49 = arith.index_cast %get3A_48 : i32 to index
    %get3A_50 = arith.constant 32 : index
    %get3A_51 = tpu.vector_load %arg5[%get3A_49, %get3A_50] {strides = array<i32>} : memref<80x128xi32, #tpu.memory_space<vmem>>, vector<1x16xi32>,
    %get3A_52 = vector.shape_cast %get3A_51 : vector<1x16xi32> to vector<16xi32>
    %and3A_53 = arith.constant 65535 : i32
    %and3A_54 = vector.broadcast %and3A_53 : i32 to vector<16xi32>
    %and3A_55 = arith.andi %get3A_52, %and3A_54 : vector<16xi32>
    %swap3A_56 = arith.constant 32 : index
    %swap3A_57 = tpu.vector_load %arg6[%swap3A_56] {strides = array<i32>} : memref<128xi32, #tpu.memory_space<vmem>>, vector<16xi32>,
    %swap3A_58 = vector.shape_cast %swap3A_57 : vector<16xi32> to vector<16xi32>
    %swap3A_59 = vector.shape_cast %and3A_55 : vector<16xi32> to vector<16xi32>
    tpu.vector_store %arg6[%swap3A_56], %swap3A_59 {strides = array<i32>} : memref<128xi32, #tpu.memory_space<vmem>>, vector<16xi32>,
    %shift_right_logical3A_60 = arith.constant 16 : i32
    %shift_right_logical3A_61 = vector.broadcast %shift_right_logical3A_60 : i32 to vector<16xi32>
    %shift_right_logical3A_62 = arith.shrui %get3A_52, %shift_right_logical3A_61 : vector<16xi32>
    %swap3A_63 = arith.constant 32 : index
    %swap3A_64 = tpu.vector_load %arg7[%swap3A_63] {strides = array<i32>} : memref<128xi32, #tpu.memory_space<vmem>>, vector<16xi32>,
    %swap3A_65 = vector.shape_cast %swap3A_64 : vector<16xi32> to vector<16xi32>
    %swap3A_66 = vector.shape_cast %shift_right_logical3A_62 : vector<16xi32> to vector<16xi32>
    tpu.vector_store %arg7[%swap3A_63], %swap3A_66 {strides = array<i32>} : memref<128xi32, #tpu.memory_space<vmem>>, vector<16xi32>,
    %get3A_67 = arith.constant 0 : i32
    %get3A_68 = arith.index_cast %get3A_67 : i32 to index
    %get3A_69 = arith.constant 48 : index
    %get3A_70 = tpu.vector_load %arg5[%get3A_68, %get3A_69] {strides = array<i32>} : memref<80x128xi32, #tpu.memory_space<vmem>>, vector<1x16xi32>,
    %get3A_71 = vector.shape_cast %get3A_70 : vector<1x16xi32> to vector<16xi32>
    %and3A_72 = arith.constant 65535 : i32
    %and3A_73 = vector.broadcast %and3A_72 : i32 to vector<16xi32>
    %and3A_74 = arith.andi %get3A_71, %and3A_73 : vector<16xi32>
    %swap3A_75 = arith.constant 48 : index
    %swap3A_76 = tpu.vector_load %arg6[%swap3A_75] {strides = array<i32>} : memref<128xi32, #tpu.memory_space<vmem>>, vector<16xi32>,
    %swap3A_77 = vector.shape_cast %swap3A_76 : vector<16xi32> to vector<16xi32>
    %swap3A_78 = vector.shape_cast %and3A_74 : vector<16xi32> to vector<16xi32>
    tpu.vector_store %arg6[%swap3A_75], %swap3A_78 {strides = array<i32>} : memref<128xi32, #tpu.memory_space<vmem>>, vector<16xi32>,
    %shift_right_logical3A_79 = arith.constant 16 : i32
    %shift_right_logical3A_80 = vector.broadcast %shift_right_logical3A_79 : i32 to vector<16xi32>
    %shift_right_logical3A_81 = arith.shrui %get3A_71, %shift_right_logical3A_80 : vector<16xi32>
    %swap3A_82 = arith.constant 48 : index
    %swap3A_83 = tpu.vector_load %arg7[%swap3A_82] {strides = array<i32>} : memref<128xi32, #tpu.memory_space<vmem>>, vector<16xi32>,
    %swap3A_84 = vector.shape_cast %swap3A_83 : vector<16xi32> to vector<16xi32>
    %swap3A_85 = vector.shape_cast %shift_right_logical3A_81 : vector<16xi32> to vector<16xi32>
    tpu.vector_store %arg7[%swap3A_82], %swap3A_85 {strides = array<i32>} : memref<128xi32, #tpu.memory_space<vmem>>, vector<16xi32>,
    %get3A_86 = arith.constant 0 : i32
    %get3A_87 = arith.index_cast %get3A_86 : i32 to index
    %get3A_88 = arith.constant 64 : index
    %get3A_89 = tpu.vector_load %arg5[%get3A_87, %get3A_88] {strides = array<i32>} : memref<80x128xi32, #tpu.memory_space<vmem>>, vector<1x16xi32>,
    %get3A_90 = vector.shape_cast %get3A_89 : vector<1x16xi32> to vector<16xi32>
    %and3A_91 = arith.constant 65535 : i32
    %and3A_92 = vector.broadcast %and3A_91 : i32 to vector<16xi32>
    %and3A_93 = arith.andi %get3A_90, %and3A_92 : vector<16xi32>
    %swap3A_94 = arith.constant 64 : index
    %swap3A_95 = tpu.vector_load %arg6[%swap3A_94] {strides = array<i32>} : memref<128xi32, #tpu.memory_space<vmem>>, vector<16xi32>,
    %swap3A_96 = vector.shape_cast %swap3A_95 : vector<16xi32> to vector<16xi32>
    %swap3A_97 = vector.shape_cast %and3A_93 : vector<16xi32> to vector<16xi32>
    tpu.vector_store %arg6[%swap3A_94], %swap3A_97 {strides = array<i32>} : memref<128xi32, #tpu.memory_space<vmem>>, vector<16xi32>,
    %shift_right_logical3A_98 = arith.constant 16 : i32
    %shift_right_logical3A_99 = vector.broadcast %shift_right_logical3A_98 : i32 to vector<16xi32>
    %shift_right_logical3A_100 = arith.shrui %get3A_90, %shift_right_logical3A_99 : vector<16xi32>
    %swap3A_101 = arith.constant 64 : index
    %swap3A_102 = tpu.vector_load %arg7[%swap3A_101] {strides = array<i32>} : memref<128xi32, #tpu.memory_space<vmem>>, vector<16xi32>,
    %swap3A_103 = vector.shape_cast %swap3A_102 : vector<16xi32> to vector<16xi32>
    %swap3A_104 = vector.shape_cast %shift_right_logical3A_100 : vector<16xi32> to vector<16xi32>
    tpu.vector_store %arg7[%swap3A_101], %swap3A_104 {strides = array<i32>} : memref<128xi32, #tpu.memory_space<vmem>>, vector<16xi32>,
    %get3A_105 = arith.constant 0 : i32
    %get3A_106 = arith.index_cast %get3A_105 : i32 to index
    %get3A_107 = arith.constant 80 : index
    %get3A_108 = tpu.vector_load %arg5[%get3A_106, %get3A_107] {strides = array<i32>} : memref<80x128xi32, #tpu.memory_space<vmem>>, vector<1x16xi32>,
    %get3A_109 = vector.shape_cast %get3A_108 : vector<1x16xi32> to vector<16xi32>
    %and3A_110 = arith.constant 65535 : i32
    %and3A_111 = vector.broadcast %and3A_110 : i32 to vector<16xi32>
    %and3A_112 = arith.andi %get3A_109, %and3A_111 : vector<16xi32>
    %swap3A_113 = arith.constant 80 : index
    %swap3A_114 = tpu.vector_load %arg6[%swap3A_113] {strides = array<i32>} : memref<128xi32, #tpu.memory_space<vmem>>, vector<16xi32>,
    %swap3A_115 = vector.shape_cast %swap3A_114 : vector<16xi32> to vector<16xi32>
    %swap3A_116 = vector.shape_cast %and3A_112 : vector<16xi32> to vector<16xi32>
    tpu.vector_store %arg6[%swap3A_113], %swap3A_116 {strides = array<i32>} : memref<128xi32, #tpu.memory_space<vmem>>, vector<16xi32>,
    %shift_right_logical3A_117 = arith.constant 16 : i32
    %shift_right_logical3A_118 = vector.broadcast %shift_right_logical3A_117 : i32 to vector<16xi32>
    %shift_right_logical3A_119 = arith.shrui %get3A_109, %shift_right_logical3A_118 : vector<16xi32>
    %swap3A_120 = arith.constant 80 : index
    %swap3A_121 = tpu.vector_load %arg7[%swap3A_120] {strides = array<i32>} : memref<128xi32, #tpu.memory_space<vmem>>, vector<16xi32>,
    %swap3A_122 = vector.shape_cast %swap3A_121 : vector<16xi32> to vector<16xi32>
    %swap3A_123 = vector.shape_cast %shift_right_logical3A_119 : vector<16xi32> to vector<16xi32>
    tpu.vector_store %arg7[%swap3A_120], %swap3A_123 {strides = array<i32>} : memref<128xi32, #tpu.memory_space<vmem>>, vector<16xi32>,
    %get3A_124 = arith.constant 0 : i32
    %get3A_125 = arith.index_cast %get3A_124 : i32 to index
    %get3A_126 = arith.constant 96 : index
    %get3A_127 = tpu.vector_load %arg5[%get3A_125, %get3A_126] {strides = array<i32>} : memref<80x128xi32, #tpu.memory_space<vmem>>, vector<1x16xi32>,
    %get3A_128 = vector.shape_cast %get3A_127 : vector<1x16xi32> to vector<16xi32>
    %and3A_129 = arith.constant 65535 : i32
    %and3A_130 = vector.broadcast %and3A_129 : i32 to vector<16xi32>
    %and3A_131 = arith.andi %get3A_128, %and3A_130 : vector<16xi32>
    %swap3A_132 = arith.constant 96 : index
    %swap3A_133 = tpu.vector_load %arg6[%swap3A_132] {strides = array<i32>} : memref<128xi32, #tpu.memory_space<vmem>>, vector<16xi32>,
    %swap3A_134 = vector.shape_cast %swap3A_133 : vector<16xi32> to vector<16xi32>
    %swap3A_135 = vector.shape_cast %and3A_131 : vector<16xi32> to vector<16xi32>
    tpu.vector_store %arg6[%swap3A_132], %swap3A_135 {strides = array<i32>} : memref<128xi32, #tpu.memory_space<vmem>>, vector<16xi32>,
    %shift_right_logical3A_136 = arith.constant 16 : i32
    %shift_right_logical3A_137 = vector.broadcast %shift_right_logical3A_136 : i32 to vector<16xi32>
    %shift_right_logical3A_138 = arith.shrui %get3A_128, %shift_right_logical3A_137 : vector<16xi32>
    %swap3A_139 = arith.constant 96 : index
    %swap3A_140 = tpu.vector_load %arg7[%swap3A_139] {strides = array<i32>} : memref<128xi32, #tpu.memory_space<vmem>>, vector<16xi32>,
    %swap3A_141 = vector.shape_cast %swap3A_140 : vector<16xi32> to vector<16xi32>
    %swap3A_142 = vector.shape_cast %shift_right_logical3A_138 : vector<16xi32> to vector<16xi32>
    tpu.vector_store %arg7[%swap3A_139], %swap3A_142 {strides = array<i32>} : memref<128xi32, #tpu.memory_space<vmem>>, vector<16xi32>,
    %get3A_143 = arith.constant 0 : i32
    %get3A_144 = arith.index_cast %get3A_143 : i32 to index
    %get3A_145 = arith.constant 112 : index
    %get3A_146 = tpu.vector_load %arg5[%get3A_144, %get3A_145] {strides = array<i32>} : memref<80x128xi32, #tpu.memory_space<vmem>>, vector<1x16xi32>,
    %get3A_147 = vector.shape_cast %get3A_146 : vector<1x16xi32> to vector<16xi32>
    %and3A_148 = arith.constant 65535 : i32
    %and3A_149 = vector.broadcast %and3A_148 : i32 to vector<16xi32>
    %and3A_150 = arith.andi %get3A_147, %and3A_149 : vector<16xi32>
    %swap3A_151 = arith.constant 112 : index
    %swap3A_152 = tpu.vector_load %arg6[%swap3A_151] {strides = array<i32>} : memref<128xi32, #tpu.memory_space<vmem>>, vector<16xi32>,
    %swap3A_153 = vector.shape_cast %swap3A_152 : vector<16xi32> to vector<16xi32>
    %swap3A_154 = vector.shape_cast %and3A_150 : vector<16xi32> to vector<16xi32>
    tpu.vector_store %arg6[%swap3A_151], %swap3A_154 {strides = array<i32>} : memref<128xi32, #tpu.memory_space<vmem>>, vector<16xi32>,
    %shift_right_logical3A_155 = arith.constant 16 : i32
    %shift_right_logical3A_156 = vector.broadcast %shift_right_logical3A_155 : i32 to vector<16xi32>
    %shift_right_logical3A_157 = arith.shrui %get3A_147, %shift_right_logical3A_156 : vector<16xi32>
    %swap3A_158 = arith.constant 112 : index
    %swap3A_159 = tpu.vector_load %arg7[%swap3A_158] {strides = array<i32>} : memref<128xi32, #tpu.memory_space<vmem>>, vector<16xi32>,
    %swap3A_160 = vector.shape_cast %swap3A_159 : vector<16xi32> to vector<16xi32>
    %swap3A_161 = vector.shape_cast %shift_right_logical3A_157 : vector<16xi32> to vector<16xi32>
    tpu.vector_store %arg7[%swap3A_158], %swap3A_161 {strides = array<i32>} : memref<128xi32, #tpu.memory_space<vmem>>, vector<16xi32>,
    %get3A_162 = arith.constant 1 : i32
    %get3A_163 = arith.index_cast %get3A_162 : i32 to index
    %get3A_164 = arith.constant 0 : index
    %get3A_165 = tpu.vector_load %arg5[%get3A_163, %get3A_164] {strides = array<i32>} : memref<80x128xi32, #tpu.memory_space<vmem>>, vector<1x16xi32>,
    %get3A_166 = vector.shape_cast %get3A_165 : vector<1x16xi32> to vector<16xi32>
    %and3A_167 = arith.constant 65535 : i32
    %and3A_168 = vector.broadcast %and3A_167 : i32 to vector<16xi32>
    %and3A_169 = arith.andi %get3A_166, %and3A_168 : vector<16xi32>
    %swap3A_170 = arith.constant 0 : index
    %swap3A_171 = tpu.vector_load %arg8[%swap3A_170] {strides = array<i32>} : memref<128xi32, #tpu.memory_space<vmem>>, vector<16xi32>,
    %swap3A_172 = vector.shape_cast %swap3A_171 : vector<16xi32> to vector<16xi32>
    %swap3A_173 = vector.shape_cast %and3A_169 : vector<16xi32> to vector<16xi32>
    tpu.vector_store %arg8[%swap3A_170], %swap3A_173 {strides = array<i32>} : memref<128xi32, #tpu.memory_space<vmem>>, vector<16xi32>,
    %shift_right_logical3A_174 = arith.constant 16 : i32
    %shift_right_logical3A_175 = vector.broadcast %shift_right_logical3A_174 : i32 to vector<16xi32>
    %shift_right_logical3A_176 = arith.shrui %get3A_166, %shift_right_logical3A_175 : vector<16xi32>
    %swap3A_177 = arith.constant 0 : index
    %swap3A_178 = tpu.vector_load %arg9[%swap3A_177] {strides = array<i32>} : memref<128xi32, #tpu.memory_space<vmem>>, vector<16xi32>,
    %swap3A_179 = vector.shape_cast %swap3A_178 : vector<16xi32> to vector<16xi32>
    %swap3A_180 = vector.shape_cast %shift_right_logical3A_176 : vector<16xi32> to vector<16xi32>
    tpu.vector_store %arg9[%swap3A_177], %swap3A_180 {strides = array<i32>} : memref<128xi32, #tpu.memory_space<vmem>>, vector<16xi32>,
    %get3A_181 = arith.constant 1 : i32
    %get3A_182 = arith.index_cast %get3A_181 : i32 to index
    %get3A_183 = arith.constant 16 : index
    %get3A_184 = tpu.vector_load %arg5[%get3A_182, %get3A_183] {strides = array<i32>} : memref<80x128xi32, #tpu.memory_space<vmem>>, vector<1x16xi32>,
    %get3A_185 = vector.shape_cast %get3A_184 : vector<1x16xi32> to vector<16xi32>
    %and3A_186 = arith.constant 65535 : i32
    %and3A_187 = vector.broadcast %and3A_186 : i32 to vector<16xi32>
    %and3A_188 = arith.andi %get3A_185, %and3A_187 : vector<16xi32>
    %swap3A_189 = arith.constant 16 : index
    %swap3A_190 = tpu.vector_load %arg8[%swap3A_189] {strides = array<i32>} : memref<128xi32, #tpu.memory_space<vmem>>, vector<16xi32>,
    %swap3A_191 = vector.shape_cast %swap3A_190 : vector<16xi32> to vector<16xi32>
    %swap3A_192 = vector.shape_cast %and3A_188 : vector<16xi32> to vector<16xi32>
    tpu.vector_store %arg8[%swap3A_189], %swap3A_192 {strides = array<i32>} : memref<128xi32, #tpu.memory_space<vmem>>, vector<16xi32>,
    %shift_right_logical3A_193 = arith.constant 16 : i32
    %shift_right_logical3A_194 = vector.broadcast %shift_right_logical3A_193 : i32 to vector<16xi32>
    %shift_right_logical3A_195 = arith.shrui %get3A_185, %shift_right_logical3A_194 : vector<16xi32>
    %swap3A_196 = arith.constant 16 : index
    %swap3A_197 = tpu.vector_load %arg9[%swap3A_196] {strides = array<i32>} : memref<128xi32, #tpu.memory_space<vmem>>, vector<16xi32>,
    %swap3A_198 = vector.shape_cast %swap3A_197 : vector<16xi32> to vector<16xi32>
    %swap3A_199 = vector.shape_cast %shift_right_logical3A_195 : vector<16xi32> to vector<16xi32>
    tpu.vector_store %arg9[%swap3A_196], %swap3A_199 {strides = array<i32>} : memref<128xi32, #tpu.memory_space<vmem>>, vector<16xi32>,
    %get3A_200 = arith.constant 1 : i32
    %get3A_201 = arith.index_cast %get3A_200 : i32 to index
    %get3A_202 = arith.constant 32 : index
    %get3A_203 = tpu.vector_load %arg5[%get3A_201, %get3A_202] {strides = array<i32>} : memref<80x128xi32, #tpu.memory_space<vmem>>, vector<1x16xi32>,
    %get3A_204 = vector.shape_cast %get3A_203 : vector<1x16xi32> to vector<16xi32>
    %and3A_205 = arith.constant 65535 : i32
    %and3A_206 = vector.broadcast %and3A_205 : i32 to vector<16xi32>
    %and3A_207 = arith.andi %get3A_204, %and3A_206 : vector<16xi32>
    %swap3A_208 = arith.constant 32 : index
    %swap3A_209 = tpu.vector_load %arg8[%swap3A_208] {strides = array<i32>} : memref<128xi32, #tpu.memory_space<vmem>>, vector<16xi32>,
    %swap3A_210 = vector.shape_cast %swap3A_209 : vector<16xi32> to vector<16xi32>
    %swap3A_211 = vector.shape_cast %and3A_207 : vector<16xi32> to vector<16xi32>
    tpu.vector_store %arg8[%swap3A_208], %swap3A_211 {strides = array<i32>} : memref<128xi32, #tpu.memory_space<vmem>>, vector<16xi32>,
    %shift_right_logical3A_212 = arith.constant 16 : i32
    %shift_right_logical3A_213 = vector.broadcast %shift_right_logical3A_212 : i32 to vector<16xi32>
    %shift_right_logical3A_214 = arith.shrui %get3A_204, %shift_right_logical3A_213 : vector<16xi32>
    %swap3A_215 = arith.constant 32 : index
    %swap3A_216 = tpu.vector_load %arg9[%swap3A_215] {strides = array<i32>} : memref<128xi32, #tpu.memory_space<vmem>>, vector<16xi32>,
    %swap3A_217 = vector.shape_cast %swap3A_216 : vector<16xi32> to vector<16xi32>
    %swap3A_218 = vector.shape_cast %shift_right_logical3A_214 : vector<16xi32> to vector<16xi32>
    tpu.vector_store %arg9[%swap3A_215], %swap3A_218 {strides = array<i32>} : memref<128xi32, #tpu.memory_space<vmem>>, vector<16xi32>,
    %get3A_219 = arith.constant 1 : i32
    %get3A_220 = arith.index_cast %get3A_219 : i32 to index
    %get3A_221 = arith.constant 48 : index
    %get3A_222 = tpu.vector_load %arg5[%get3A_220, %get3A_221] {strides = array<i32>} : memref<80x128xi32, #tpu.memory_space<vmem>>, vector<1x16xi32>,
    %get3A_223 = vector.shape_cast %get3A_222 : vector<1x16xi32> to vector<16xi32>
    %and3A_224 = arith.constant 65535 : i32
    %and3A_225 = vector.broadcast %and3A_224 : i32 to vector<16xi32>
    %and3A_226 = arith.andi %get3A_223, %and3A_225 : vector<16xi32>
    %swap3A_227 = arith.constant 48 : index
    %swap3A_228 = tpu.vector_load %arg8[%swap3A_227] {strides = array<i32>} : memref<128xi32, #tpu.memory_space<vmem>>, vector<16xi32>,
    %swap3A_229 = vector.shape_cast %swap3A_228 : vector<16xi32> to vector<16xi32>
    %swap3A_230 = vector.shape_cast %and3A_226 : vector<16xi32> to vector<16xi32>
    tpu.vector_store %arg8[%swap3A_227], %swap3A_230 {strides = array<i32>} : memref<128xi32, #tpu.memory_space<vmem>>, vector<16xi32>,
    %shift_right_logical3A_231 = arith.constant 16 : i32
    %shift_right_logical3A_232 = vector.broadcast %shift_right_logical3A_231 : i32 to vector<16xi32>
    %shift_right_logical3A_233 = arith.shrui %get3A_223, %shift_right_logical3A_232 : vector<16xi32>
    %swap3A_234 = arith.constant 48 : index
    %swap3A_235 = tpu.vector_load %arg9[%swap3A_234] {strides = array<i32>} : memref<128xi32, #tpu.memory_space<vmem>>, vector<16xi32>,
    %swap3A_236 = vector.shape_cast %swap3A_235 : vector<16xi32> to vector<16xi32>
    %swap3A_237 = vector.shape_cast %shift_right_logical3A_233 : vector<16xi32> to vector<16xi32>
    tpu.vector_store %arg9[%swap3A_234], %swap3A_237 {strides = array<i32>} : memref<128xi32, #tpu.memory_space<vmem>>, vector<16xi32>,
    %get3A_238 = arith.constant 1 : i32
    %get3A_239 = arith.index_cast %get3A_238 : i32 to index
    %get3A_240 = arith.constant 64 : index
    %get3A_241 = tpu.vector_load %arg5[%get3A_239, %get3A_240] {strides = array<i32>} : memref<80x128xi32, #tpu.memory_space<vmem>>, vector<1x16xi32>,
    %get3A_242 = vector.shape_cast %get3A_241 : vector<1x16xi32> to vector<16xi32>
    %and3A_243 = arith.constant 65535 : i32
    %and3A_244 = vector.broadcast %and3A_243 : i32 to vector<16xi32>
    %and3A_245 = arith.andi %get3A_242, %and3A_244 : vector<16xi32>
    %swap3A_246 = arith.constant 64 : index
    %swap3A_247 = tpu.vector_load %arg8[%swap3A_246] {strides = array<i32>} : memref<128xi32, #tpu.memory_space<vmem>>, vector<16xi32>,
    %swap3A_248 = vector.shape_cast %swap3A_247 : vector<16xi32> to vector<16xi32>
    %swap3A_249 = vector.shape_cast %and3A_245 : vector<16xi32> to vector<16xi32>
    tpu.vector_store %arg8[%swap3A_246], %swap3A_249 {strides = array<i32>} : memref<128xi32, #tpu.memory_space<vmem>>, vector<16xi32>,
    %shift_right_logical3A_250 = arith.constant 16 : i32
    %shift_right_logical3A_251 = vector.broadcast %shift_right_logical3A_250 : i32 to vector<16xi32>
    %shift_right_logical3A_252 = arith.shrui %get3A_242, %shift_right_logical3A_251 : vector<16xi32>
    %swap3A_253 = arith.constant 64 : index
    %swap3A_254 = tpu.vector_load %arg9[%swap3A_253] {strides = array<i32>} : memref<128xi32, #tpu.memory_space<vmem>>, vector<16xi32>,
    %swap3A_255 = vector.shape_cast %swap3A_254 : vector<16xi32> to vector<16xi32>
    %swap3A_256 = vector.shape_cast %shift_right_logical3A_252 : vector<16xi32> to vector<16xi32>
    tpu.vector_store %arg9[%swap3A_253], %swap3A_256 {strides = array<i32>} : memref<128xi32, #tpu.memory_space<vmem>>, vector<16xi32>,
    %get3A_257 = arith.constant 1 : i32
    %get3A_258 = arith.index_cast %get3A_257 : i32 to index
    %get3A_259 = arith.constant 80 : index
    %get3A_260 = tpu.vector_load %arg5[%get3A_258, %get3A_259] {strides = array<i32>} : memref<80x128xi32, #tpu.memory_space<vmem>>, vector<1x16xi32>,
    %get3A_261 = vector.shape_cast %get3A_260 : vector<1x16xi32> to vector<16xi32>
    %and3A_262 = arith.constant 65535 : i32
    %and3A_263 = vector.broadcast %and3A_262 : i32 to vector<16xi32>
    %and3A_264 = arith.andi %get3A_261, %and3A_263 : vector<16xi32>
    %swap3A_265 = arith.constant 80 : index
    %swap3A_266 = tpu.vector_load %arg8[%swap3A_265] {strides = array<i32>} : memref<128xi32, #tpu.memory_space<vmem>>, vector<16xi32>,
    %swap3A_267 = vector.shape_cast %swap3A_266 : vector<16xi32> to vector<16xi32>
    %swap3A_268 = vector.shape_cast %and3A_264 : vector<16xi32> to vector<16xi32>
    tpu.vector_store %arg8[%swap3A_265], %swap3A_268 {strides = array<i32>} : memref<128xi32, #tpu.memory_space<vmem>>, vector<16xi32>,
    %shift_right_logical3A_269 = arith.constant 16 : i32
    %shift_right_logical3A_270 = vector.broadcast %shift_right_logical3A_269 : i32 to vector<16xi32>
    %shift_right_logical3A_271 = arith.shrui %get3A_261, %shift_right_logical3A_270 : vector<16xi32>
    %swap3A_272 = arith.constant 80 : index
    %swap3A_273 = tpu.vector_load %arg9[%swap3A_272] {strides = array<i32>} : memref<128xi32, #tpu.memory_space<vmem>>, vector<16xi32>,
    %swap3A_274 = vector.shape_cast %swap3A_273 : vector<16xi32> to vector<16xi32>
    %swap3A_275 = vector.shape_cast %shift_right_logical3A_271 : vector<16xi32> to vector<16xi32>
    tpu.vector_store %arg9[%swap3A_272], %swap3A_275 {strides = array<i32>} : memref<128xi32, #tpu.memory_space<vmem>>, vector<16xi32>,
    %get3A_276 = arith.constant 1 : i32
    %get3A_277 = arith.index_cast %get3A_276 : i32 to index
    %get3A_278 = arith.constant 96 : index
    %get3A_279 = tpu.vector_load %arg5[%get3A_277, %get3A_278] {strides = array<i32>} : memref<80x128xi32, #tpu.memory_space<vmem>>, vector<1x16xi32>,
    %get3A_280 = vector.shape_cast %get3A_279 : vector<1x16xi32> to vector<16xi32>
    %and3A_281 = arith.constant 65535 : i32
    %and3A_282 = vector.broadcast %and3A_281 : i32 to vector<16xi32>
    %and3A_283 = arith.andi %get3A_280, %and3A_282 : vector<16xi32>
    %swap3A_284 = arith.constant 96 : index
    %swap3A_285 = tpu.vector_load %arg8[%swap3A_284] {strides = array<i32>} : memref<128xi32, #tpu.memory_space<vmem>>, vector<16xi32>,
    %swap3A_286 = vector.shape_cast %swap3A_285 : vector<16xi32> to vector<16xi32>
    %swap3A_287 = vector.shape_cast %and3A_283 : vector<16xi32> to vector<16xi32>
    tpu.vector_store %arg8[%swap3A_284], %swap3A_287 {strides = array<i32>} : memref<128xi32, #tpu.memory_space<vmem>>, vector<16xi32>,
    %shift_right_logical3A_288 = arith.constant 16 : i32
    %shift_right_logical3A_289 = vector.broadcast %shift_right_logical3A_288 : i32 to vector<16xi32>
    %shift_right_logical3A_290 = arith.shrui %get3A_280, %shift_right_logical3A_289 : vector<16xi32>
    %swap3A_291 = arith.constant 96 : index
    %swap3A_292 = tpu.vector_load %arg9[%swap3A_291] {strides = array<i32>} : memref<128xi32, #tpu.memory_space<vmem>>, vector<16xi32>,
    %swap3A_293 = vector.shape_cast %swap3A_292 : vector<16xi32> to vector<16xi32>
    %swap3A_294 = vector.shape_cast %shift_right_logical3A_290 : vector<16xi32> to vector<16xi32>
    tpu.vector_store %arg9[%swap3A_291], %swap3A_294 {strides = array<i32>} : memref<128xi32, #tpu.memory_space<vmem>>, vector<16xi32>,
    %get3A_295 = arith.constant 1 : i32
    %get3A_296 = arith.index_cast %get3A_295 : i32 to index
    %get3A_297 = arith.constant 112 : index
    %get3A_298 = tpu.vector_load %arg5[%get3A_296, %get3A_297] {strides = array<i32>} : memref<80x128xi32, #tpu.memory_space<vmem>>, vector<1x16xi32>,
    %get3A_299 = vector.shape_cast %get3A_298 : vector<1x16xi32> to vector<16xi32>
    %and3A_300 = arith.constant 65535 : i32
    %and3A_301 = vector.broadcast %and3A_300 : i32 to vector<16xi32>
    %and3A_302 = arith.andi %get3A_299, %and3A_301 : vector<16xi32>
    %swap3A_303 = arith.constant 112 : index
    %swap3A_304 = tpu.vector_load %arg8[%swap3A_303] {strides = array<i32>} : memref<128xi32, #tpu.memory_space<vmem>>, vector<16xi32>,
    %swap3A_305 = vector.shape_cast %swap3A_304 : vector<16xi32> to vector<16xi32>
    %swap3A_306 = vector.shape_cast %and3A_302 : vector<16xi32> to vector<16xi32>
    tpu.vector_store %arg8[%swap3A_303], %swap3A_306 {strides = array<i32>} : memref<128xi32, #tpu.memory_space<vmem>>, vector<16xi32>,
    %shift_right_logical3A_307 = arith.constant 16 : i32
    %shift_right_logical3A_308 = vector.broadcast %shift_right_logical3A_307 : i32 to vector<16xi32>
    %shift_right_logical3A_309 = arith.shrui %get3A_299, %shift_right_logical3A_308 : vector<16xi32>
    %swap3A_310 = arith.constant 112 : index
    %swap3A_311 = tpu.vector_load %arg9[%swap3A_310] {strides = array<i32>} : memref<128xi32, #tpu.memory_space<vmem>>, vector<16xi32>,
    %swap3A_312 = vector.shape_cast %swap3A_311 : vector<16xi32> to vector<16xi32>
    %swap3A_313 = vector.shape_cast %shift_right_logical3A_309 : vector<16xi32> to vector<16xi32>
    tpu.vector_store %arg9[%swap3A_310], %swap3A_313 {strides = array<i32>} : memref<128xi32, #tpu.memory_space<vmem>>, vector<16xi32>,
    %dma_start3A = arith.constant 0 : i32
    %dma_start3A_314 = arith.constant 0 : i32
    %dma_start3A_315 = tpu.memref_slice %arg2[%dma_start3A, %dma_start3A_314] : memref<10112x128xf32, #tpu.memory_space<hbm>> -> memref<10112x128xf32, #tpu.memory_space<hbm>>
    tpu.enqueue_indirect_dma source(%dma_start3A_315 : memref<10112x128xf32, #tpu.memory_space<hbm>>) target(%arg10 : memref<128x128xf32, #tpu.memory_space<vmem>>) offsets(%arg6 : memref<128xi32, #tpu.memory_space<vmem>>) semaphore(%arg13 : memref<!tpu.dma_semaphore, #tpu.memory_space<semaphore_mem>>)
    %dma_start3A_316 = arith.constant 0 : i32
    %dma_start3A_317 = arith.constant 0 : i32
    %dma_start3A_318 = tpu.memref_slice %arg2[%dma_start3A_316, %dma_start3A_317] : memref<10112x128xf32, #tpu.memory_space<hbm>> -> memref<10112x128xf32, #tpu.memory_space<hbm>>
    tpu.enqueue_indirect_dma source(%dma_start3A_318 : memref<10112x128xf32, #tpu.memory_space<hbm>>) target(%arg11 : memref<128x128xf32, #tpu.memory_space<vmem>>) offsets(%arg8 : memref<128xi32, #tpu.memory_space<vmem>>) semaphore(%arg14 : memref<!tpu.dma_semaphore, #tpu.memory_space<semaphore_mem>>)
    %scan3A_319 = arith.constant 0 : i32
    %scan3A_320 = arith.constant 0 : i32
    %scan3A_321 = arith.constant 39 : i32
    %scan3A_322 = arith.addi %scan3A_320, %scan3A_321 : i32
    %scan3A_323 = arith.constant 1 : i32
    %scan3A_324 = scf.for %scan3A_335 = %scan3A_320 to %scan3A_322 step %scan3A_323 iter_args(%scan3A_336 = %scan3A_319) -> (i32)  : i32 {
      %mul3A_337 = arith.constant 2 : i32
      %mul3A_338 = arith.muli %scan3A_335, %mul3A_337 : i32
      %dma_wait3A_339 = arith.constant 0 : i32
      %dma_wait3A_340 = arith.constant 0 : i32
      %dma_wait3A_341 = tpu.memref_slice %arg2[%dma_wait3A_339, %dma_wait3A_340] : memref<10112x128xf32, #tpu.memory_space<hbm>> -> memref<10112x128xf32, #tpu.memory_space<hbm>>
      tpu.wait_indirect_dma semaphore(%arg13 : memref<!tpu.dma_semaphore, #tpu.memory_space<semaphore_mem>>) src(%dma_wait3A_341 : memref<10112x128xf32, #tpu.memory_space<hbm>>) dst(%arg10 : memref<128x128xf32, #tpu.memory_space<vmem>>)
      "tpu.region"() ({
        %run_scoped3A = tpu.sem_alloc : memref<!tpu.dma_semaphore, #tpu.memory_space<semaphore_mem>>
        %dma_start3A_643 = arith.constant 0 : i32
        %dma_start3A_644 = arith.constant 0 : i32
        %dma_start3A_645 = tpu.memref_slice %arg12[%dma_start3A_643, %dma_start3A_644] : memref<10112x128xf32, #tpu.memory_space<vmem_shared>> -> memref<10112x128xf32, #tpu.memory_space<vmem_shared>>
        tpu.enqueue_indirect_dma source(%arg10 : memref<128x128xf32, #tpu.memory_space<vmem>>) target(%dma_start3A_645 : memref<10112x128xf32, #tpu.memory_space<vmem_shared>>) offsets(%arg7 : memref<128xi32, #tpu.memory_space<vmem>>) semaphore(%run_scoped3A : memref<!tpu.dma_semaphore, #tpu.memory_space<semaphore_mem>>) {add = true}
        %dma_wait3A_646 = arith.constant 0 : i32
        %dma_wait3A_647 = arith.constant 0 : i32
        %dma_wait3A_648 = tpu.memref_slice %arg12[%dma_wait3A_646, %dma_wait3A_647] : memref<10112x128xf32, #tpu.memory_space<vmem_shared>> -> memref<10112x128xf32, #tpu.memory_space<vmem_shared>>
        tpu.wait_indirect_dma semaphore(%run_scoped3A : memref<!tpu.dma_semaphore, #tpu.memory_space<semaphore_mem>>) src(%arg10 : memref<128x128xf32, #tpu.memory_space<vmem>>) dst(%dma_wait3A_648 : memref<10112x128xf32, #tpu.memory_space<vmem_shared>>)
        tpu.yield
      }) : () -> ()
      %add3A = arith.constant 2 : i32
      %add3A_342 = arith.addi %mul3A_338, %add3A : i32
      %get3A_343 = arith.index_cast %add3A_342 : i32 to index
      %get3A_344 = arith.constant 0 : index
      %get3A_345 = tpu.vector_load %arg5[%get3A_343, %get3A_344] {strides = array<i32>} : memref<80x128xi32, #tpu.memory_space<vmem>>, vector<1x16xi32>,
      %get3A_346 = vector.shape_cast %get3A_345 : vector<1x16xi32> to vector<16xi32>
      %and3A_347 = arith.constant 65535 : i32
      %and3A_348 = vector.broadcast %and3A_347 : i32 to vector<16xi32>
      %and3A_349 = arith.andi %get3A_346, %and3A_348 : vector<16xi32>
      %swap3A_350 = arith.constant 0 : index
      %swap3A_351 = tpu.vector_load %arg6[%swap3A_350] {strides = array<i32>} : memref<128xi32, #tpu.memory_space<vmem>>, vector<16xi32>,
      %swap3A_352 = vector.shape_cast %swap3A_351 : vector<16xi32> to vector<16xi32>
      %swap3A_353 = vector.shape_cast %and3A_349 : vector<16xi32> to vector<16xi32>
      tpu.vector_store %arg6[%swap3A_350], %swap3A_353 {strides = array<i32>} : memref<128xi32, #tpu.memory_space<vmem>>, vector<16xi32>,
      %shift_right_logical3A_354 = arith.constant 16 : i32
      %shift_right_logical3A_355 = vector.broadcast %shift_right_logical3A_354 : i32 to vector<16xi32>
      %shift_right_logical3A_356 = arith.shrui %get3A_346, %shift_right_logical3A_355 : vector<16xi32>
      %swap3A_357 = arith.constant 0 : index
      %swap3A_358 = tpu.vector_load %arg7[%swap3A_357] {strides = array<i32>} : memref<128xi32, #tpu.memory_space<vmem>>, vector<16xi32>,
      %swap3A_359 = vector.shape_cast %swap3A_358 : vector<16xi32> to vector<16xi32>
      %swap3A_360 = vector.shape_cast %shift_right_logical3A_356 : vector<16xi32> to vector<16xi32>
      tpu.vector_store %arg7[%swap3A_357], %swap3A_360 {strides = array<i32>} : memref<128xi32, #tpu.memory_space<vmem>>, vector<16xi32>,
      %get3A_361 = arith.index_cast %add3A_342 : i32 to index
      %get3A_362 = arith.constant 16 : index
      %get3A_363 = tpu.vector_load %arg5[%get3A_361, %get3A_362] {strides = array<i32>} : memref<80x128xi32, #tpu.memory_space<vmem>>, vector<1x16xi32>,
      %get3A_364 = vector.shape_cast %get3A_363 : vector<1x16xi32> to vector<16xi32>
      %and3A_365 = arith.constant 65535 : i32
      %and3A_366 = vector.broadcast %and3A_365 : i32 to vector<16xi32>
      %and3A_367 = arith.andi %get3A_364, %and3A_366 : vector<16xi32>
      %swap3A_368 = arith.constant 16 : index
      %swap3A_369 = tpu.vector_load %arg6[%swap3A_368] {strides = array<i32>} : memref<128xi32, #tpu.memory_space<vmem>>, vector<16xi32>,
      %swap3A_370 = vector.shape_cast %swap3A_369 : vector<16xi32> to vector<16xi32>
      %swap3A_371 = vector.shape_cast %and3A_367 : vector<16xi32> to vector<16xi32>
      tpu.vector_store %arg6[%swap3A_368], %swap3A_371 {strides = array<i32>} : memref<128xi32, #tpu.memory_space<vmem>>, vector<16xi32>,
      %shift_right_logical3A_372 = arith.constant 16 : i32
      %shift_right_logical3A_373 = vector.broadcast %shift_right_logical3A_372 : i32 to vector<16xi32>
      %shift_right_logical3A_374 = arith.shrui %get3A_364, %shift_right_logical3A_373 : vector<16xi32>
      %swap3A_375 = arith.constant 16 : index
      %swap3A_376 = tpu.vector_load %arg7[%swap3A_375] {strides = array<i32>} : memref<128xi32, #tpu.memory_space<vmem>>, vector<16xi32>,
      %swap3A_377 = vector.shape_cast %swap3A_376 : vector<16xi32> to vector<16xi32>
      %swap3A_378 = vector.shape_cast %shift_right_logical3A_374 : vector<16xi32> to vector<16xi32>
      tpu.vector_store %arg7[%swap3A_375], %swap3A_378 {strides = array<i32>} : memref<128xi32, #tpu.memory_space<vmem>>, vector<16xi32>,
      %get3A_379 = arith.index_cast %add3A_342 : i32 to index
      %get3A_380 = arith.constant 32 : index
      %get3A_381 = tpu.vector_load %arg5[%get3A_379, %get3A_380] {strides = array<i32>} : memref<80x128xi32, #tpu.memory_space<vmem>>, vector<1x16xi32>,
      %get3A_382 = vector.shape_cast %get3A_381 : vector<1x16xi32> to vector<16xi32>
      %and3A_383 = arith.constant 65535 : i32
      %and3A_384 = vector.broadcast %and3A_383 : i32 to vector<16xi32>
      %and3A_385 = arith.andi %get3A_382, %and3A_384 : vector<16xi32>
      %swap3A_386 = arith.constant 32 : index
      %swap3A_387 = tpu.vector_load %arg6[%swap3A_386] {strides = array<i32>} : memref<128xi32, #tpu.memory_space<vmem>>, vector<16xi32>,
      %swap3A_388 = vector.shape_cast %swap3A_387 : vector<16xi32> to vector<16xi32>
      %swap3A_389 = vector.shape_cast %and3A_385 : vector<16xi32> to vector<16xi32>
      tpu.vector_store %arg6[%swap3A_386], %swap3A_389 {strides = array<i32>} : memref<128xi32, #tpu.memory_space<vmem>>, vector<16xi32>,
      %shift_right_logical3A_390 = arith.constant 16 : i32
      %shift_right_logical3A_391 = vector.broadcast %shift_right_logical3A_390 : i32 to vector<16xi32>
      %shift_right_logical3A_392 = arith.shrui %get3A_382, %shift_right_logical3A_391 : vector<16xi32>
      %swap3A_393 = arith.constant 32 : index
      %swap3A_394 = tpu.vector_load %arg7[%swap3A_393] {strides = array<i32>} : memref<128xi32, #tpu.memory_space<vmem>>, vector<16xi32>,
      %swap3A_395 = vector.shape_cast %swap3A_394 : vector<16xi32> to vector<16xi32>
      %swap3A_396 = vector.shape_cast %shift_right_logical3A_392 : vector<16xi32> to vector<16xi32>
      tpu.vector_store %arg7[%swap3A_393], %swap3A_396 {strides = array<i32>} : memref<128xi32, #tpu.memory_space<vmem>>, vector<16xi32>,
      %get3A_397 = arith.index_cast %add3A_342 : i32 to index
      %get3A_398 = arith.constant 48 : index
      %get3A_399 = tpu.vector_load %arg5[%get3A_397, %get3A_398] {strides = array<i32>} : memref<80x128xi32, #tpu.memory_space<vmem>>, vector<1x16xi32>,
      %get3A_400 = vector.shape_cast %get3A_399 : vector<1x16xi32> to vector<16xi32>
      %and3A_401 = arith.constant 65535 : i32
      %and3A_402 = vector.broadcast %and3A_401 : i32 to vector<16xi32>
      %and3A_403 = arith.andi %get3A_400, %and3A_402 : vector<16xi32>
      %swap3A_404 = arith.constant 48 : index
      %swap3A_405 = tpu.vector_load %arg6[%swap3A_404] {strides = array<i32>} : memref<128xi32, #tpu.memory_space<vmem>>, vector<16xi32>,
      %swap3A_406 = vector.shape_cast %swap3A_405 : vector<16xi32> to vector<16xi32>
      %swap3A_407 = vector.shape_cast %and3A_403 : vector<16xi32> to vector<16xi32>
      tpu.vector_store %arg6[%swap3A_404], %swap3A_407 {strides = array<i32>} : memref<128xi32, #tpu.memory_space<vmem>>, vector<16xi32>,
      %shift_right_logical3A_408 = arith.constant 16 : i32
      %shift_right_logical3A_409 = vector.broadcast %shift_right_logical3A_408 : i32 to vector<16xi32>
      %shift_right_logical3A_410 = arith.shrui %get3A_400, %shift_right_logical3A_409 : vector<16xi32>
      %swap3A_411 = arith.constant 48 : index
      %swap3A_412 = tpu.vector_load %arg7[%swap3A_411] {strides = array<i32>} : memref<128xi32, #tpu.memory_space<vmem>>, vector<16xi32>,
      %swap3A_413 = vector.shape_cast %swap3A_412 : vector<16xi32> to vector<16xi32>
      %swap3A_414 = vector.shape_cast %shift_right_logical3A_410 : vector<16xi32> to vector<16xi32>
      tpu.vector_store %arg7[%swap3A_411], %swap3A_414 {strides = array<i32>} : memref<128xi32, #tpu.memory_space<vmem>>, vector<16xi32>,
      %get3A_415 = arith.index_cast %add3A_342 : i32 to index
      %get3A_416 = arith.constant 64 : index
      %get3A_417 = tpu.vector_load %arg5[%get3A_415, %get3A_416] {strides = array<i32>} : memref<80x128xi32, #tpu.memory_space<vmem>>, vector<1x16xi32>,
      %get3A_418 = vector.shape_cast %get3A_417 : vector<1x16xi32> to vector<16xi32>
      %and3A_419 = arith.constant 65535 : i32
      %and3A_420 = vector.broadcast %and3A_419 : i32 to vector<16xi32>
      %and3A_421 = arith.andi %get3A_418, %and3A_420 : vector<16xi32>
      %swap3A_422 = arith.constant 64 : index
      %swap3A_423 = tpu.vector_load %arg6[%swap3A_422] {strides = array<i32>} : memref<128xi32, #tpu.memory_space<vmem>>, vector<16xi32>,
      %swap3A_424 = vector.shape_cast %swap3A_423 : vector<16xi32> to vector<16xi32>
      %swap3A_425 = vector.shape_cast %and3A_421 : vector<16xi32> to vector<16xi32>
      tpu.vector_store %arg6[%swap3A_422], %swap3A_425 {strides = array<i32>} : memref<128xi32, #tpu.memory_space<vmem>>, vector<16xi32>,
      %shift_right_logical3A_426 = arith.constant 16 : i32
      %shift_right_logical3A_427 = vector.broadcast %shift_right_logical3A_426 : i32 to vector<16xi32>
      %shift_right_logical3A_428 = arith.shrui %get3A_418, %shift_right_logical3A_427 : vector<16xi32>
      %swap3A_429 = arith.constant 64 : index
      %swap3A_430 = tpu.vector_load %arg7[%swap3A_429] {strides = array<i32>} : memref<128xi32, #tpu.memory_space<vmem>>, vector<16xi32>,
      %swap3A_431 = vector.shape_cast %swap3A_430 : vector<16xi32> to vector<16xi32>
      %swap3A_432 = vector.shape_cast %shift_right_logical3A_428 : vector<16xi32> to vector<16xi32>
      tpu.vector_store %arg7[%swap3A_429], %swap3A_432 {strides = array<i32>} : memref<128xi32, #tpu.memory_space<vmem>>, vector<16xi32>,
      %get3A_433 = arith.index_cast %add3A_342 : i32 to index
      %get3A_434 = arith.constant 80 : index
      %get3A_435 = tpu.vector_load %arg5[%get3A_433, %get3A_434] {strides = array<i32>} : memref<80x128xi32, #tpu.memory_space<vmem>>, vector<1x16xi32>,
      %get3A_436 = vector.shape_cast %get3A_435 : vector<1x16xi32> to vector<16xi32>
      %and3A_437 = arith.constant 65535 : i32
      %and3A_438 = vector.broadcast %and3A_437 : i32 to vector<16xi32>
      %and3A_439 = arith.andi %get3A_436, %and3A_438 : vector<16xi32>
      %swap3A_440 = arith.constant 80 : index
      %swap3A_441 = tpu.vector_load %arg6[%swap3A_440] {strides = array<i32>} : memref<128xi32, #tpu.memory_space<vmem>>, vector<16xi32>,
      %swap3A_442 = vector.shape_cast %swap3A_441 : vector<16xi32> to vector<16xi32>
      %swap3A_443 = vector.shape_cast %and3A_439 : vector<16xi32> to vector<16xi32>
      tpu.vector_store %arg6[%swap3A_440], %swap3A_443 {strides = array<i32>} : memref<128xi32, #tpu.memory_space<vmem>>, vector<16xi32>,
      %shift_right_logical3A_444 = arith.constant 16 : i32
      %shift_right_logical3A_445 = vector.broadcast %shift_right_logical3A_444 : i32 to vector<16xi32>
      %shift_right_logical3A_446 = arith.shrui %get3A_436, %shift_right_logical3A_445 : vector<16xi32>
      %swap3A_447 = arith.constant 80 : index
      %swap3A_448 = tpu.vector_load %arg7[%swap3A_447] {strides = array<i32>} : memref<128xi32, #tpu.memory_space<vmem>>, vector<16xi32>,
      %swap3A_449 = vector.shape_cast %swap3A_448 : vector<16xi32> to vector<16xi32>
      %swap3A_450 = vector.shape_cast %shift_right_logical3A_446 : vector<16xi32> to vector<16xi32>
      tpu.vector_store %arg7[%swap3A_447], %swap3A_450 {strides = array<i32>} : memref<128xi32, #tpu.memory_space<vmem>>, vector<16xi32>,
      %get3A_451 = arith.index_cast %add3A_342 : i32 to index
      %get3A_452 = arith.constant 96 : index
      %get3A_453 = tpu.vector_load %arg5[%get3A_451, %get3A_452] {strides = array<i32>} : memref<80x128xi32, #tpu.memory_space<vmem>>, vector<1x16xi32>,
      %get3A_454 = vector.shape_cast %get3A_453 : vector<1x16xi32> to vector<16xi32>
      %and3A_455 = arith.constant 65535 : i32
      %and3A_456 = vector.broadcast %and3A_455 : i32 to vector<16xi32>
      %and3A_457 = arith.andi %get3A_454, %and3A_456 : vector<16xi32>
      %swap3A_458 = arith.constant 96 : index
      %swap3A_459 = tpu.vector_load %arg6[%swap3A_458] {strides = array<i32>} : memref<128xi32, #tpu.memory_space<vmem>>, vector<16xi32>,
      %swap3A_460 = vector.shape_cast %swap3A_459 : vector<16xi32> to vector<16xi32>
      %swap3A_461 = vector.shape_cast %and3A_457 : vector<16xi32> to vector<16xi32>
      tpu.vector_store %arg6[%swap3A_458], %swap3A_461 {strides = array<i32>} : memref<128xi32, #tpu.memory_space<vmem>>, vector<16xi32>,
      %shift_right_logical3A_462 = arith.constant 16 : i32
      %shift_right_logical3A_463 = vector.broadcast %shift_right_logical3A_462 : i32 to vector<16xi32>
      %shift_right_logical3A_464 = arith.shrui %get3A_454, %shift_right_logical3A_463 : vector<16xi32>
      %swap3A_465 = arith.constant 96 : index
      %swap3A_466 = tpu.vector_load %arg7[%swap3A_465] {strides = array<i32>} : memref<128xi32, #tpu.memory_space<vmem>>, vector<16xi32>,
      %swap3A_467 = vector.shape_cast %swap3A_466 : vector<16xi32> to vector<16xi32>
      %swap3A_468 = vector.shape_cast %shift_right_logical3A_464 : vector<16xi32> to vector<16xi32>
      tpu.vector_store %arg7[%swap3A_465], %swap3A_468 {strides = array<i32>} : memref<128xi32, #tpu.memory_space<vmem>>, vector<16xi32>,
      %get3A_469 = arith.index_cast %add3A_342 : i32 to index
      %get3A_470 = arith.constant 112 : index
      %get3A_471 = tpu.vector_load %arg5[%get3A_469, %get3A_470] {strides = array<i32>} : memref<80x128xi32, #tpu.memory_space<vmem>>, vector<1x16xi32>,
      %get3A_472 = vector.shape_cast %get3A_471 : vector<1x16xi32> to vector<16xi32>
      %and3A_473 = arith.constant 65535 : i32
      %and3A_474 = vector.broadcast %and3A_473 : i32 to vector<16xi32>
      %and3A_475 = arith.andi %get3A_472, %and3A_474 : vector<16xi32>
      %swap3A_476 = arith.constant 112 : index
      %swap3A_477 = tpu.vector_load %arg6[%swap3A_476] {strides = array<i32>} : memref<128xi32, #tpu.memory_space<vmem>>, vector<16xi32>,
      %swap3A_478 = vector.shape_cast %swap3A_477 : vector<16xi32> to vector<16xi32>
      %swap3A_479 = vector.shape_cast %and3A_475 : vector<16xi32> to vector<16xi32>
      tpu.vector_store %arg6[%swap3A_476], %swap3A_479 {strides = array<i32>} : memref<128xi32, #tpu.memory_space<vmem>>, vector<16xi32>,
      %shift_right_logical3A_480 = arith.constant 16 : i32
      %shift_right_logical3A_481 = vector.broadcast %shift_right_logical3A_480 : i32 to vector<16xi32>
      %shift_right_logical3A_482 = arith.shrui %get3A_472, %shift_right_logical3A_481 : vector<16xi32>
      %swap3A_483 = arith.constant 112 : index
      %swap3A_484 = tpu.vector_load %arg7[%swap3A_483] {strides = array<i32>} : memref<128xi32, #tpu.memory_space<vmem>>, vector<16xi32>,
      %swap3A_485 = vector.shape_cast %swap3A_484 : vector<16xi32> to vector<16xi32>
      %swap3A_486 = vector.shape_cast %shift_right_logical3A_482 : vector<16xi32> to vector<16xi32>
      tpu.vector_store %arg7[%swap3A_483], %swap3A_486 {strides = array<i32>} : memref<128xi32, #tpu.memory_space<vmem>>, vector<16xi32>,
      %dma_start3A_487 = arith.constant 0 : i32
      %dma_start3A_488 = arith.constant 0 : i32
      %dma_start3A_489 = tpu.memref_slice %arg2[%dma_start3A_487, %dma_start3A_488] : memref<10112x128xf32, #tpu.memory_space<hbm>> -> memref<10112x128xf32, #tpu.memory_space<hbm>>
      tpu.enqueue_indirect_dma source(%dma_start3A_489 : memref<10112x128xf32, #tpu.memory_space<hbm>>) target(%arg10 : memref<128x128xf32, #tpu.memory_space<vmem>>) offsets(%arg6 : memref<128xi32, #tpu.memory_space<vmem>>) semaphore(%arg13 : memref<!tpu.dma_semaphore, #tpu.memory_space<semaphore_mem>>)
      %dma_wait3A_490 = arith.constant 0 : i32
      %dma_wait3A_491 = arith.constant 0 : i32
      %dma_wait3A_492 = tpu.memref_slice %arg2[%dma_wait3A_490, %dma_wait3A_491] : memref<10112x128xf32, #tpu.memory_space<hbm>> -> memref<10112x128xf32, #tpu.memory_space<hbm>>
      tpu.wait_indirect_dma semaphore(%arg14 : memref<!tpu.dma_semaphore, #tpu.memory_space<semaphore_mem>>) src(%dma_wait3A_492 : memref<10112x128xf32, #tpu.memory_space<hbm>>) dst(%arg11 : memref<128x128xf32, #tpu.memory_space<vmem>>)
      "tpu.region"() ({
        %run_scoped3A = tpu.sem_alloc : memref<!tpu.dma_semaphore, #tpu.memory_space<semaphore_mem>>
        %dma_start3A_643 = arith.constant 0 : i32
        %dma_start3A_644 = arith.constant 0 : i32
        %dma_start3A_645 = tpu.memref_slice %arg12[%dma_start3A_643, %dma_start3A_644] : memref<10112x128xf32, #tpu.memory_space<vmem_shared>> -> memref<10112x128xf32, #tpu.memory_space<vmem_shared>>
        tpu.enqueue_indirect_dma source(%arg11 : memref<128x128xf32, #tpu.memory_space<vmem>>) target(%dma_start3A_645 : memref<10112x128xf32, #tpu.memory_space<vmem_shared>>) offsets(%arg9 : memref<128xi32, #tpu.memory_space<vmem>>) semaphore(%run_scoped3A : memref<!tpu.dma_semaphore, #tpu.memory_space<semaphore_mem>>) {add = true}
        %dma_wait3A_646 = arith.constant 0 : i32
        %dma_wait3A_647 = arith.constant 0 : i32
        %dma_wait3A_648 = tpu.memref_slice %arg12[%dma_wait3A_646, %dma_wait3A_647] : memref<10112x128xf32, #tpu.memory_space<vmem_shared>> -> memref<10112x128xf32, #tpu.memory_space<vmem_shared>>
        tpu.wait_indirect_dma semaphore(%run_scoped3A : memref<!tpu.dma_semaphore, #tpu.memory_space<semaphore_mem>>) src(%arg11 : memref<128x128xf32, #tpu.memory_space<vmem>>) dst(%dma_wait3A_648 : memref<10112x128xf32, #tpu.memory_space<vmem_shared>>)
        tpu.yield
      }) : () -> ()
      %add3A_493 = arith.constant 3 : i32
      %add3A_494 = arith.addi %mul3A_338, %add3A_493 : i32
      %get3A_495 = arith.index_cast %add3A_494 : i32 to index
      %get3A_496 = arith.constant 0 : index
      %get3A_497 = tpu.vector_load %arg5[%get3A_495, %get3A_496] {strides = array<i32>} : memref<80x128xi32, #tpu.memory_space<vmem>>, vector<1x16xi32>,
      %get3A_498 = vector.shape_cast %get3A_497 : vector<1x16xi32> to vector<16xi32>
      %and3A_499 = arith.constant 65535 : i32
      %and3A_500 = vector.broadcast %and3A_499 : i32 to vector<16xi32>
      %and3A_501 = arith.andi %get3A_498, %and3A_500 : vector<16xi32>
      %swap3A_502 = arith.constant 0 : index
      %swap3A_503 = tpu.vector_load %arg8[%swap3A_502] {strides = array<i32>} : memref<128xi32, #tpu.memory_space<vmem>>, vector<16xi32>,
      %swap3A_504 = vector.shape_cast %swap3A_503 : vector<16xi32> to vector<16xi32>
      %swap3A_505 = vector.shape_cast %and3A_501 : vector<16xi32> to vector<16xi32>
      tpu.vector_store %arg8[%swap3A_502], %swap3A_505 {strides = array<i32>} : memref<128xi32, #tpu.memory_space<vmem>>, vector<16xi32>,
      %shift_right_logical3A_506 = arith.constant 16 : i32
      %shift_right_logical3A_507 = vector.broadcast %shift_right_logical3A_506 : i32 to vector<16xi32>
      %shift_right_logical3A_508 = arith.shrui %get3A_498, %shift_right_logical3A_507 : vector<16xi32>
      %swap3A_509 = arith.constant 0 : index
      %swap3A_510 = tpu.vector_load %arg9[%swap3A_509] {strides = array<i32>} : memref<128xi32, #tpu.memory_space<vmem>>, vector<16xi32>,
      %swap3A_511 = vector.shape_cast %swap3A_510 : vector<16xi32> to vector<16xi32>
      %swap3A_512 = vector.shape_cast %shift_right_logical3A_508 : vector<16xi32> to vector<16xi32>
      tpu.vector_store %arg9[%swap3A_509], %swap3A_512 {strides = array<i32>} : memref<128xi32, #tpu.memory_space<vmem>>, vector<16xi32>,
      %get3A_513 = arith.index_cast %add3A_494 : i32 to index
      %get3A_514 = arith.constant 16 : index
      %get3A_515 = tpu.vector_load %arg5[%get3A_513, %get3A_514] {strides = array<i32>} : memref<80x128xi32, #tpu.memory_space<vmem>>, vector<1x16xi32>,
      %get3A_516 = vector.shape_cast %get3A_515 : vector<1x16xi32> to vector<16xi32>
      %and3A_517 = arith.constant 65535 : i32
      %and3A_518 = vector.broadcast %and3A_517 : i32 to vector<16xi32>
      %and3A_519 = arith.andi %get3A_516, %and3A_518 : vector<16xi32>
      %swap3A_520 = arith.constant 16 : index
      %swap3A_521 = tpu.vector_load %arg8[%swap3A_520] {strides = array<i32>} : memref<128xi32, #tpu.memory_space<vmem>>, vector<16xi32>,
      %swap3A_522 = vector.shape_cast %swap3A_521 : vector<16xi32> to vector<16xi32>
      %swap3A_523 = vector.shape_cast %and3A_519 : vector<16xi32> to vector<16xi32>
      tpu.vector_store %arg8[%swap3A_520], %swap3A_523 {strides = array<i32>} : memref<128xi32, #tpu.memory_space<vmem>>, vector<16xi32>,
      %shift_right_logical3A_524 = arith.constant 16 : i32
      %shift_right_logical3A_525 = vector.broadcast %shift_right_logical3A_524 : i32 to vector<16xi32>
      %shift_right_logical3A_526 = arith.shrui %get3A_516, %shift_right_logical3A_525 : vector<16xi32>
      %swap3A_527 = arith.constant 16 : index
      %swap3A_528 = tpu.vector_load %arg9[%swap3A_527] {strides = array<i32>} : memref<128xi32, #tpu.memory_space<vmem>>, vector<16xi32>,
      %swap3A_529 = vector.shape_cast %swap3A_528 : vector<16xi32> to vector<16xi32>
      %swap3A_530 = vector.shape_cast %shift_right_logical3A_526 : vector<16xi32> to vector<16xi32>
      tpu.vector_store %arg9[%swap3A_527], %swap3A_530 {strides = array<i32>} : memref<128xi32, #tpu.memory_space<vmem>>, vector<16xi32>,
      %get3A_531 = arith.index_cast %add3A_494 : i32 to index
      %get3A_532 = arith.constant 32 : index
      %get3A_533 = tpu.vector_load %arg5[%get3A_531, %get3A_532] {strides = array<i32>} : memref<80x128xi32, #tpu.memory_space<vmem>>, vector<1x16xi32>,
      %get3A_534 = vector.shape_cast %get3A_533 : vector<1x16xi32> to vector<16xi32>
      %and3A_535 = arith.constant 65535 : i32
      %and3A_536 = vector.broadcast %and3A_535 : i32 to vector<16xi32>
      %and3A_537 = arith.andi %get3A_534, %and3A_536 : vector<16xi32>
      %swap3A_538 = arith.constant 32 : index
      %swap3A_539 = tpu.vector_load %arg8[%swap3A_538] {strides = array<i32>} : memref<128xi32, #tpu.memory_space<vmem>>, vector<16xi32>,
      %swap3A_540 = vector.shape_cast %swap3A_539 : vector<16xi32> to vector<16xi32>
      %swap3A_541 = vector.shape_cast %and3A_537 : vector<16xi32> to vector<16xi32>
      tpu.vector_store %arg8[%swap3A_538], %swap3A_541 {strides = array<i32>} : memref<128xi32, #tpu.memory_space<vmem>>, vector<16xi32>,
      %shift_right_logical3A_542 = arith.constant 16 : i32
      %shift_right_logical3A_543 = vector.broadcast %shift_right_logical3A_542 : i32 to vector<16xi32>
      %shift_right_logical3A_544 = arith.shrui %get3A_534, %shift_right_logical3A_543 : vector<16xi32>
      %swap3A_545 = arith.constant 32 : index
      %swap3A_546 = tpu.vector_load %arg9[%swap3A_545] {strides = array<i32>} : memref<128xi32, #tpu.memory_space<vmem>>, vector<16xi32>,
      %swap3A_547 = vector.shape_cast %swap3A_546 : vector<16xi32> to vector<16xi32>
      %swap3A_548 = vector.shape_cast %shift_right_logical3A_544 : vector<16xi32> to vector<16xi32>
      tpu.vector_store %arg9[%swap3A_545], %swap3A_548 {strides = array<i32>} : memref<128xi32, #tpu.memory_space<vmem>>, vector<16xi32>,
      %get3A_549 = arith.index_cast %add3A_494 : i32 to index
      %get3A_550 = arith.constant 48 : index
      %get3A_551 = tpu.vector_load %arg5[%get3A_549, %get3A_550] {strides = array<i32>} : memref<80x128xi32, #tpu.memory_space<vmem>>, vector<1x16xi32>,
      %get3A_552 = vector.shape_cast %get3A_551 : vector<1x16xi32> to vector<16xi32>
      %and3A_553 = arith.constant 65535 : i32
      %and3A_554 = vector.broadcast %and3A_553 : i32 to vector<16xi32>
      %and3A_555 = arith.andi %get3A_552, %and3A_554 : vector<16xi32>
      %swap3A_556 = arith.constant 48 : index
      %swap3A_557 = tpu.vector_load %arg8[%swap3A_556] {strides = array<i32>} : memref<128xi32, #tpu.memory_space<vmem>>, vector<16xi32>,
      %swap3A_558 = vector.shape_cast %swap3A_557 : vector<16xi32> to vector<16xi32>
      %swap3A_559 = vector.shape_cast %and3A_555 : vector<16xi32> to vector<16xi32>
      tpu.vector_store %arg8[%swap3A_556], %swap3A_559 {strides = array<i32>} : memref<128xi32, #tpu.memory_space<vmem>>, vector<16xi32>,
      %shift_right_logical3A_560 = arith.constant 16 : i32
      %shift_right_logical3A_561 = vector.broadcast %shift_right_logical3A_560 : i32 to vector<16xi32>
      %shift_right_logical3A_562 = arith.shrui %get3A_552, %shift_right_logical3A_561 : vector<16xi32>
      %swap3A_563 = arith.constant 48 : index
      %swap3A_564 = tpu.vector_load %arg9[%swap3A_563] {strides = array<i32>} : memref<128xi32, #tpu.memory_space<vmem>>, vector<16xi32>,
      %swap3A_565 = vector.shape_cast %swap3A_564 : vector<16xi32> to vector<16xi32>
      %swap3A_566 = vector.shape_cast %shift_right_logical3A_562 : vector<16xi32> to vector<16xi32>
      tpu.vector_store %arg9[%swap3A_563], %swap3A_566 {strides = array<i32>} : memref<128xi32, #tpu.memory_space<vmem>>, vector<16xi32>,
      %get3A_567 = arith.index_cast %add3A_494 : i32 to index
      %get3A_568 = arith.constant 64 : index
      %get3A_569 = tpu.vector_load %arg5[%get3A_567, %get3A_568] {strides = array<i32>} : memref<80x128xi32, #tpu.memory_space<vmem>>, vector<1x16xi32>,
      %get3A_570 = vector.shape_cast %get3A_569 : vector<1x16xi32> to vector<16xi32>
      %and3A_571 = arith.constant 65535 : i32
      %and3A_572 = vector.broadcast %and3A_571 : i32 to vector<16xi32>
      %and3A_573 = arith.andi %get3A_570, %and3A_572 : vector<16xi32>
      %swap3A_574 = arith.constant 64 : index
      %swap3A_575 = tpu.vector_load %arg8[%swap3A_574] {strides = array<i32>} : memref<128xi32, #tpu.memory_space<vmem>>, vector<16xi32>,
      %swap3A_576 = vector.shape_cast %swap3A_575 : vector<16xi32> to vector<16xi32>
      %swap3A_577 = vector.shape_cast %and3A_573 : vector<16xi32> to vector<16xi32>
      tpu.vector_store %arg8[%swap3A_574], %swap3A_577 {strides = array<i32>} : memref<128xi32, #tpu.memory_space<vmem>>, vector<16xi32>,
      %shift_right_logical3A_578 = arith.constant 16 : i32
      %shift_right_logical3A_579 = vector.broadcast %shift_right_logical3A_578 : i32 to vector<16xi32>
      %shift_right_logical3A_580 = arith.shrui %get3A_570, %shift_right_logical3A_579 : vector<16xi32>
      %swap3A_581 = arith.constant 64 : index
      %swap3A_582 = tpu.vector_load %arg9[%swap3A_581] {strides = array<i32>} : memref<128xi32, #tpu.memory_space<vmem>>, vector<16xi32>,
      %swap3A_583 = vector.shape_cast %swap3A_582 : vector<16xi32> to vector<16xi32>
      %swap3A_584 = vector.shape_cast %shift_right_logical3A_580 : vector<16xi32> to vector<16xi32>
      tpu.vector_store %arg9[%swap3A_581], %swap3A_584 {strides = array<i32>} : memref<128xi32, #tpu.memory_space<vmem>>, vector<16xi32>,
      %get3A_585 = arith.index_cast %add3A_494 : i32 to index
      %get3A_586 = arith.constant 80 : index
      %get3A_587 = tpu.vector_load %arg5[%get3A_585, %get3A_586] {strides = array<i32>} : memref<80x128xi32, #tpu.memory_space<vmem>>, vector<1x16xi32>,
      %get3A_588 = vector.shape_cast %get3A_587 : vector<1x16xi32> to vector<16xi32>
      %and3A_589 = arith.constant 65535 : i32
      %and3A_590 = vector.broadcast %and3A_589 : i32 to vector<16xi32>
      %and3A_591 = arith.andi %get3A_588, %and3A_590 : vector<16xi32>
      %swap3A_592 = arith.constant 80 : index
      %swap3A_593 = tpu.vector_load %arg8[%swap3A_592] {strides = array<i32>} : memref<128xi32, #tpu.memory_space<vmem>>, vector<16xi32>,
      %swap3A_594 = vector.shape_cast %swap3A_593 : vector<16xi32> to vector<16xi32>
      %swap3A_595 = vector.shape_cast %and3A_591 : vector<16xi32> to vector<16xi32>
      tpu.vector_store %arg8[%swap3A_592], %swap3A_595 {strides = array<i32>} : memref<128xi32, #tpu.memory_space<vmem>>, vector<16xi32>,
      %shift_right_logical3A_596 = arith.constant 16 : i32
      %shift_right_logical3A_597 = vector.broadcast %shift_right_logical3A_596 : i32 to vector<16xi32>
      %shift_right_logical3A_598 = arith.shrui %get3A_588, %shift_right_logical3A_597 : vector<16xi32>
      %swap3A_599 = arith.constant 80 : index
      %swap3A_600 = tpu.vector_load %arg9[%swap3A_599] {strides = array<i32>} : memref<128xi32, #tpu.memory_space<vmem>>, vector<16xi32>,
      %swap3A_601 = vector.shape_cast %swap3A_600 : vector<16xi32> to vector<16xi32>
      %swap3A_602 = vector.shape_cast %shift_right_logical3A_598 : vector<16xi32> to vector<16xi32>
      tpu.vector_store %arg9[%swap3A_599], %swap3A_602 {strides = array<i32>} : memref<128xi32, #tpu.memory_space<vmem>>, vector<16xi32>,
      %get3A_603 = arith.index_cast %add3A_494 : i32 to index
      %get3A_604 = arith.constant 96 : index
      %get3A_605 = tpu.vector_load %arg5[%get3A_603, %get3A_604] {strides = array<i32>} : memref<80x128xi32, #tpu.memory_space<vmem>>, vector<1x16xi32>,
      %get3A_606 = vector.shape_cast %get3A_605 : vector<1x16xi32> to vector<16xi32>
      %and3A_607 = arith.constant 65535 : i32
      %and3A_608 = vector.broadcast %and3A_607 : i32 to vector<16xi32>
      %and3A_609 = arith.andi %get3A_606, %and3A_608 : vector<16xi32>
      %swap3A_610 = arith.constant 96 : index
      %swap3A_611 = tpu.vector_load %arg8[%swap3A_610] {strides = array<i32>} : memref<128xi32, #tpu.memory_space<vmem>>, vector<16xi32>,
      %swap3A_612 = vector.shape_cast %swap3A_611 : vector<16xi32> to vector<16xi32>
      %swap3A_613 = vector.shape_cast %and3A_609 : vector<16xi32> to vector<16xi32>
      tpu.vector_store %arg8[%swap3A_610], %swap3A_613 {strides = array<i32>} : memref<128xi32, #tpu.memory_space<vmem>>, vector<16xi32>,
      %shift_right_logical3A_614 = arith.constant 16 : i32
      %shift_right_logical3A_615 = vector.broadcast %shift_right_logical3A_614 : i32 to vector<16xi32>
      %shift_right_logical3A_616 = arith.shrui %get3A_606, %shift_right_logical3A_615 : vector<16xi32>
      %swap3A_617 = arith.constant 96 : index
      %swap3A_618 = tpu.vector_load %arg9[%swap3A_617] {strides = array<i32>} : memref<128xi32, #tpu.memory_space<vmem>>, vector<16xi32>,
      %swap3A_619 = vector.shape_cast %swap3A_618 : vector<16xi32> to vector<16xi32>
      %swap3A_620 = vector.shape_cast %shift_right_logical3A_616 : vector<16xi32> to vector<16xi32>
      tpu.vector_store %arg9[%swap3A_617], %swap3A_620 {strides = array<i32>} : memref<128xi32, #tpu.memory_space<vmem>>, vector<16xi32>,
      %get3A_621 = arith.index_cast %add3A_494 : i32 to index
      %get3A_622 = arith.constant 112 : index
      %get3A_623 = tpu.vector_load %arg5[%get3A_621, %get3A_622] {strides = array<i32>} : memref<80x128xi32, #tpu.memory_space<vmem>>, vector<1x16xi32>,
      %get3A_624 = vector.shape_cast %get3A_623 : vector<1x16xi32> to vector<16xi32>
      %and3A_625 = arith.constant 65535 : i32
      %and3A_626 = vector.broadcast %and3A_625 : i32 to vector<16xi32>
      %and3A_627 = arith.andi %get3A_624, %and3A_626 : vector<16xi32>
      %swap3A_628 = arith.constant 112 : index
      %swap3A_629 = tpu.vector_load %arg8[%swap3A_628] {strides = array<i32>} : memref<128xi32, #tpu.memory_space<vmem>>, vector<16xi32>,
      %swap3A_630 = vector.shape_cast %swap3A_629 : vector<16xi32> to vector<16xi32>
      %swap3A_631 = vector.shape_cast %and3A_627 : vector<16xi32> to vector<16xi32>
      tpu.vector_store %arg8[%swap3A_628], %swap3A_631 {strides = array<i32>} : memref<128xi32, #tpu.memory_space<vmem>>, vector<16xi32>,
      %shift_right_logical3A_632 = arith.constant 16 : i32
      %shift_right_logical3A_633 = vector.broadcast %shift_right_logical3A_632 : i32 to vector<16xi32>
      %shift_right_logical3A_634 = arith.shrui %get3A_624, %shift_right_logical3A_633 : vector<16xi32>
      %swap3A_635 = arith.constant 112 : index
      %swap3A_636 = tpu.vector_load %arg9[%swap3A_635] {strides = array<i32>} : memref<128xi32, #tpu.memory_space<vmem>>, vector<16xi32>,
      %swap3A_637 = vector.shape_cast %swap3A_636 : vector<16xi32> to vector<16xi32>
      %swap3A_638 = vector.shape_cast %shift_right_logical3A_634 : vector<16xi32> to vector<16xi32>
      tpu.vector_store %arg9[%swap3A_635], %swap3A_638 {strides = array<i32>} : memref<128xi32, #tpu.memory_space<vmem>>, vector<16xi32>,
      %dma_start3A_639 = arith.constant 0 : i32
      %dma_start3A_640 = arith.constant 0 : i32
      %dma_start3A_641 = tpu.memref_slice %arg2[%dma_start3A_639, %dma_start3A_640] : memref<10112x128xf32, #tpu.memory_space<hbm>> -> memref<10112x128xf32, #tpu.memory_space<hbm>>
      tpu.enqueue_indirect_dma source(%dma_start3A_641 : memref<10112x128xf32, #tpu.memory_space<hbm>>) target(%arg11 : memref<128x128xf32, #tpu.memory_space<vmem>>) offsets(%arg8 : memref<128xi32, #tpu.memory_space<vmem>>) semaphore(%arg14 : memref<!tpu.dma_semaphore, #tpu.memory_space<semaphore_mem>>)
      %scan3A_642 = arith.constant 0 : i32
      scf.yield %scan3A_642 : i32
    }
    %scan3A_325 = arith.constant 39 : i32
    %dma_wait3A = arith.constant 0 : i32
    %dma_wait3A_326 = arith.constant 0 : i32
    %dma_wait3A_327 = tpu.memref_slice %arg2[%dma_wait3A, %dma_wait3A_326] : memref<10112x128xf32, #tpu.memory_space<hbm>> -> memref<10112x128xf32, #tpu.memory_space<hbm>>
    tpu.wait_indirect_dma semaphore(%arg13 : memref<!tpu.dma_semaphore, #tpu.memory_space<semaphore_mem>>) src(%dma_wait3A_327 : memref<10112x128xf32, #tpu.memory_space<hbm>>) dst(%arg10 : memref<128x128xf32, #tpu.memory_space<vmem>>)
    "tpu.region"() ({
      %run_scoped3A = tpu.sem_alloc : memref<!tpu.dma_semaphore, #tpu.memory_space<semaphore_mem>>
      %dma_start3A_335 = arith.constant 0 : i32
      %dma_start3A_336 = arith.constant 0 : i32
      %dma_start3A_337 = tpu.memref_slice %arg12[%dma_start3A_335, %dma_start3A_336] : memref<10112x128xf32, #tpu.memory_space<vmem_shared>> -> memref<10112x128xf32, #tpu.memory_space<vmem_shared>>
      tpu.enqueue_indirect_dma source(%arg10 : memref<128x128xf32, #tpu.memory_space<vmem>>) target(%dma_start3A_337 : memref<10112x128xf32, #tpu.memory_space<vmem_shared>>) offsets(%arg7 : memref<128xi32, #tpu.memory_space<vmem>>) semaphore(%run_scoped3A : memref<!tpu.dma_semaphore, #tpu.memory_space<semaphore_mem>>) {add = true}
      %dma_wait3A_338 = arith.constant 0 : i32
      %dma_wait3A_339 = arith.constant 0 : i32
      %dma_wait3A_340 = tpu.memref_slice %arg12[%dma_wait3A_338, %dma_wait3A_339] : memref<10112x128xf32, #tpu.memory_space<vmem_shared>> -> memref<10112x128xf32, #tpu.memory_space<vmem_shared>>
      tpu.wait_indirect_dma semaphore(%run_scoped3A : memref<!tpu.dma_semaphore, #tpu.memory_space<semaphore_mem>>) src(%arg10 : memref<128x128xf32, #tpu.memory_space<vmem>>) dst(%dma_wait3A_340 : memref<10112x128xf32, #tpu.memory_space<vmem_shared>>)
      tpu.yield
    }) : () -> ()
    %dma_wait3A_328 = arith.constant 0 : i32
    %dma_wait3A_329 = arith.constant 0 : i32
    %dma_wait3A_330 = tpu.memref_slice %arg2[%dma_wait3A_328, %dma_wait3A_329] : memref<10112x128xf32, #tpu.memory_space<hbm>> -> memref<10112x128xf32, #tpu.memory_space<hbm>>
    tpu.wait_indirect_dma semaphore(%arg14 : memref<!tpu.dma_semaphore, #tpu.memory_space<semaphore_mem>>) src(%dma_wait3A_330 : memref<10112x128xf32, #tpu.memory_space<hbm>>) dst(%arg11 : memref<128x128xf32, #tpu.memory_space<vmem>>)
    "tpu.region"() ({
      %run_scoped3A = tpu.sem_alloc : memref<!tpu.dma_semaphore, #tpu.memory_space<semaphore_mem>>
      %dma_start3A_335 = arith.constant 0 : i32
      %dma_start3A_336 = arith.constant 0 : i32
      %dma_start3A_337 = tpu.memref_slice %arg12[%dma_start3A_335, %dma_start3A_336] : memref<10112x128xf32, #tpu.memory_space<vmem_shared>> -> memref<10112x128xf32, #tpu.memory_space<vmem_shared>>
      tpu.enqueue_indirect_dma source(%arg11 : memref<128x128xf32, #tpu.memory_space<vmem>>) target(%dma_start3A_337 : memref<10112x128xf32, #tpu.memory_space<vmem_shared>>) offsets(%arg9 : memref<128xi32, #tpu.memory_space<vmem>>) semaphore(%run_scoped3A : memref<!tpu.dma_semaphore, #tpu.memory_space<semaphore_mem>>) {add = true}
      %dma_wait3A_338 = arith.constant 0 : i32
      %dma_wait3A_339 = arith.constant 0 : i32
      %dma_wait3A_340 = tpu.memref_slice %arg12[%dma_wait3A_338, %dma_wait3A_339] : memref<10112x128xf32, #tpu.memory_space<vmem_shared>> -> memref<10112x128xf32, #tpu.memory_space<vmem_shared>>
      tpu.wait_indirect_dma semaphore(%run_scoped3A : memref<!tpu.dma_semaphore, #tpu.memory_space<semaphore_mem>>) src(%arg11 : memref<128x128xf32, #tpu.memory_space<vmem>>) dst(%dma_wait3A_340 : memref<10112x128xf32, #tpu.memory_space<vmem_shared>>)
      tpu.yield
    }) : () -> ()
    %barrier3A_331 = arith.constant 0 : index
    tpu.barrier barrier_id(%barrier3A_331)
    %mul3A = arith.constant 632 : i32
    %mul3A_332 = arith.muli %arg1, %mul3A : i32
    %mul3A_333 = arith.constant 632 : i32
    %mul3A_334 = arith.muli %arg1, %mul3A_333 : i32
    "tpu.region"() ({
      %run_scoped3A = tpu.sem_alloc : memref<!tpu.dma_semaphore, #tpu.memory_space<semaphore_mem>>
      %dma_start3A_335 = arith.constant 0 : i32
      %dma_start3A_336 = tpu.memref_slice %arg4[%arg0, %mul3A_334, %dma_start3A_335] : memref<2x10112x128xf32, #tpu.memory_space<hbm>> -> memref<1x632x128xf32, #tpu.memory_space<hbm>>
      %dma_start3A_337 = tpu.memref_squeeze %dma_start3A_336 : memref<1x632x128xf32, #tpu.memory_space<hbm>> -> memref<632x128xf32, #tpu.memory_space<hbm>>
      %dma_start3A_338 = arith.constant 0 : i32
      %dma_start3A_339 = tpu.memref_slice %arg12[%mul3A_332, %dma_start3A_338] : memref<10112x128xf32, #tpu.memory_space<vmem_shared>> -> memref<632x128xf32, #tpu.memory_space<vmem_shared>>
      tpu.enqueue_dma source(%dma_start3A_339 : memref<632x128xf32, #tpu.memory_space<vmem_shared>>) target(%dma_start3A_337 : memref<632x128xf32, #tpu.memory_space<hbm>>) target_semaphore(%run_scoped3A : memref<!tpu.dma_semaphore, #tpu.memory_space<semaphore_mem>>)
      %dma_wait3A_340 = arith.constant 0 : i32
      %dma_wait3A_341 = tpu.memref_slice %arg4[%arg0, %mul3A_334, %dma_wait3A_340] : memref<2x10112x128xf32, #tpu.memory_space<hbm>> -> memref<1x632x128xf32, #tpu.memory_space<hbm>>
      %dma_wait3A_342 = tpu.memref_squeeze %dma_wait3A_341 : memref<1x632x128xf32, #tpu.memory_space<hbm>> -> memref<632x128xf32, #tpu.memory_space<hbm>>
      %dma_wait3A_343 = arith.constant 0 : i32
      %dma_wait3A_344 = tpu.memref_slice %arg12[%mul3A_332, %dma_wait3A_343] : memref<10112x128xf32, #tpu.memory_space<vmem_shared>> -> memref<632x128xf32, #tpu.memory_space<vmem_shared>>
      tpu.wait_dma2 semaphore(%run_scoped3A : memref<!tpu.dma_semaphore, #tpu.memory_space<semaphore_mem>>) src(%dma_wait3A_344 : memref<632x128xf32, #tpu.memory_space<vmem_shared>>) dst(%dma_wait3A_342 : memref<632x128xf32, #tpu.memory_space<hbm>>)
      tpu.yield
    }) : () -> ()
    return
  }
}

#map = affine_map<(d0, d1) -> (0, 0)>
#map1 = affine_map<(d0, d1) -> (0, 0, 0, 0)>
#map2 = affine_map<(d0, d1) -> (0, 0, 0)>
module attributes {stable_mosaic.version = 14 : i64} {
  func.func @agg_kernel(%arg0: i32, %arg1: i32, %arg2: memref<10112x128xf32, #tpu.memory_space<hbm>>, %arg3: memref<2x16x80x128xi32, #tpu.memory_space<hbm>>, %arg4: memref<2x10112x128xf32, #tpu.memory_space<hbm>>, %arg5: memref<80x128xi32, #tpu.memory_space<vmem>>, %arg6: memref<128xi32, #tpu.memory_space<vmem>>, %arg7: memref<128xi32, #tpu.memory_space<vmem>>, %arg8: memref<128xi32, #tpu.memory_space<vmem>>, %arg9: memref<128xi32, #tpu.memory_space<vmem>>, %arg10: memref<128x128xf32, #tpu.memory_space<vmem>>, %arg11: memref<128x128xf32, #tpu.memory_space<vmem>>, %arg12: memref<10112x128xf32, #tpu.memory_space<vmem_shared>>, %arg13: memref<!tpu.dma_semaphore, #tpu.memory_space<semaphore_mem>>, %arg14: memref<!tpu.dma_semaphore, #tpu.memory_space<semaphore_mem>>) attributes {dimension_semantics = [#tpu.dimension_semantics<core_parallel>, #tpu.dimension_semantics<subcore_parallel>], iteration_bounds = array<i64: 2, 16>, scalar_prefetch = 0 : i64, scratch_operands = 10 : i64, tpu.core_type = #tpu.core_type<sc_vector_subcore>, window_params = [{transform_indices = #map}, {transform_indices = #map1}, {transform_indices = #map2}]} {
    %broadcast_in_dim3A = arith.constant 0.000000e+00 : f32
    %broadcast_in_dim3A_0 = vector.broadcast %broadcast_in_dim3A : f32 to vector<16xf32>
    %scan3A = arith.constant 0 : i32
    %scan3A_1 = arith.constant 0 : i32
    %scan3A_2 = arith.constant 8 : i32
    %scan3A_3 = arith.addi %scan3A_1, %scan3A_2 : i32
    %scan3A_4 = arith.constant 1 : i32
    %scan3A_5 = scf.for %scan3A_335 = %scan3A_1 to %scan3A_3 step %scan3A_4 iter_args(%scan3A_336 = %scan3A) -> (i32)  : i32 {
      %swap3A_337 = arith.index_cast %scan3A_335 : i32 to index
      %swap3A_338 = arith.constant 0 : index
      %swap3A_339 = tpu.vector_load %arg10[%swap3A_337, %swap3A_338] {strides = array<i32>} : memref<128x128xf32, #tpu.memory_space<vmem>>, vector<1x16xf32>,
      %swap3A_340 = vector.shape_cast %swap3A_339 : vector<1x16xf32> to vector<16xf32>
      %swap3A_341 = vector.shape_cast %broadcast_in_dim3A_0 : vector<16xf32> to vector<1x16xf32>
      tpu.vector_store %arg10[%swap3A_337, %swap3A_338], %swap3A_341 {strides = array<i32>} : memref<128x128xf32, #tpu.memory_space<vmem>>, vector<1x16xf32>,
      %swap3A_342 = arith.index_cast %scan3A_335 : i32 to index
      %swap3A_343 = arith.constant 16 : index
      %swap3A_344 = tpu.vector_load %arg10[%swap3A_342, %swap3A_343] {strides = array<i32>} : memref<128x128xf32, #tpu.memory_space<vmem>>, vector<1x16xf32>,
      %swap3A_345 = vector.shape_cast %swap3A_344 : vector<1x16xf32> to vector<16xf32>
      %swap3A_346 = vector.shape_cast %broadcast_in_dim3A_0 : vector<16xf32> to vector<1x16xf32>
      tpu.vector_store %arg10[%swap3A_342, %swap3A_343], %swap3A_346 {strides = array<i32>} : memref<128x128xf32, #tpu.memory_space<vmem>>, vector<1x16xf32>,
      %swap3A_347 = arith.index_cast %scan3A_335 : i32 to index
      %swap3A_348 = arith.constant 32 : index
      %swap3A_349 = tpu.vector_load %arg10[%swap3A_347, %swap3A_348] {strides = array<i32>} : memref<128x128xf32, #tpu.memory_space<vmem>>, vector<1x16xf32>,
      %swap3A_350 = vector.shape_cast %swap3A_349 : vector<1x16xf32> to vector<16xf32>
      %swap3A_351 = vector.shape_cast %broadcast_in_dim3A_0 : vector<16xf32> to vector<1x16xf32>
      tpu.vector_store %arg10[%swap3A_347, %swap3A_348], %swap3A_351 {strides = array<i32>} : memref<128x128xf32, #tpu.memory_space<vmem>>, vector<1x16xf32>,
      %swap3A_352 = arith.index_cast %scan3A_335 : i32 to index
      %swap3A_353 = arith.constant 48 : index
      %swap3A_354 = tpu.vector_load %arg10[%swap3A_352, %swap3A_353] {strides = array<i32>} : memref<128x128xf32, #tpu.memory_space<vmem>>, vector<1x16xf32>,
      %swap3A_355 = vector.shape_cast %swap3A_354 : vector<1x16xf32> to vector<16xf32>
      %swap3A_356 = vector.shape_cast %broadcast_in_dim3A_0 : vector<16xf32> to vector<1x16xf32>
      tpu.vector_store %arg10[%swap3A_352, %swap3A_353], %swap3A_356 {strides = array<i32>} : memref<128x128xf32, #tpu.memory_space<vmem>>, vector<1x16xf32>,
      %swap3A_357 = arith.index_cast %scan3A_335 : i32 to index
      %swap3A_358 = arith.constant 64 : index
      %swap3A_359 = tpu.vector_load %arg10[%swap3A_357, %swap3A_358] {strides = array<i32>} : memref<128x128xf32, #tpu.memory_space<vmem>>, vector<1x16xf32>,
      %swap3A_360 = vector.shape_cast %swap3A_359 : vector<1x16xf32> to vector<16xf32>
      %swap3A_361 = vector.shape_cast %broadcast_in_dim3A_0 : vector<16xf32> to vector<1x16xf32>
      tpu.vector_store %arg10[%swap3A_357, %swap3A_358], %swap3A_361 {strides = array<i32>} : memref<128x128xf32, #tpu.memory_space<vmem>>, vector<1x16xf32>,
      %swap3A_362 = arith.index_cast %scan3A_335 : i32 to index
      %swap3A_363 = arith.constant 80 : index
      %swap3A_364 = tpu.vector_load %arg10[%swap3A_362, %swap3A_363] {strides = array<i32>} : memref<128x128xf32, #tpu.memory_space<vmem>>, vector<1x16xf32>,
      %swap3A_365 = vector.shape_cast %swap3A_364 : vector<1x16xf32> to vector<16xf32>
      %swap3A_366 = vector.shape_cast %broadcast_in_dim3A_0 : vector<16xf32> to vector<1x16xf32>
      tpu.vector_store %arg10[%swap3A_362, %swap3A_363], %swap3A_366 {strides = array<i32>} : memref<128x128xf32, #tpu.memory_space<vmem>>, vector<1x16xf32>,
      %swap3A_367 = arith.index_cast %scan3A_335 : i32 to index
      %swap3A_368 = arith.constant 96 : index
      %swap3A_369 = tpu.vector_load %arg10[%swap3A_367, %swap3A_368] {strides = array<i32>} : memref<128x128xf32, #tpu.memory_space<vmem>>, vector<1x16xf32>,
      %swap3A_370 = vector.shape_cast %swap3A_369 : vector<1x16xf32> to vector<16xf32>
      %swap3A_371 = vector.shape_cast %broadcast_in_dim3A_0 : vector<16xf32> to vector<1x16xf32>
      tpu.vector_store %arg10[%swap3A_367, %swap3A_368], %swap3A_371 {strides = array<i32>} : memref<128x128xf32, #tpu.memory_space<vmem>>, vector<1x16xf32>,
      %swap3A_372 = arith.index_cast %scan3A_335 : i32 to index
      %swap3A_373 = arith.constant 112 : index
      %swap3A_374 = tpu.vector_load %arg10[%swap3A_372, %swap3A_373] {strides = array<i32>} : memref<128x128xf32, #tpu.memory_space<vmem>>, vector<1x16xf32>,
      %swap3A_375 = vector.shape_cast %swap3A_374 : vector<1x16xf32> to vector<16xf32>
      %swap3A_376 = vector.shape_cast %broadcast_in_dim3A_0 : vector<16xf32> to vector<1x16xf32>
      tpu.vector_store %arg10[%swap3A_372, %swap3A_373], %swap3A_376 {strides = array<i32>} : memref<128x128xf32, #tpu.memory_space<vmem>>, vector<1x16xf32>,
      %scan3A_377 = arith.constant 0 : i32
      scf.yield %scan3A_377 : i32
    }
    %scan3A_6 = arith.constant 8 : i32
    %scan3A_7 = arith.constant 0 : i32
    %scan3A_8 = arith.constant 0 : i32
    %scan3A_9 = arith.constant 79 : i32
    %scan3A_10 = arith.addi %scan3A_8, %scan3A_9 : i32
    %scan3A_11 = arith.constant 1 : i32
    %scan3A_12 = scf.for %scan3A_335 = %scan3A_8 to %scan3A_10 step %scan3A_11 iter_args(%scan3A_336 = %scan3A_7) -> (i32)  : i32 {
      %mul3A_337 = arith.constant 632 : i32
      %mul3A_338 = arith.muli %arg1, %mul3A_337 : i32
      %mul3A_339 = arith.constant 8 : i32
      %mul3A_340 = arith.muli %scan3A_335, %mul3A_339 : i32
      %add3A = arith.addi %mul3A_338, %mul3A_340 : i32
      "tpu.region"() ({
        %run_scoped3A = tpu.sem_alloc : memref<!tpu.dma_semaphore, #tpu.memory_space<semaphore_mem>>
        %dma_start3A_342 = arith.constant 0 : i32
        %dma_start3A_343 = arith.constant 0 : i32
        %dma_start3A_344 = tpu.memref_slice %arg10[%dma_start3A_342, %dma_start3A_343] : memref<128x128xf32, #tpu.memory_space<vmem>> -> memref<8x128xf32, #tpu.memory_space<vmem>>
        %dma_start3A_345 = arith.constant 0 : i32
        %dma_start3A_346 = tpu.memref_slice %arg12[%add3A, %dma_start3A_345] : memref<10112x128xf32, #tpu.memory_space<vmem_shared>> -> memref<8x128xf32, #tpu.memory_space<vmem_shared>>
        %dma_start3A_347 = arith.constant 0 : i32
        %dma_start3A_348 = tpu.memref_slice %arg12[%add3A, %dma_start3A_347] : memref<10112x128xf32, #tpu.memory_space<vmem_shared>> -> memref<8x128xf32, #tpu.memory_space<vmem_shared>>
        %dma_start3A_349 = arith.constant 0 : i32
        %dma_start3A_350 = arith.constant 0 : i32
        %dma_start3A_351 = tpu.memref_slice %arg10[%dma_start3A_349, %dma_start3A_350] : memref<128x128xf32, #tpu.memory_space<vmem>> -> memref<8x128xf32, #tpu.memory_space<vmem>>
        tpu.enqueue_dma source(%dma_start3A_351 : memref<8x128xf32, #tpu.memory_space<vmem>>) target(%dma_start3A_348 : memref<8x128xf32, #tpu.memory_space<vmem_shared>>) target_semaphore(%run_scoped3A : memref<!tpu.dma_semaphore, #tpu.memory_space<semaphore_mem>>)
        %dma_wait3A_352 = arith.constant 0 : i32
        %dma_wait3A_353 = arith.constant 0 : i32
        %dma_wait3A_354 = tpu.memref_slice %arg10[%dma_wait3A_352, %dma_wait3A_353] : memref<128x128xf32, #tpu.memory_space<vmem>> -> memref<8x128xf32, #tpu.memory_space<vmem>>
        %dma_wait3A_355 = arith.constant 0 : i32
        %dma_wait3A_356 = tpu.memref_slice %arg12[%add3A, %dma_wait3A_355] : memref<10112x128xf32, #tpu.memory_space<vmem_shared>> -> memref<8x128xf32, #tpu.memory_space<vmem_shared>>
        %dma_wait3A_357 = arith.constant 0 : i32
        %dma_wait3A_358 = tpu.memref_slice %arg12[%add3A, %dma_wait3A_357] : memref<10112x128xf32, #tpu.memory_space<vmem_shared>> -> memref<8x128xf32, #tpu.memory_space<vmem_shared>>
        %dma_wait3A_359 = arith.constant 0 : i32
        %dma_wait3A_360 = arith.constant 0 : i32
        %dma_wait3A_361 = tpu.memref_slice %arg10[%dma_wait3A_359, %dma_wait3A_360] : memref<128x128xf32, #tpu.memory_space<vmem>> -> memref<8x128xf32, #tpu.memory_space<vmem>>
        tpu.wait_dma2 semaphore(%run_scoped3A : memref<!tpu.dma_semaphore, #tpu.memory_space<semaphore_mem>>) src(%dma_wait3A_361 : memref<8x128xf32, #tpu.memory_space<vmem>>) dst(%dma_wait3A_358 : memref<8x128xf32, #tpu.memory_space<vmem_shared>>)
        tpu.yield
      }) : () -> ()
      %scan3A_341 = arith.constant 0 : i32
      scf.yield %scan3A_341 : i32
    }
    %scan3A_13 = arith.constant 79 : i32
    "tpu.region"() ({
      %run_scoped3A = tpu.sem_alloc : memref<!tpu.dma_semaphore, #tpu.memory_space<semaphore_mem>>
      %dma_start3A_335 = arith.constant 0 : i32
      %dma_start3A_336 = arith.constant 0 : i32
      %dma_start3A_337 = tpu.memref_slice %arg3[%arg0, %arg1, %dma_start3A_335, %dma_start3A_336] : memref<2x16x80x128xi32, #tpu.memory_space<hbm>> -> memref<1x1x80x128xi32, #tpu.memory_space<hbm>>
      %dma_start3A_338 = tpu.memref_squeeze %dma_start3A_337 : memref<1x1x80x128xi32, #tpu.memory_space<hbm>> -> memref<80x128xi32, #tpu.memory_space<hbm>>
      %dma_start3A_339 = arith.constant 0 : i32
      %dma_start3A_340 = arith.constant 0 : i32
      %dma_start3A_341 = tpu.memref_slice %arg3[%arg0, %arg1, %dma_start3A_339, %dma_start3A_340] : memref<2x16x80x128xi32, #tpu.memory_space<hbm>> -> memref<1x1x80x128xi32, #tpu.memory_space<hbm>>
      %dma_start3A_342 = tpu.memref_squeeze %dma_start3A_341 : memref<1x1x80x128xi32, #tpu.memory_space<hbm>> -> memref<80x128xi32, #tpu.memory_space<hbm>>
      tpu.enqueue_dma source(%dma_start3A_342 : memref<80x128xi32, #tpu.memory_space<hbm>>) target(%arg5 : memref<80x128xi32, #tpu.memory_space<vmem>>) target_semaphore(%run_scoped3A : memref<!tpu.dma_semaphore, #tpu.memory_space<semaphore_mem>>)
      %dma_wait3A_343 = arith.constant 0 : i32
      %dma_wait3A_344 = arith.constant 0 : i32
      %dma_wait3A_345 = tpu.memref_slice %arg3[%arg0, %arg1, %dma_wait3A_343, %dma_wait3A_344] : memref<2x16x80x128xi32, #tpu.memory_space<hbm>> -> memref<1x1x80x128xi32, #tpu.memory_space<hbm>>
      %dma_wait3A_346 = tpu.memref_squeeze %dma_wait3A_345 : memref<1x1x80x128xi32, #tpu.memory_space<hbm>> -> memref<80x128xi32, #tpu.memory_space<hbm>>
      %dma_wait3A_347 = arith.constant 0 : i32
      %dma_wait3A_348 = arith.constant 0 : i32
      %dma_wait3A_349 = tpu.memref_slice %arg3[%arg0, %arg1, %dma_wait3A_347, %dma_wait3A_348] : memref<2x16x80x128xi32, #tpu.memory_space<hbm>> -> memref<1x1x80x128xi32, #tpu.memory_space<hbm>>
      %dma_wait3A_350 = tpu.memref_squeeze %dma_wait3A_349 : memref<1x1x80x128xi32, #tpu.memory_space<hbm>> -> memref<80x128xi32, #tpu.memory_space<hbm>>
      tpu.wait_dma2 semaphore(%run_scoped3A : memref<!tpu.dma_semaphore, #tpu.memory_space<semaphore_mem>>) src(%dma_wait3A_350 : memref<80x128xi32, #tpu.memory_space<hbm>>) dst(%arg5 : memref<80x128xi32, #tpu.memory_space<vmem>>)
      tpu.yield
    }) : () -> ()
    %barrier3A = arith.constant 0 : index
    tpu.barrier barrier_id(%barrier3A)
    %get3A = arith.constant 0 : i32
    %get3A_14 = arith.index_cast %get3A : i32 to index
    %get3A_15 = arith.constant 0 : index
    %get3A_16 = tpu.vector_load %arg5[%get3A_14, %get3A_15] {strides = array<i32>} : memref<80x128xi32, #tpu.memory_space<vmem>>, vector<1x16xi32>,
    %get3A_17 = vector.shape_cast %get3A_16 : vector<1x16xi32> to vector<16xi32>
    %and3A = arith.constant 65535 : i32
    %and3A_18 = vector.broadcast %and3A : i32 to vector<16xi32>
    %and3A_19 = arith.andi %get3A_17, %and3A_18 : vector<16xi32>
    %swap3A = arith.constant 0 : index
    %swap3A_20 = tpu.vector_load %arg6[%swap3A] {strides = array<i32>} : memref<128xi32, #tpu.memory_space<vmem>>, vector<16xi32>,
    %swap3A_21 = vector.shape_cast %swap3A_20 : vector<16xi32> to vector<16xi32>
    %swap3A_22 = vector.shape_cast %and3A_19 : vector<16xi32> to vector<16xi32>
    tpu.vector_store %arg6[%swap3A], %swap3A_22 {strides = array<i32>} : memref<128xi32, #tpu.memory_space<vmem>>, vector<16xi32>,
    %shift_right_logical3A = arith.constant 16 : i32
    %shift_right_logical3A_23 = vector.broadcast %shift_right_logical3A : i32 to vector<16xi32>
    %shift_right_logical3A_24 = arith.shrui %get3A_17, %shift_right_logical3A_23 : vector<16xi32>
    %swap3A_25 = arith.constant 0 : index
    %swap3A_26 = tpu.vector_load %arg7[%swap3A_25] {strides = array<i32>} : memref<128xi32, #tpu.memory_space<vmem>>, vector<16xi32>,
    %swap3A_27 = vector.shape_cast %swap3A_26 : vector<16xi32> to vector<16xi32>
    %swap3A_28 = vector.shape_cast %shift_right_logical3A_24 : vector<16xi32> to vector<16xi32>
    tpu.vector_store %arg7[%swap3A_25], %swap3A_28 {strides = array<i32>} : memref<128xi32, #tpu.memory_space<vmem>>, vector<16xi32>,
    %get3A_29 = arith.constant 0 : i32
    %get3A_30 = arith.index_cast %get3A_29 : i32 to index
    %get3A_31 = arith.constant 16 : index
    %get3A_32 = tpu.vector_load %arg5[%get3A_30, %get3A_31] {strides = array<i32>} : memref<80x128xi32, #tpu.memory_space<vmem>>, vector<1x16xi32>,
    %get3A_33 = vector.shape_cast %get3A_32 : vector<1x16xi32> to vector<16xi32>
    %and3A_34 = arith.constant 65535 : i32
    %and3A_35 = vector.broadcast %and3A_34 : i32 to vector<16xi32>
    %and3A_36 = arith.andi %get3A_33, %and3A_35 : vector<16xi32>
    %swap3A_37 = arith.constant 16 : index
    %swap3A_38 = tpu.vector_load %arg6[%swap3A_37] {strides = array<i32>} : memref<128xi32, #tpu.memory_space<vmem>>, vector<16xi32>,
    %swap3A_39 = vector.shape_cast %swap3A_38 : vector<16xi32> to vector<16xi32>
    %swap3A_40 = vector.shape_cast %and3A_36 : vector<16xi32> to vector<16xi32>
    tpu.vector_store %arg6[%swap3A_37], %swap3A_40 {strides = array<i32>} : memref<128xi32, #tpu.memory_space<vmem>>, vector<16xi32>,
    %shift_right_logical3A_41 = arith.constant 16 : i32
    %shift_right_logical3A_42 = vector.broadcast %shift_right_logical3A_41 : i32 to vector<16xi32>
    %shift_right_logical3A_43 = arith.shrui %get3A_33, %shift_right_logical3A_42 : vector<16xi32>
    %swap3A_44 = arith.constant 16 : index
    %swap3A_45 = tpu.vector_load %arg7[%swap3A_44] {strides = array<i32>} : memref<128xi32, #tpu.memory_space<vmem>>, vector<16xi32>,
    %swap3A_46 = vector.shape_cast %swap3A_45 : vector<16xi32> to vector<16xi32>
    %swap3A_47 = vector.shape_cast %shift_right_logical3A_43 : vector<16xi32> to vector<16xi32>
    tpu.vector_store %arg7[%swap3A_44], %swap3A_47 {strides = array<i32>} : memref<128xi32, #tpu.memory_space<vmem>>, vector<16xi32>,
    %get3A_48 = arith.constant 0 : i32
    %get3A_49 = arith.index_cast %get3A_48 : i32 to index
    %get3A_50 = arith.constant 32 : index
    %get3A_51 = tpu.vector_load %arg5[%get3A_49, %get3A_50] {strides = array<i32>} : memref<80x128xi32, #tpu.memory_space<vmem>>, vector<1x16xi32>,
    %get3A_52 = vector.shape_cast %get3A_51 : vector<1x16xi32> to vector<16xi32>
    %and3A_53 = arith.constant 65535 : i32
    %and3A_54 = vector.broadcast %and3A_53 : i32 to vector<16xi32>
    %and3A_55 = arith.andi %get3A_52, %and3A_54 : vector<16xi32>
    %swap3A_56 = arith.constant 32 : index
    %swap3A_57 = tpu.vector_load %arg6[%swap3A_56] {strides = array<i32>} : memref<128xi32, #tpu.memory_space<vmem>>, vector<16xi32>,
    %swap3A_58 = vector.shape_cast %swap3A_57 : vector<16xi32> to vector<16xi32>
    %swap3A_59 = vector.shape_cast %and3A_55 : vector<16xi32> to vector<16xi32>
    tpu.vector_store %arg6[%swap3A_56], %swap3A_59 {strides = array<i32>} : memref<128xi32, #tpu.memory_space<vmem>>, vector<16xi32>,
    %shift_right_logical3A_60 = arith.constant 16 : i32
    %shift_right_logical3A_61 = vector.broadcast %shift_right_logical3A_60 : i32 to vector<16xi32>
    %shift_right_logical3A_62 = arith.shrui %get3A_52, %shift_right_logical3A_61 : vector<16xi32>
    %swap3A_63 = arith.constant 32 : index
    %swap3A_64 = tpu.vector_load %arg7[%swap3A_63] {strides = array<i32>} : memref<128xi32, #tpu.memory_space<vmem>>, vector<16xi32>,
    %swap3A_65 = vector.shape_cast %swap3A_64 : vector<16xi32> to vector<16xi32>
    %swap3A_66 = vector.shape_cast %shift_right_logical3A_62 : vector<16xi32> to vector<16xi32>
    tpu.vector_store %arg7[%swap3A_63], %swap3A_66 {strides = array<i32>} : memref<128xi32, #tpu.memory_space<vmem>>, vector<16xi32>,
    %get3A_67 = arith.constant 0 : i32
    %get3A_68 = arith.index_cast %get3A_67 : i32 to index
    %get3A_69 = arith.constant 48 : index
    %get3A_70 = tpu.vector_load %arg5[%get3A_68, %get3A_69] {strides = array<i32>} : memref<80x128xi32, #tpu.memory_space<vmem>>, vector<1x16xi32>,
    %get3A_71 = vector.shape_cast %get3A_70 : vector<1x16xi32> to vector<16xi32>
    %and3A_72 = arith.constant 65535 : i32
    %and3A_73 = vector.broadcast %and3A_72 : i32 to vector<16xi32>
    %and3A_74 = arith.andi %get3A_71, %and3A_73 : vector<16xi32>
    %swap3A_75 = arith.constant 48 : index
    %swap3A_76 = tpu.vector_load %arg6[%swap3A_75] {strides = array<i32>} : memref<128xi32, #tpu.memory_space<vmem>>, vector<16xi32>,
    %swap3A_77 = vector.shape_cast %swap3A_76 : vector<16xi32> to vector<16xi32>
    %swap3A_78 = vector.shape_cast %and3A_74 : vector<16xi32> to vector<16xi32>
    tpu.vector_store %arg6[%swap3A_75], %swap3A_78 {strides = array<i32>} : memref<128xi32, #tpu.memory_space<vmem>>, vector<16xi32>,
    %shift_right_logical3A_79 = arith.constant 16 : i32
    %shift_right_logical3A_80 = vector.broadcast %shift_right_logical3A_79 : i32 to vector<16xi32>
    %shift_right_logical3A_81 = arith.shrui %get3A_71, %shift_right_logical3A_80 : vector<16xi32>
    %swap3A_82 = arith.constant 48 : index
    %swap3A_83 = tpu.vector_load %arg7[%swap3A_82] {strides = array<i32>} : memref<128xi32, #tpu.memory_space<vmem>>, vector<16xi32>,
    %swap3A_84 = vector.shape_cast %swap3A_83 : vector<16xi32> to vector<16xi32>
    %swap3A_85 = vector.shape_cast %shift_right_logical3A_81 : vector<16xi32> to vector<16xi32>
    tpu.vector_store %arg7[%swap3A_82], %swap3A_85 {strides = array<i32>} : memref<128xi32, #tpu.memory_space<vmem>>, vector<16xi32>,
    %get3A_86 = arith.constant 0 : i32
    %get3A_87 = arith.index_cast %get3A_86 : i32 to index
    %get3A_88 = arith.constant 64 : index
    %get3A_89 = tpu.vector_load %arg5[%get3A_87, %get3A_88] {strides = array<i32>} : memref<80x128xi32, #tpu.memory_space<vmem>>, vector<1x16xi32>,
    %get3A_90 = vector.shape_cast %get3A_89 : vector<1x16xi32> to vector<16xi32>
    %and3A_91 = arith.constant 65535 : i32
    %and3A_92 = vector.broadcast %and3A_91 : i32 to vector<16xi32>
    %and3A_93 = arith.andi %get3A_90, %and3A_92 : vector<16xi32>
    %swap3A_94 = arith.constant 64 : index
    %swap3A_95 = tpu.vector_load %arg6[%swap3A_94] {strides = array<i32>} : memref<128xi32, #tpu.memory_space<vmem>>, vector<16xi32>,
    %swap3A_96 = vector.shape_cast %swap3A_95 : vector<16xi32> to vector<16xi32>
    %swap3A_97 = vector.shape_cast %and3A_93 : vector<16xi32> to vector<16xi32>
    tpu.vector_store %arg6[%swap3A_94], %swap3A_97 {strides = array<i32>} : memref<128xi32, #tpu.memory_space<vmem>>, vector<16xi32>,
    %shift_right_logical3A_98 = arith.constant 16 : i32
    %shift_right_logical3A_99 = vector.broadcast %shift_right_logical3A_98 : i32 to vector<16xi32>
    %shift_right_logical3A_100 = arith.shrui %get3A_90, %shift_right_logical3A_99 : vector<16xi32>
    %swap3A_101 = arith.constant 64 : index
    %swap3A_102 = tpu.vector_load %arg7[%swap3A_101] {strides = array<i32>} : memref<128xi32, #tpu.memory_space<vmem>>, vector<16xi32>,
    %swap3A_103 = vector.shape_cast %swap3A_102 : vector<16xi32> to vector<16xi32>
    %swap3A_104 = vector.shape_cast %shift_right_logical3A_100 : vector<16xi32> to vector<16xi32>
    tpu.vector_store %arg7[%swap3A_101], %swap3A_104 {strides = array<i32>} : memref<128xi32, #tpu.memory_space<vmem>>, vector<16xi32>,
    %get3A_105 = arith.constant 0 : i32
    %get3A_106 = arith.index_cast %get3A_105 : i32 to index
    %get3A_107 = arith.constant 80 : index
    %get3A_108 = tpu.vector_load %arg5[%get3A_106, %get3A_107] {strides = array<i32>} : memref<80x128xi32, #tpu.memory_space<vmem>>, vector<1x16xi32>,
    %get3A_109 = vector.shape_cast %get3A_108 : vector<1x16xi32> to vector<16xi32>
    %and3A_110 = arith.constant 65535 : i32
    %and3A_111 = vector.broadcast %and3A_110 : i32 to vector<16xi32>
    %and3A_112 = arith.andi %get3A_109, %and3A_111 : vector<16xi32>
    %swap3A_113 = arith.constant 80 : index
    %swap3A_114 = tpu.vector_load %arg6[%swap3A_113] {strides = array<i32>} : memref<128xi32, #tpu.memory_space<vmem>>, vector<16xi32>,
    %swap3A_115 = vector.shape_cast %swap3A_114 : vector<16xi32> to vector<16xi32>
    %swap3A_116 = vector.shape_cast %and3A_112 : vector<16xi32> to vector<16xi32>
    tpu.vector_store %arg6[%swap3A_113], %swap3A_116 {strides = array<i32>} : memref<128xi32, #tpu.memory_space<vmem>>, vector<16xi32>,
    %shift_right_logical3A_117 = arith.constant 16 : i32
    %shift_right_logical3A_118 = vector.broadcast %shift_right_logical3A_117 : i32 to vector<16xi32>
    %shift_right_logical3A_119 = arith.shrui %get3A_109, %shift_right_logical3A_118 : vector<16xi32>
    %swap3A_120 = arith.constant 80 : index
    %swap3A_121 = tpu.vector_load %arg7[%swap3A_120] {strides = array<i32>} : memref<128xi32, #tpu.memory_space<vmem>>, vector<16xi32>,
    %swap3A_122 = vector.shape_cast %swap3A_121 : vector<16xi32> to vector<16xi32>
    %swap3A_123 = vector.shape_cast %shift_right_logical3A_119 : vector<16xi32> to vector<16xi32>
    tpu.vector_store %arg7[%swap3A_120], %swap3A_123 {strides = array<i32>} : memref<128xi32, #tpu.memory_space<vmem>>, vector<16xi32>,
    %get3A_124 = arith.constant 0 : i32
    %get3A_125 = arith.index_cast %get3A_124 : i32 to index
    %get3A_126 = arith.constant 96 : index
    %get3A_127 = tpu.vector_load %arg5[%get3A_125, %get3A_126] {strides = array<i32>} : memref<80x128xi32, #tpu.memory_space<vmem>>, vector<1x16xi32>,
    %get3A_128 = vector.shape_cast %get3A_127 : vector<1x16xi32> to vector<16xi32>
    %and3A_129 = arith.constant 65535 : i32
    %and3A_130 = vector.broadcast %and3A_129 : i32 to vector<16xi32>
    %and3A_131 = arith.andi %get3A_128, %and3A_130 : vector<16xi32>
    %swap3A_132 = arith.constant 96 : index
    %swap3A_133 = tpu.vector_load %arg6[%swap3A_132] {strides = array<i32>} : memref<128xi32, #tpu.memory_space<vmem>>, vector<16xi32>,
    %swap3A_134 = vector.shape_cast %swap3A_133 : vector<16xi32> to vector<16xi32>
    %swap3A_135 = vector.shape_cast %and3A_131 : vector<16xi32> to vector<16xi32>
    tpu.vector_store %arg6[%swap3A_132], %swap3A_135 {strides = array<i32>} : memref<128xi32, #tpu.memory_space<vmem>>, vector<16xi32>,
    %shift_right_logical3A_136 = arith.constant 16 : i32
    %shift_right_logical3A_137 = vector.broadcast %shift_right_logical3A_136 : i32 to vector<16xi32>
    %shift_right_logical3A_138 = arith.shrui %get3A_128, %shift_right_logical3A_137 : vector<16xi32>
    %swap3A_139 = arith.constant 96 : index
    %swap3A_140 = tpu.vector_load %arg7[%swap3A_139] {strides = array<i32>} : memref<128xi32, #tpu.memory_space<vmem>>, vector<16xi32>,
    %swap3A_141 = vector.shape_cast %swap3A_140 : vector<16xi32> to vector<16xi32>
    %swap3A_142 = vector.shape_cast %shift_right_logical3A_138 : vector<16xi32> to vector<16xi32>
    tpu.vector_store %arg7[%swap3A_139], %swap3A_142 {strides = array<i32>} : memref<128xi32, #tpu.memory_space<vmem>>, vector<16xi32>,
    %get3A_143 = arith.constant 0 : i32
    %get3A_144 = arith.index_cast %get3A_143 : i32 to index
    %get3A_145 = arith.constant 112 : index
    %get3A_146 = tpu.vector_load %arg5[%get3A_144, %get3A_145] {strides = array<i32>} : memref<80x128xi32, #tpu.memory_space<vmem>>, vector<1x16xi32>,
    %get3A_147 = vector.shape_cast %get3A_146 : vector<1x16xi32> to vector<16xi32>
    %and3A_148 = arith.constant 65535 : i32
    %and3A_149 = vector.broadcast %and3A_148 : i32 to vector<16xi32>
    %and3A_150 = arith.andi %get3A_147, %and3A_149 : vector<16xi32>
    %swap3A_151 = arith.constant 112 : index
    %swap3A_152 = tpu.vector_load %arg6[%swap3A_151] {strides = array<i32>} : memref<128xi32, #tpu.memory_space<vmem>>, vector<16xi32>,
    %swap3A_153 = vector.shape_cast %swap3A_152 : vector<16xi32> to vector<16xi32>
    %swap3A_154 = vector.shape_cast %and3A_150 : vector<16xi32> to vector<16xi32>
    tpu.vector_store %arg6[%swap3A_151], %swap3A_154 {strides = array<i32>} : memref<128xi32, #tpu.memory_space<vmem>>, vector<16xi32>,
    %shift_right_logical3A_155 = arith.constant 16 : i32
    %shift_right_logical3A_156 = vector.broadcast %shift_right_logical3A_155 : i32 to vector<16xi32>
    %shift_right_logical3A_157 = arith.shrui %get3A_147, %shift_right_logical3A_156 : vector<16xi32>
    %swap3A_158 = arith.constant 112 : index
    %swap3A_159 = tpu.vector_load %arg7[%swap3A_158] {strides = array<i32>} : memref<128xi32, #tpu.memory_space<vmem>>, vector<16xi32>,
    %swap3A_160 = vector.shape_cast %swap3A_159 : vector<16xi32> to vector<16xi32>
    %swap3A_161 = vector.shape_cast %shift_right_logical3A_157 : vector<16xi32> to vector<16xi32>
    tpu.vector_store %arg7[%swap3A_158], %swap3A_161 {strides = array<i32>} : memref<128xi32, #tpu.memory_space<vmem>>, vector<16xi32>,
    %get3A_162 = arith.constant 1 : i32
    %get3A_163 = arith.index_cast %get3A_162 : i32 to index
    %get3A_164 = arith.constant 0 : index
    %get3A_165 = tpu.vector_load %arg5[%get3A_163, %get3A_164] {strides = array<i32>} : memref<80x128xi32, #tpu.memory_space<vmem>>, vector<1x16xi32>,
    %get3A_166 = vector.shape_cast %get3A_165 : vector<1x16xi32> to vector<16xi32>
    %and3A_167 = arith.constant 65535 : i32
    %and3A_168 = vector.broadcast %and3A_167 : i32 to vector<16xi32>
    %and3A_169 = arith.andi %get3A_166, %and3A_168 : vector<16xi32>
    %swap3A_170 = arith.constant 0 : index
    %swap3A_171 = tpu.vector_load %arg8[%swap3A_170] {strides = array<i32>} : memref<128xi32, #tpu.memory_space<vmem>>, vector<16xi32>,
    %swap3A_172 = vector.shape_cast %swap3A_171 : vector<16xi32> to vector<16xi32>
    %swap3A_173 = vector.shape_cast %and3A_169 : vector<16xi32> to vector<16xi32>
    tpu.vector_store %arg8[%swap3A_170], %swap3A_173 {strides = array<i32>} : memref<128xi32, #tpu.memory_space<vmem>>, vector<16xi32>,
    %shift_right_logical3A_174 = arith.constant 16 : i32
    %shift_right_logical3A_175 = vector.broadcast %shift_right_logical3A_174 : i32 to vector<16xi32>
    %shift_right_logical3A_176 = arith.shrui %get3A_166, %shift_right_logical3A_175 : vector<16xi32>
    %swap3A_177 = arith.constant 0 : index
    %swap3A_178 = tpu.vector_load %arg9[%swap3A_177] {strides = array<i32>} : memref<128xi32, #tpu.memory_space<vmem>>, vector<16xi32>,
    %swap3A_179 = vector.shape_cast %swap3A_178 : vector<16xi32> to vector<16xi32>
    %swap3A_180 = vector.shape_cast %shift_right_logical3A_176 : vector<16xi32> to vector<16xi32>
    tpu.vector_store %arg9[%swap3A_177], %swap3A_180 {strides = array<i32>} : memref<128xi32, #tpu.memory_space<vmem>>, vector<16xi32>,
    %get3A_181 = arith.constant 1 : i32
    %get3A_182 = arith.index_cast %get3A_181 : i32 to index
    %get3A_183 = arith.constant 16 : index
    %get3A_184 = tpu.vector_load %arg5[%get3A_182, %get3A_183] {strides = array<i32>} : memref<80x128xi32, #tpu.memory_space<vmem>>, vector<1x16xi32>,
    %get3A_185 = vector.shape_cast %get3A_184 : vector<1x16xi32> to vector<16xi32>
    %and3A_186 = arith.constant 65535 : i32
    %and3A_187 = vector.broadcast %and3A_186 : i32 to vector<16xi32>
    %and3A_188 = arith.andi %get3A_185, %and3A_187 : vector<16xi32>
    %swap3A_189 = arith.constant 16 : index
    %swap3A_190 = tpu.vector_load %arg8[%swap3A_189] {strides = array<i32>} : memref<128xi32, #tpu.memory_space<vmem>>, vector<16xi32>,
    %swap3A_191 = vector.shape_cast %swap3A_190 : vector<16xi32> to vector<16xi32>
    %swap3A_192 = vector.shape_cast %and3A_188 : vector<16xi32> to vector<16xi32>
    tpu.vector_store %arg8[%swap3A_189], %swap3A_192 {strides = array<i32>} : memref<128xi32, #tpu.memory_space<vmem>>, vector<16xi32>,
    %shift_right_logical3A_193 = arith.constant 16 : i32
    %shift_right_logical3A_194 = vector.broadcast %shift_right_logical3A_193 : i32 to vector<16xi32>
    %shift_right_logical3A_195 = arith.shrui %get3A_185, %shift_right_logical3A_194 : vector<16xi32>
    %swap3A_196 = arith.constant 16 : index
    %swap3A_197 = tpu.vector_load %arg9[%swap3A_196] {strides = array<i32>} : memref<128xi32, #tpu.memory_space<vmem>>, vector<16xi32>,
    %swap3A_198 = vector.shape_cast %swap3A_197 : vector<16xi32> to vector<16xi32>
    %swap3A_199 = vector.shape_cast %shift_right_logical3A_195 : vector<16xi32> to vector<16xi32>
    tpu.vector_store %arg9[%swap3A_196], %swap3A_199 {strides = array<i32>} : memref<128xi32, #tpu.memory_space<vmem>>, vector<16xi32>,
    %get3A_200 = arith.constant 1 : i32
    %get3A_201 = arith.index_cast %get3A_200 : i32 to index
    %get3A_202 = arith.constant 32 : index
    %get3A_203 = tpu.vector_load %arg5[%get3A_201, %get3A_202] {strides = array<i32>} : memref<80x128xi32, #tpu.memory_space<vmem>>, vector<1x16xi32>,
    %get3A_204 = vector.shape_cast %get3A_203 : vector<1x16xi32> to vector<16xi32>
    %and3A_205 = arith.constant 65535 : i32
    %and3A_206 = vector.broadcast %and3A_205 : i32 to vector<16xi32>
    %and3A_207 = arith.andi %get3A_204, %and3A_206 : vector<16xi32>
    %swap3A_208 = arith.constant 32 : index
    %swap3A_209 = tpu.vector_load %arg8[%swap3A_208] {strides = array<i32>} : memref<128xi32, #tpu.memory_space<vmem>>, vector<16xi32>,
    %swap3A_210 = vector.shape_cast %swap3A_209 : vector<16xi32> to vector<16xi32>
    %swap3A_211 = vector.shape_cast %and3A_207 : vector<16xi32> to vector<16xi32>
    tpu.vector_store %arg8[%swap3A_208], %swap3A_211 {strides = array<i32>} : memref<128xi32, #tpu.memory_space<vmem>>, vector<16xi32>,
    %shift_right_logical3A_212 = arith.constant 16 : i32
    %shift_right_logical3A_213 = vector.broadcast %shift_right_logical3A_212 : i32 to vector<16xi32>
    %shift_right_logical3A_214 = arith.shrui %get3A_204, %shift_right_logical3A_213 : vector<16xi32>
    %swap3A_215 = arith.constant 32 : index
    %swap3A_216 = tpu.vector_load %arg9[%swap3A_215] {strides = array<i32>} : memref<128xi32, #tpu.memory_space<vmem>>, vector<16xi32>,
    %swap3A_217 = vector.shape_cast %swap3A_216 : vector<16xi32> to vector<16xi32>
    %swap3A_218 = vector.shape_cast %shift_right_logical3A_214 : vector<16xi32> to vector<16xi32>
    tpu.vector_store %arg9[%swap3A_215], %swap3A_218 {strides = array<i32>} : memref<128xi32, #tpu.memory_space<vmem>>, vector<16xi32>,
    %get3A_219 = arith.constant 1 : i32
    %get3A_220 = arith.index_cast %get3A_219 : i32 to index
    %get3A_221 = arith.constant 48 : index
    %get3A_222 = tpu.vector_load %arg5[%get3A_220, %get3A_221] {strides = array<i32>} : memref<80x128xi32, #tpu.memory_space<vmem>>, vector<1x16xi32>,
    %get3A_223 = vector.shape_cast %get3A_222 : vector<1x16xi32> to vector<16xi32>
    %and3A_224 = arith.constant 65535 : i32
    %and3A_225 = vector.broadcast %and3A_224 : i32 to vector<16xi32>
    %and3A_226 = arith.andi %get3A_223, %and3A_225 : vector<16xi32>
    %swap3A_227 = arith.constant 48 : index
    %swap3A_228 = tpu.vector_load %arg8[%swap3A_227] {strides = array<i32>} : memref<128xi32, #tpu.memory_space<vmem>>, vector<16xi32>,
    %swap3A_229 = vector.shape_cast %swap3A_228 : vector<16xi32> to vector<16xi32>
    %swap3A_230 = vector.shape_cast %and3A_226 : vector<16xi32> to vector<16xi32>
    tpu.vector_store %arg8[%swap3A_227], %swap3A_230 {strides = array<i32>} : memref<128xi32, #tpu.memory_space<vmem>>, vector<16xi32>,
    %shift_right_logical3A_231 = arith.constant 16 : i32
    %shift_right_logical3A_232 = vector.broadcast %shift_right_logical3A_231 : i32 to vector<16xi32>
    %shift_right_logical3A_233 = arith.shrui %get3A_223, %shift_right_logical3A_232 : vector<16xi32>
    %swap3A_234 = arith.constant 48 : index
    %swap3A_235 = tpu.vector_load %arg9[%swap3A_234] {strides = array<i32>} : memref<128xi32, #tpu.memory_space<vmem>>, vector<16xi32>,
    %swap3A_236 = vector.shape_cast %swap3A_235 : vector<16xi32> to vector<16xi32>
    %swap3A_237 = vector.shape_cast %shift_right_logical3A_233 : vector<16xi32> to vector<16xi32>
    tpu.vector_store %arg9[%swap3A_234], %swap3A_237 {strides = array<i32>} : memref<128xi32, #tpu.memory_space<vmem>>, vector<16xi32>,
    %get3A_238 = arith.constant 1 : i32
    %get3A_239 = arith.index_cast %get3A_238 : i32 to index
    %get3A_240 = arith.constant 64 : index
    %get3A_241 = tpu.vector_load %arg5[%get3A_239, %get3A_240] {strides = array<i32>} : memref<80x128xi32, #tpu.memory_space<vmem>>, vector<1x16xi32>,
    %get3A_242 = vector.shape_cast %get3A_241 : vector<1x16xi32> to vector<16xi32>
    %and3A_243 = arith.constant 65535 : i32
    %and3A_244 = vector.broadcast %and3A_243 : i32 to vector<16xi32>
    %and3A_245 = arith.andi %get3A_242, %and3A_244 : vector<16xi32>
    %swap3A_246 = arith.constant 64 : index
    %swap3A_247 = tpu.vector_load %arg8[%swap3A_246] {strides = array<i32>} : memref<128xi32, #tpu.memory_space<vmem>>, vector<16xi32>,
    %swap3A_248 = vector.shape_cast %swap3A_247 : vector<16xi32> to vector<16xi32>
    %swap3A_249 = vector.shape_cast %and3A_245 : vector<16xi32> to vector<16xi32>
    tpu.vector_store %arg8[%swap3A_246], %swap3A_249 {strides = array<i32>} : memref<128xi32, #tpu.memory_space<vmem>>, vector<16xi32>,
    %shift_right_logical3A_250 = arith.constant 16 : i32
    %shift_right_logical3A_251 = vector.broadcast %shift_right_logical3A_250 : i32 to vector<16xi32>
    %shift_right_logical3A_252 = arith.shrui %get3A_242, %shift_right_logical3A_251 : vector<16xi32>
    %swap3A_253 = arith.constant 64 : index
    %swap3A_254 = tpu.vector_load %arg9[%swap3A_253] {strides = array<i32>} : memref<128xi32, #tpu.memory_space<vmem>>, vector<16xi32>,
    %swap3A_255 = vector.shape_cast %swap3A_254 : vector<16xi32> to vector<16xi32>
    %swap3A_256 = vector.shape_cast %shift_right_logical3A_252 : vector<16xi32> to vector<16xi32>
    tpu.vector_store %arg9[%swap3A_253], %swap3A_256 {strides = array<i32>} : memref<128xi32, #tpu.memory_space<vmem>>, vector<16xi32>,
    %get3A_257 = arith.constant 1 : i32
    %get3A_258 = arith.index_cast %get3A_257 : i32 to index
    %get3A_259 = arith.constant 80 : index
    %get3A_260 = tpu.vector_load %arg5[%get3A_258, %get3A_259] {strides = array<i32>} : memref<80x128xi32, #tpu.memory_space<vmem>>, vector<1x16xi32>,
    %get3A_261 = vector.shape_cast %get3A_260 : vector<1x16xi32> to vector<16xi32>
    %and3A_262 = arith.constant 65535 : i32
    %and3A_263 = vector.broadcast %and3A_262 : i32 to vector<16xi32>
    %and3A_264 = arith.andi %get3A_261, %and3A_263 : vector<16xi32>
    %swap3A_265 = arith.constant 80 : index
    %swap3A_266 = tpu.vector_load %arg8[%swap3A_265] {strides = array<i32>} : memref<128xi32, #tpu.memory_space<vmem>>, vector<16xi32>,
    %swap3A_267 = vector.shape_cast %swap3A_266 : vector<16xi32> to vector<16xi32>
    %swap3A_268 = vector.shape_cast %and3A_264 : vector<16xi32> to vector<16xi32>
    tpu.vector_store %arg8[%swap3A_265], %swap3A_268 {strides = array<i32>} : memref<128xi32, #tpu.memory_space<vmem>>, vector<16xi32>,
    %shift_right_logical3A_269 = arith.constant 16 : i32
    %shift_right_logical3A_270 = vector.broadcast %shift_right_logical3A_269 : i32 to vector<16xi32>
    %shift_right_logical3A_271 = arith.shrui %get3A_261, %shift_right_logical3A_270 : vector<16xi32>
    %swap3A_272 = arith.constant 80 : index
    %swap3A_273 = tpu.vector_load %arg9[%swap3A_272] {strides = array<i32>} : memref<128xi32, #tpu.memory_space<vmem>>, vector<16xi32>,
    %swap3A_274 = vector.shape_cast %swap3A_273 : vector<16xi32> to vector<16xi32>
    %swap3A_275 = vector.shape_cast %shift_right_logical3A_271 : vector<16xi32> to vector<16xi32>
    tpu.vector_store %arg9[%swap3A_272], %swap3A_275 {strides = array<i32>} : memref<128xi32, #tpu.memory_space<vmem>>, vector<16xi32>,
    %get3A_276 = arith.constant 1 : i32
    %get3A_277 = arith.index_cast %get3A_276 : i32 to index
    %get3A_278 = arith.constant 96 : index
    %get3A_279 = tpu.vector_load %arg5[%get3A_277, %get3A_278] {strides = array<i32>} : memref<80x128xi32, #tpu.memory_space<vmem>>, vector<1x16xi32>,
    %get3A_280 = vector.shape_cast %get3A_279 : vector<1x16xi32> to vector<16xi32>
    %and3A_281 = arith.constant 65535 : i32
    %and3A_282 = vector.broadcast %and3A_281 : i32 to vector<16xi32>
    %and3A_283 = arith.andi %get3A_280, %and3A_282 : vector<16xi32>
    %swap3A_284 = arith.constant 96 : index
    %swap3A_285 = tpu.vector_load %arg8[%swap3A_284] {strides = array<i32>} : memref<128xi32, #tpu.memory_space<vmem>>, vector<16xi32>,
    %swap3A_286 = vector.shape_cast %swap3A_285 : vector<16xi32> to vector<16xi32>
    %swap3A_287 = vector.shape_cast %and3A_283 : vector<16xi32> to vector<16xi32>
    tpu.vector_store %arg8[%swap3A_284], %swap3A_287 {strides = array<i32>} : memref<128xi32, #tpu.memory_space<vmem>>, vector<16xi32>,
    %shift_right_logical3A_288 = arith.constant 16 : i32
    %shift_right_logical3A_289 = vector.broadcast %shift_right_logical3A_288 : i32 to vector<16xi32>
    %shift_right_logical3A_290 = arith.shrui %get3A_280, %shift_right_logical3A_289 : vector<16xi32>
    %swap3A_291 = arith.constant 96 : index
    %swap3A_292 = tpu.vector_load %arg9[%swap3A_291] {strides = array<i32>} : memref<128xi32, #tpu.memory_space<vmem>>, vector<16xi32>,
    %swap3A_293 = vector.shape_cast %swap3A_292 : vector<16xi32> to vector<16xi32>
    %swap3A_294 = vector.shape_cast %shift_right_logical3A_290 : vector<16xi32> to vector<16xi32>
    tpu.vector_store %arg9[%swap3A_291], %swap3A_294 {strides = array<i32>} : memref<128xi32, #tpu.memory_space<vmem>>, vector<16xi32>,
    %get3A_295 = arith.constant 1 : i32
    %get3A_296 = arith.index_cast %get3A_295 : i32 to index
    %get3A_297 = arith.constant 112 : index
    %get3A_298 = tpu.vector_load %arg5[%get3A_296, %get3A_297] {strides = array<i32>} : memref<80x128xi32, #tpu.memory_space<vmem>>, vector<1x16xi32>,
    %get3A_299 = vector.shape_cast %get3A_298 : vector<1x16xi32> to vector<16xi32>
    %and3A_300 = arith.constant 65535 : i32
    %and3A_301 = vector.broadcast %and3A_300 : i32 to vector<16xi32>
    %and3A_302 = arith.andi %get3A_299, %and3A_301 : vector<16xi32>
    %swap3A_303 = arith.constant 112 : index
    %swap3A_304 = tpu.vector_load %arg8[%swap3A_303] {strides = array<i32>} : memref<128xi32, #tpu.memory_space<vmem>>, vector<16xi32>,
    %swap3A_305 = vector.shape_cast %swap3A_304 : vector<16xi32> to vector<16xi32>
    %swap3A_306 = vector.shape_cast %and3A_302 : vector<16xi32> to vector<16xi32>
    tpu.vector_store %arg8[%swap3A_303], %swap3A_306 {strides = array<i32>} : memref<128xi32, #tpu.memory_space<vmem>>, vector<16xi32>,
    %shift_right_logical3A_307 = arith.constant 16 : i32
    %shift_right_logical3A_308 = vector.broadcast %shift_right_logical3A_307 : i32 to vector<16xi32>
    %shift_right_logical3A_309 = arith.shrui %get3A_299, %shift_right_logical3A_308 : vector<16xi32>
    %swap3A_310 = arith.constant 112 : index
    %swap3A_311 = tpu.vector_load %arg9[%swap3A_310] {strides = array<i32>} : memref<128xi32, #tpu.memory_space<vmem>>, vector<16xi32>,
    %swap3A_312 = vector.shape_cast %swap3A_311 : vector<16xi32> to vector<16xi32>
    %swap3A_313 = vector.shape_cast %shift_right_logical3A_309 : vector<16xi32> to vector<16xi32>
    tpu.vector_store %arg9[%swap3A_310], %swap3A_313 {strides = array<i32>} : memref<128xi32, #tpu.memory_space<vmem>>, vector<16xi32>,
    %dma_start3A = arith.constant 0 : i32
    %dma_start3A_314 = arith.constant 0 : i32
    %dma_start3A_315 = tpu.memref_slice %arg2[%dma_start3A, %dma_start3A_314] : memref<10112x128xf32, #tpu.memory_space<hbm>> -> memref<10112x128xf32, #tpu.memory_space<hbm>>
    tpu.enqueue_indirect_dma source(%dma_start3A_315 : memref<10112x128xf32, #tpu.memory_space<hbm>>) target(%arg10 : memref<128x128xf32, #tpu.memory_space<vmem>>) offsets(%arg6 : memref<128xi32, #tpu.memory_space<vmem>>) semaphore(%arg13 : memref<!tpu.dma_semaphore, #tpu.memory_space<semaphore_mem>>)
    %dma_start3A_316 = arith.constant 0 : i32
    %dma_start3A_317 = arith.constant 0 : i32
    %dma_start3A_318 = tpu.memref_slice %arg2[%dma_start3A_316, %dma_start3A_317] : memref<10112x128xf32, #tpu.memory_space<hbm>> -> memref<10112x128xf32, #tpu.memory_space<hbm>>
    tpu.enqueue_indirect_dma source(%dma_start3A_318 : memref<10112x128xf32, #tpu.memory_space<hbm>>) target(%arg11 : memref<128x128xf32, #tpu.memory_space<vmem>>) offsets(%arg8 : memref<128xi32, #tpu.memory_space<vmem>>) semaphore(%arg14 : memref<!tpu.dma_semaphore, #tpu.memory_space<semaphore_mem>>)
    %scan3A_319 = arith.constant 0 : i32
    %scan3A_320 = arith.constant 0 : i32
    %scan3A_321 = arith.constant 39 : i32
    %scan3A_322 = arith.addi %scan3A_320, %scan3A_321 : i32
    %scan3A_323 = arith.constant 1 : i32
    %scan3A_324 = scf.for %scan3A_335 = %scan3A_320 to %scan3A_322 step %scan3A_323 iter_args(%scan3A_336 = %scan3A_319) -> (i32)  : i32 {
      %mul3A_337 = arith.constant 2 : i32
      %mul3A_338 = arith.muli %scan3A_335, %mul3A_337 : i32
      %dma_wait3A_339 = arith.constant 0 : i32
      %dma_wait3A_340 = arith.constant 0 : i32
      %dma_wait3A_341 = tpu.memref_slice %arg2[%dma_wait3A_339, %dma_wait3A_340] : memref<10112x128xf32, #tpu.memory_space<hbm>> -> memref<10112x128xf32, #tpu.memory_space<hbm>>
      tpu.wait_indirect_dma semaphore(%arg13 : memref<!tpu.dma_semaphore, #tpu.memory_space<semaphore_mem>>) src(%dma_wait3A_341 : memref<10112x128xf32, #tpu.memory_space<hbm>>) dst(%arg10 : memref<128x128xf32, #tpu.memory_space<vmem>>)
      "tpu.region"() ({
        %run_scoped3A = tpu.sem_alloc : memref<!tpu.dma_semaphore, #tpu.memory_space<semaphore_mem>>
        %dma_start3A_643 = arith.constant 0 : i32
        %dma_start3A_644 = arith.constant 0 : i32
        %dma_start3A_645 = tpu.memref_slice %arg12[%dma_start3A_643, %dma_start3A_644] : memref<10112x128xf32, #tpu.memory_space<vmem_shared>> -> memref<10112x128xf32, #tpu.memory_space<vmem_shared>>
        tpu.enqueue_indirect_dma source(%arg10 : memref<128x128xf32, #tpu.memory_space<vmem>>) target(%dma_start3A_645 : memref<10112x128xf32, #tpu.memory_space<vmem_shared>>) offsets(%arg7 : memref<128xi32, #tpu.memory_space<vmem>>) semaphore(%run_scoped3A : memref<!tpu.dma_semaphore, #tpu.memory_space<semaphore_mem>>) {add = true}
        %dma_wait3A_646 = arith.constant 0 : i32
        %dma_wait3A_647 = arith.constant 0 : i32
        %dma_wait3A_648 = tpu.memref_slice %arg12[%dma_wait3A_646, %dma_wait3A_647] : memref<10112x128xf32, #tpu.memory_space<vmem_shared>> -> memref<10112x128xf32, #tpu.memory_space<vmem_shared>>
        tpu.wait_indirect_dma semaphore(%run_scoped3A : memref<!tpu.dma_semaphore, #tpu.memory_space<semaphore_mem>>) src(%arg10 : memref<128x128xf32, #tpu.memory_space<vmem>>) dst(%dma_wait3A_648 : memref<10112x128xf32, #tpu.memory_space<vmem_shared>>)
        tpu.yield
      }) : () -> ()
      %add3A = arith.constant 2 : i32
      %add3A_342 = arith.addi %mul3A_338, %add3A : i32
      %get3A_343 = arith.index_cast %add3A_342 : i32 to index
      %get3A_344 = arith.constant 0 : index
      %get3A_345 = tpu.vector_load %arg5[%get3A_343, %get3A_344] {strides = array<i32>} : memref<80x128xi32, #tpu.memory_space<vmem>>, vector<1x16xi32>,
      %get3A_346 = vector.shape_cast %get3A_345 : vector<1x16xi32> to vector<16xi32>
      %and3A_347 = arith.constant 65535 : i32
      %and3A_348 = vector.broadcast %and3A_347 : i32 to vector<16xi32>
      %and3A_349 = arith.andi %get3A_346, %and3A_348 : vector<16xi32>
      %swap3A_350 = arith.constant 0 : index
      %swap3A_351 = tpu.vector_load %arg6[%swap3A_350] {strides = array<i32>} : memref<128xi32, #tpu.memory_space<vmem>>, vector<16xi32>,
      %swap3A_352 = vector.shape_cast %swap3A_351 : vector<16xi32> to vector<16xi32>
      %swap3A_353 = vector.shape_cast %and3A_349 : vector<16xi32> to vector<16xi32>
      tpu.vector_store %arg6[%swap3A_350], %swap3A_353 {strides = array<i32>} : memref<128xi32, #tpu.memory_space<vmem>>, vector<16xi32>,
      %shift_right_logical3A_354 = arith.constant 16 : i32
      %shift_right_logical3A_355 = vector.broadcast %shift_right_logical3A_354 : i32 to vector<16xi32>
      %shift_right_logical3A_356 = arith.shrui %get3A_346, %shift_right_logical3A_355 : vector<16xi32>
      %swap3A_357 = arith.constant 0 : index
      %swap3A_358 = tpu.vector_load %arg7[%swap3A_357] {strides = array<i32>} : memref<128xi32, #tpu.memory_space<vmem>>, vector<16xi32>,
      %swap3A_359 = vector.shape_cast %swap3A_358 : vector<16xi32> to vector<16xi32>
      %swap3A_360 = vector.shape_cast %shift_right_logical3A_356 : vector<16xi32> to vector<16xi32>
      tpu.vector_store %arg7[%swap3A_357], %swap3A_360 {strides = array<i32>} : memref<128xi32, #tpu.memory_space<vmem>>, vector<16xi32>,
      %get3A_361 = arith.index_cast %add3A_342 : i32 to index
      %get3A_362 = arith.constant 16 : index
      %get3A_363 = tpu.vector_load %arg5[%get3A_361, %get3A_362] {strides = array<i32>} : memref<80x128xi32, #tpu.memory_space<vmem>>, vector<1x16xi32>,
      %get3A_364 = vector.shape_cast %get3A_363 : vector<1x16xi32> to vector<16xi32>
      %and3A_365 = arith.constant 65535 : i32
      %and3A_366 = vector.broadcast %and3A_365 : i32 to vector<16xi32>
      %and3A_367 = arith.andi %get3A_364, %and3A_366 : vector<16xi32>
      %swap3A_368 = arith.constant 16 : index
      %swap3A_369 = tpu.vector_load %arg6[%swap3A_368] {strides = array<i32>} : memref<128xi32, #tpu.memory_space<vmem>>, vector<16xi32>,
      %swap3A_370 = vector.shape_cast %swap3A_369 : vector<16xi32> to vector<16xi32>
      %swap3A_371 = vector.shape_cast %and3A_367 : vector<16xi32> to vector<16xi32>
      tpu.vector_store %arg6[%swap3A_368], %swap3A_371 {strides = array<i32>} : memref<128xi32, #tpu.memory_space<vmem>>, vector<16xi32>,
      %shift_right_logical3A_372 = arith.constant 16 : i32
      %shift_right_logical3A_373 = vector.broadcast %shift_right_logical3A_372 : i32 to vector<16xi32>
      %shift_right_logical3A_374 = arith.shrui %get3A_364, %shift_right_logical3A_373 : vector<16xi32>
      %swap3A_375 = arith.constant 16 : index
      %swap3A_376 = tpu.vector_load %arg7[%swap3A_375] {strides = array<i32>} : memref<128xi32, #tpu.memory_space<vmem>>, vector<16xi32>,
      %swap3A_377 = vector.shape_cast %swap3A_376 : vector<16xi32> to vector<16xi32>
      %swap3A_378 = vector.shape_cast %shift_right_logical3A_374 : vector<16xi32> to vector<16xi32>
      tpu.vector_store %arg7[%swap3A_375], %swap3A_378 {strides = array<i32>} : memref<128xi32, #tpu.memory_space<vmem>>, vector<16xi32>,
      %get3A_379 = arith.index_cast %add3A_342 : i32 to index
      %get3A_380 = arith.constant 32 : index
      %get3A_381 = tpu.vector_load %arg5[%get3A_379, %get3A_380] {strides = array<i32>} : memref<80x128xi32, #tpu.memory_space<vmem>>, vector<1x16xi32>,
      %get3A_382 = vector.shape_cast %get3A_381 : vector<1x16xi32> to vector<16xi32>
      %and3A_383 = arith.constant 65535 : i32
      %and3A_384 = vector.broadcast %and3A_383 : i32 to vector<16xi32>
      %and3A_385 = arith.andi %get3A_382, %and3A_384 : vector<16xi32>
      %swap3A_386 = arith.constant 32 : index
      %swap3A_387 = tpu.vector_load %arg6[%swap3A_386] {strides = array<i32>} : memref<128xi32, #tpu.memory_space<vmem>>, vector<16xi32>,
      %swap3A_388 = vector.shape_cast %swap3A_387 : vector<16xi32> to vector<16xi32>
      %swap3A_389 = vector.shape_cast %and3A_385 : vector<16xi32> to vector<16xi32>
      tpu.vector_store %arg6[%swap3A_386], %swap3A_389 {strides = array<i32>} : memref<128xi32, #tpu.memory_space<vmem>>, vector<16xi32>,
      %shift_right_logical3A_390 = arith.constant 16 : i32
      %shift_right_logical3A_391 = vector.broadcast %shift_right_logical3A_390 : i32 to vector<16xi32>
      %shift_right_logical3A_392 = arith.shrui %get3A_382, %shift_right_logical3A_391 : vector<16xi32>
      %swap3A_393 = arith.constant 32 : index
      %swap3A_394 = tpu.vector_load %arg7[%swap3A_393] {strides = array<i32>} : memref<128xi32, #tpu.memory_space<vmem>>, vector<16xi32>,
      %swap3A_395 = vector.shape_cast %swap3A_394 : vector<16xi32> to vector<16xi32>
      %swap3A_396 = vector.shape_cast %shift_right_logical3A_392 : vector<16xi32> to vector<16xi32>
      tpu.vector_store %arg7[%swap3A_393], %swap3A_396 {strides = array<i32>} : memref<128xi32, #tpu.memory_space<vmem>>, vector<16xi32>,
      %get3A_397 = arith.index_cast %add3A_342 : i32 to index
      %get3A_398 = arith.constant 48 : index
      %get3A_399 = tpu.vector_load %arg5[%get3A_397, %get3A_398] {strides = array<i32>} : memref<80x128xi32, #tpu.memory_space<vmem>>, vector<1x16xi32>,
      %get3A_400 = vector.shape_cast %get3A_399 : vector<1x16xi32> to vector<16xi32>
      %and3A_401 = arith.constant 65535 : i32
      %and3A_402 = vector.broadcast %and3A_401 : i32 to vector<16xi32>
      %and3A_403 = arith.andi %get3A_400, %and3A_402 : vector<16xi32>
      %swap3A_404 = arith.constant 48 : index
      %swap3A_405 = tpu.vector_load %arg6[%swap3A_404] {strides = array<i32>} : memref<128xi32, #tpu.memory_space<vmem>>, vector<16xi32>,
      %swap3A_406 = vector.shape_cast %swap3A_405 : vector<16xi32> to vector<16xi32>
      %swap3A_407 = vector.shape_cast %and3A_403 : vector<16xi32> to vector<16xi32>
      tpu.vector_store %arg6[%swap3A_404], %swap3A_407 {strides = array<i32>} : memref<128xi32, #tpu.memory_space<vmem>>, vector<16xi32>,
      %shift_right_logical3A_408 = arith.constant 16 : i32
      %shift_right_logical3A_409 = vector.broadcast %shift_right_logical3A_408 : i32 to vector<16xi32>
      %shift_right_logical3A_410 = arith.shrui %get3A_400, %shift_right_logical3A_409 : vector<16xi32>
      %swap3A_411 = arith.constant 48 : index
      %swap3A_412 = tpu.vector_load %arg7[%swap3A_411] {strides = array<i32>} : memref<128xi32, #tpu.memory_space<vmem>>, vector<16xi32>,
      %swap3A_413 = vector.shape_cast %swap3A_412 : vector<16xi32> to vector<16xi32>
      %swap3A_414 = vector.shape_cast %shift_right_logical3A_410 : vector<16xi32> to vector<16xi32>
      tpu.vector_store %arg7[%swap3A_411], %swap3A_414 {strides = array<i32>} : memref<128xi32, #tpu.memory_space<vmem>>, vector<16xi32>,
      %get3A_415 = arith.index_cast %add3A_342 : i32 to index
      %get3A_416 = arith.constant 64 : index
      %get3A_417 = tpu.vector_load %arg5[%get3A_415, %get3A_416] {strides = array<i32>} : memref<80x128xi32, #tpu.memory_space<vmem>>, vector<1x16xi32>,
      %get3A_418 = vector.shape_cast %get3A_417 : vector<1x16xi32> to vector<16xi32>
      %and3A_419 = arith.constant 65535 : i32
      %and3A_420 = vector.broadcast %and3A_419 : i32 to vector<16xi32>
      %and3A_421 = arith.andi %get3A_418, %and3A_420 : vector<16xi32>
      %swap3A_422 = arith.constant 64 : index
      %swap3A_423 = tpu.vector_load %arg6[%swap3A_422] {strides = array<i32>} : memref<128xi32, #tpu.memory_space<vmem>>, vector<16xi32>,
      %swap3A_424 = vector.shape_cast %swap3A_423 : vector<16xi32> to vector<16xi32>
      %swap3A_425 = vector.shape_cast %and3A_421 : vector<16xi32> to vector<16xi32>
      tpu.vector_store %arg6[%swap3A_422], %swap3A_425 {strides = array<i32>} : memref<128xi32, #tpu.memory_space<vmem>>, vector<16xi32>,
      %shift_right_logical3A_426 = arith.constant 16 : i32
      %shift_right_logical3A_427 = vector.broadcast %shift_right_logical3A_426 : i32 to vector<16xi32>
      %shift_right_logical3A_428 = arith.shrui %get3A_418, %shift_right_logical3A_427 : vector<16xi32>
      %swap3A_429 = arith.constant 64 : index
      %swap3A_430 = tpu.vector_load %arg7[%swap3A_429] {strides = array<i32>} : memref<128xi32, #tpu.memory_space<vmem>>, vector<16xi32>,
      %swap3A_431 = vector.shape_cast %swap3A_430 : vector<16xi32> to vector<16xi32>
      %swap3A_432 = vector.shape_cast %shift_right_logical3A_428 : vector<16xi32> to vector<16xi32>
      tpu.vector_store %arg7[%swap3A_429], %swap3A_432 {strides = array<i32>} : memref<128xi32, #tpu.memory_space<vmem>>, vector<16xi32>,
      %get3A_433 = arith.index_cast %add3A_342 : i32 to index
      %get3A_434 = arith.constant 80 : index
      %get3A_435 = tpu.vector_load %arg5[%get3A_433, %get3A_434] {strides = array<i32>} : memref<80x128xi32, #tpu.memory_space<vmem>>, vector<1x16xi32>,
      %get3A_436 = vector.shape_cast %get3A_435 : vector<1x16xi32> to vector<16xi32>
      %and3A_437 = arith.constant 65535 : i32
      %and3A_438 = vector.broadcast %and3A_437 : i32 to vector<16xi32>
      %and3A_439 = arith.andi %get3A_436, %and3A_438 : vector<16xi32>
      %swap3A_440 = arith.constant 80 : index
      %swap3A_441 = tpu.vector_load %arg6[%swap3A_440] {strides = array<i32>} : memref<128xi32, #tpu.memory_space<vmem>>, vector<16xi32>,
      %swap3A_442 = vector.shape_cast %swap3A_441 : vector<16xi32> to vector<16xi32>
      %swap3A_443 = vector.shape_cast %and3A_439 : vector<16xi32> to vector<16xi32>
      tpu.vector_store %arg6[%swap3A_440], %swap3A_443 {strides = array<i32>} : memref<128xi32, #tpu.memory_space<vmem>>, vector<16xi32>,
      %shift_right_logical3A_444 = arith.constant 16 : i32
      %shift_right_logical3A_445 = vector.broadcast %shift_right_logical3A_444 : i32 to vector<16xi32>
      %shift_right_logical3A_446 = arith.shrui %get3A_436, %shift_right_logical3A_445 : vector<16xi32>
      %swap3A_447 = arith.constant 80 : index
      %swap3A_448 = tpu.vector_load %arg7[%swap3A_447] {strides = array<i32>} : memref<128xi32, #tpu.memory_space<vmem>>, vector<16xi32>,
      %swap3A_449 = vector.shape_cast %swap3A_448 : vector<16xi32> to vector<16xi32>
      %swap3A_450 = vector.shape_cast %shift_right_logical3A_446 : vector<16xi32> to vector<16xi32>
      tpu.vector_store %arg7[%swap3A_447], %swap3A_450 {strides = array<i32>} : memref<128xi32, #tpu.memory_space<vmem>>, vector<16xi32>,
      %get3A_451 = arith.index_cast %add3A_342 : i32 to index
      %get3A_452 = arith.constant 96 : index
      %get3A_453 = tpu.vector_load %arg5[%get3A_451, %get3A_452] {strides = array<i32>} : memref<80x128xi32, #tpu.memory_space<vmem>>, vector<1x16xi32>,
      %get3A_454 = vector.shape_cast %get3A_453 : vector<1x16xi32> to vector<16xi32>
      %and3A_455 = arith.constant 65535 : i32
      %and3A_456 = vector.broadcast %and3A_455 : i32 to vector<16xi32>
      %and3A_457 = arith.andi %get3A_454, %and3A_456 : vector<16xi32>
      %swap3A_458 = arith.constant 96 : index
      %swap3A_459 = tpu.vector_load %arg6[%swap3A_458] {strides = array<i32>} : memref<128xi32, #tpu.memory_space<vmem>>, vector<16xi32>,
      %swap3A_460 = vector.shape_cast %swap3A_459 : vector<16xi32> to vector<16xi32>
      %swap3A_461 = vector.shape_cast %and3A_457 : vector<16xi32> to vector<16xi32>
      tpu.vector_store %arg6[%swap3A_458], %swap3A_461 {strides = array<i32>} : memref<128xi32, #tpu.memory_space<vmem>>, vector<16xi32>,
      %shift_right_logical3A_462 = arith.constant 16 : i32
      %shift_right_logical3A_463 = vector.broadcast %shift_right_logical3A_462 : i32 to vector<16xi32>
      %shift_right_logical3A_464 = arith.shrui %get3A_454, %shift_right_logical3A_463 : vector<16xi32>
      %swap3A_465 = arith.constant 96 : index
      %swap3A_466 = tpu.vector_load %arg7[%swap3A_465] {strides = array<i32>} : memref<128xi32, #tpu.memory_space<vmem>>, vector<16xi32>,
      %swap3A_467 = vector.shape_cast %swap3A_466 : vector<16xi32> to vector<16xi32>
      %swap3A_468 = vector.shape_cast %shift_right_logical3A_464 : vector<16xi32> to vector<16xi32>
      tpu.vector_store %arg7[%swap3A_465], %swap3A_468 {strides = array<i32>} : memref<128xi32, #tpu.memory_space<vmem>>, vector<16xi32>,
      %get3A_469 = arith.index_cast %add3A_342 : i32 to index
      %get3A_470 = arith.constant 112 : index
      %get3A_471 = tpu.vector_load %arg5[%get3A_469, %get3A_470] {strides = array<i32>} : memref<80x128xi32, #tpu.memory_space<vmem>>, vector<1x16xi32>,
      %get3A_472 = vector.shape_cast %get3A_471 : vector<1x16xi32> to vector<16xi32>
      %and3A_473 = arith.constant 65535 : i32
      %and3A_474 = vector.broadcast %and3A_473 : i32 to vector<16xi32>
      %and3A_475 = arith.andi %get3A_472, %and3A_474 : vector<16xi32>
      %swap3A_476 = arith.constant 112 : index
      %swap3A_477 = tpu.vector_load %arg6[%swap3A_476] {strides = array<i32>} : memref<128xi32, #tpu.memory_space<vmem>>, vector<16xi32>,
      %swap3A_478 = vector.shape_cast %swap3A_477 : vector<16xi32> to vector<16xi32>
      %swap3A_479 = vector.shape_cast %and3A_475 : vector<16xi32> to vector<16xi32>
      tpu.vector_store %arg6[%swap3A_476], %swap3A_479 {strides = array<i32>} : memref<128xi32, #tpu.memory_space<vmem>>, vector<16xi32>,
      %shift_right_logical3A_480 = arith.constant 16 : i32
      %shift_right_logical3A_481 = vector.broadcast %shift_right_logical3A_480 : i32 to vector<16xi32>
      %shift_right_logical3A_482 = arith.shrui %get3A_472, %shift_right_logical3A_481 : vector<16xi32>
      %swap3A_483 = arith.constant 112 : index
      %swap3A_484 = tpu.vector_load %arg7[%swap3A_483] {strides = array<i32>} : memref<128xi32, #tpu.memory_space<vmem>>, vector<16xi32>,
      %swap3A_485 = vector.shape_cast %swap3A_484 : vector<16xi32> to vector<16xi32>
      %swap3A_486 = vector.shape_cast %shift_right_logical3A_482 : vector<16xi32> to vector<16xi32>
      tpu.vector_store %arg7[%swap3A_483], %swap3A_486 {strides = array<i32>} : memref<128xi32, #tpu.memory_space<vmem>>, vector<16xi32>,
      %dma_start3A_487 = arith.constant 0 : i32
      %dma_start3A_488 = arith.constant 0 : i32
      %dma_start3A_489 = tpu.memref_slice %arg2[%dma_start3A_487, %dma_start3A_488] : memref<10112x128xf32, #tpu.memory_space<hbm>> -> memref<10112x128xf32, #tpu.memory_space<hbm>>
      tpu.enqueue_indirect_dma source(%dma_start3A_489 : memref<10112x128xf32, #tpu.memory_space<hbm>>) target(%arg10 : memref<128x128xf32, #tpu.memory_space<vmem>>) offsets(%arg6 : memref<128xi32, #tpu.memory_space<vmem>>) semaphore(%arg13 : memref<!tpu.dma_semaphore, #tpu.memory_space<semaphore_mem>>)
      %dma_wait3A_490 = arith.constant 0 : i32
      %dma_wait3A_491 = arith.constant 0 : i32
      %dma_wait3A_492 = tpu.memref_slice %arg2[%dma_wait3A_490, %dma_wait3A_491] : memref<10112x128xf32, #tpu.memory_space<hbm>> -> memref<10112x128xf32, #tpu.memory_space<hbm>>
      tpu.wait_indirect_dma semaphore(%arg14 : memref<!tpu.dma_semaphore, #tpu.memory_space<semaphore_mem>>) src(%dma_wait3A_492 : memref<10112x128xf32, #tpu.memory_space<hbm>>) dst(%arg11 : memref<128x128xf32, #tpu.memory_space<vmem>>)
      "tpu.region"() ({
        %run_scoped3A = tpu.sem_alloc : memref<!tpu.dma_semaphore, #tpu.memory_space<semaphore_mem>>
        %dma_start3A_643 = arith.constant 0 : i32
        %dma_start3A_644 = arith.constant 0 : i32
        %dma_start3A_645 = tpu.memref_slice %arg12[%dma_start3A_643, %dma_start3A_644] : memref<10112x128xf32, #tpu.memory_space<vmem_shared>> -> memref<10112x128xf32, #tpu.memory_space<vmem_shared>>
        tpu.enqueue_indirect_dma source(%arg11 : memref<128x128xf32, #tpu.memory_space<vmem>>) target(%dma_start3A_645 : memref<10112x128xf32, #tpu.memory_space<vmem_shared>>) offsets(%arg9 : memref<128xi32, #tpu.memory_space<vmem>>) semaphore(%run_scoped3A : memref<!tpu.dma_semaphore, #tpu.memory_space<semaphore_mem>>) {add = true}
        %dma_wait3A_646 = arith.constant 0 : i32
        %dma_wait3A_647 = arith.constant 0 : i32
        %dma_wait3A_648 = tpu.memref_slice %arg12[%dma_wait3A_646, %dma_wait3A_647] : memref<10112x128xf32, #tpu.memory_space<vmem_shared>> -> memref<10112x128xf32, #tpu.memory_space<vmem_shared>>
        tpu.wait_indirect_dma semaphore(%run_scoped3A : memref<!tpu.dma_semaphore, #tpu.memory_space<semaphore_mem>>) src(%arg11 : memref<128x128xf32, #tpu.memory_space<vmem>>) dst(%dma_wait3A_648 : memref<10112x128xf32, #tpu.memory_space<vmem_shared>>)
        tpu.yield
      }) : () -> ()
      %add3A_493 = arith.constant 3 : i32
      %add3A_494 = arith.addi %mul3A_338, %add3A_493 : i32
      %get3A_495 = arith.index_cast %add3A_494 : i32 to index
      %get3A_496 = arith.constant 0 : index
      %get3A_497 = tpu.vector_load %arg5[%get3A_495, %get3A_496] {strides = array<i32>} : memref<80x128xi32, #tpu.memory_space<vmem>>, vector<1x16xi32>,
      %get3A_498 = vector.shape_cast %get3A_497 : vector<1x16xi32> to vector<16xi32>
      %and3A_499 = arith.constant 65535 : i32
      %and3A_500 = vector.broadcast %and3A_499 : i32 to vector<16xi32>
      %and3A_501 = arith.andi %get3A_498, %and3A_500 : vector<16xi32>
      %swap3A_502 = arith.constant 0 : index
      %swap3A_503 = tpu.vector_load %arg8[%swap3A_502] {strides = array<i32>} : memref<128xi32, #tpu.memory_space<vmem>>, vector<16xi32>,
      %swap3A_504 = vector.shape_cast %swap3A_503 : vector<16xi32> to vector<16xi32>
      %swap3A_505 = vector.shape_cast %and3A_501 : vector<16xi32> to vector<16xi32>
      tpu.vector_store %arg8[%swap3A_502], %swap3A_505 {strides = array<i32>} : memref<128xi32, #tpu.memory_space<vmem>>, vector<16xi32>,
      %shift_right_logical3A_506 = arith.constant 16 : i32
      %shift_right_logical3A_507 = vector.broadcast %shift_right_logical3A_506 : i32 to vector<16xi32>
      %shift_right_logical3A_508 = arith.shrui %get3A_498, %shift_right_logical3A_507 : vector<16xi32>
      %swap3A_509 = arith.constant 0 : index
      %swap3A_510 = tpu.vector_load %arg9[%swap3A_509] {strides = array<i32>} : memref<128xi32, #tpu.memory_space<vmem>>, vector<16xi32>,
      %swap3A_511 = vector.shape_cast %swap3A_510 : vector<16xi32> to vector<16xi32>
      %swap3A_512 = vector.shape_cast %shift_right_logical3A_508 : vector<16xi32> to vector<16xi32>
      tpu.vector_store %arg9[%swap3A_509], %swap3A_512 {strides = array<i32>} : memref<128xi32, #tpu.memory_space<vmem>>, vector<16xi32>,
      %get3A_513 = arith.index_cast %add3A_494 : i32 to index
      %get3A_514 = arith.constant 16 : index
      %get3A_515 = tpu.vector_load %arg5[%get3A_513, %get3A_514] {strides = array<i32>} : memref<80x128xi32, #tpu.memory_space<vmem>>, vector<1x16xi32>,
      %get3A_516 = vector.shape_cast %get3A_515 : vector<1x16xi32> to vector<16xi32>
      %and3A_517 = arith.constant 65535 : i32
      %and3A_518 = vector.broadcast %and3A_517 : i32 to vector<16xi32>
      %and3A_519 = arith.andi %get3A_516, %and3A_518 : vector<16xi32>
      %swap3A_520 = arith.constant 16 : index
      %swap3A_521 = tpu.vector_load %arg8[%swap3A_520] {strides = array<i32>} : memref<128xi32, #tpu.memory_space<vmem>>, vector<16xi32>,
      %swap3A_522 = vector.shape_cast %swap3A_521 : vector<16xi32> to vector<16xi32>
      %swap3A_523 = vector.shape_cast %and3A_519 : vector<16xi32> to vector<16xi32>
      tpu.vector_store %arg8[%swap3A_520], %swap3A_523 {strides = array<i32>} : memref<128xi32, #tpu.memory_space<vmem>>, vector<16xi32>,
      %shift_right_logical3A_524 = arith.constant 16 : i32
      %shift_right_logical3A_525 = vector.broadcast %shift_right_logical3A_524 : i32 to vector<16xi32>
      %shift_right_logical3A_526 = arith.shrui %get3A_516, %shift_right_logical3A_525 : vector<16xi32>
      %swap3A_527 = arith.constant 16 : index
      %swap3A_528 = tpu.vector_load %arg9[%swap3A_527] {strides = array<i32>} : memref<128xi32, #tpu.memory_space<vmem>>, vector<16xi32>,
      %swap3A_529 = vector.shape_cast %swap3A_528 : vector<16xi32> to vector<16xi32>
      %swap3A_530 = vector.shape_cast %shift_right_logical3A_526 : vector<16xi32> to vector<16xi32>
      tpu.vector_store %arg9[%swap3A_527], %swap3A_530 {strides = array<i32>} : memref<128xi32, #tpu.memory_space<vmem>>, vector<16xi32>,
      %get3A_531 = arith.index_cast %add3A_494 : i32 to index
      %get3A_532 = arith.constant 32 : index
      %get3A_533 = tpu.vector_load %arg5[%get3A_531, %get3A_532] {strides = array<i32>} : memref<80x128xi32, #tpu.memory_space<vmem>>, vector<1x16xi32>,
      %get3A_534 = vector.shape_cast %get3A_533 : vector<1x16xi32> to vector<16xi32>
      %and3A_535 = arith.constant 65535 : i32
      %and3A_536 = vector.broadcast %and3A_535 : i32 to vector<16xi32>
      %and3A_537 = arith.andi %get3A_534, %and3A_536 : vector<16xi32>
      %swap3A_538 = arith.constant 32 : index
      %swap3A_539 = tpu.vector_load %arg8[%swap3A_538] {strides = array<i32>} : memref<128xi32, #tpu.memory_space<vmem>>, vector<16xi32>,
      %swap3A_540 = vector.shape_cast %swap3A_539 : vector<16xi32> to vector<16xi32>
      %swap3A_541 = vector.shape_cast %and3A_537 : vector<16xi32> to vector<16xi32>
      tpu.vector_store %arg8[%swap3A_538], %swap3A_541 {strides = array<i32>} : memref<128xi32, #tpu.memory_space<vmem>>, vector<16xi32>,
      %shift_right_logical3A_542 = arith.constant 16 : i32
      %shift_right_logical3A_543 = vector.broadcast %shift_right_logical3A_542 : i32 to vector<16xi32>
      %shift_right_logical3A_544 = arith.shrui %get3A_534, %shift_right_logical3A_543 : vector<16xi32>
      %swap3A_545 = arith.constant 32 : index
      %swap3A_546 = tpu.vector_load %arg9[%swap3A_545] {strides = array<i32>} : memref<128xi32, #tpu.memory_space<vmem>>, vector<16xi32>,
      %swap3A_547 = vector.shape_cast %swap3A_546 : vector<16xi32> to vector<16xi32>
      %swap3A_548 = vector.shape_cast %shift_right_logical3A_544 : vector<16xi32> to vector<16xi32>
      tpu.vector_store %arg9[%swap3A_545], %swap3A_548 {strides = array<i32>} : memref<128xi32, #tpu.memory_space<vmem>>, vector<16xi32>,
      %get3A_549 = arith.index_cast %add3A_494 : i32 to index
      %get3A_550 = arith.constant 48 : index
      %get3A_551 = tpu.vector_load %arg5[%get3A_549, %get3A_550] {strides = array<i32>} : memref<80x128xi32, #tpu.memory_space<vmem>>, vector<1x16xi32>,
      %get3A_552 = vector.shape_cast %get3A_551 : vector<1x16xi32> to vector<16xi32>
      %and3A_553 = arith.constant 65535 : i32
      %and3A_554 = vector.broadcast %and3A_553 : i32 to vector<16xi32>
      %and3A_555 = arith.andi %get3A_552, %and3A_554 : vector<16xi32>
      %swap3A_556 = arith.constant 48 : index
      %swap3A_557 = tpu.vector_load %arg8[%swap3A_556] {strides = array<i32>} : memref<128xi32, #tpu.memory_space<vmem>>, vector<16xi32>,
      %swap3A_558 = vector.shape_cast %swap3A_557 : vector<16xi32> to vector<16xi32>
      %swap3A_559 = vector.shape_cast %and3A_555 : vector<16xi32> to vector<16xi32>
      tpu.vector_store %arg8[%swap3A_556], %swap3A_559 {strides = array<i32>} : memref<128xi32, #tpu.memory_space<vmem>>, vector<16xi32>,
      %shift_right_logical3A_560 = arith.constant 16 : i32
      %shift_right_logical3A_561 = vector.broadcast %shift_right_logical3A_560 : i32 to vector<16xi32>
      %shift_right_logical3A_562 = arith.shrui %get3A_552, %shift_right_logical3A_561 : vector<16xi32>
      %swap3A_563 = arith.constant 48 : index
      %swap3A_564 = tpu.vector_load %arg9[%swap3A_563] {strides = array<i32>} : memref<128xi32, #tpu.memory_space<vmem>>, vector<16xi32>,
      %swap3A_565 = vector.shape_cast %swap3A_564 : vector<16xi32> to vector<16xi32>
      %swap3A_566 = vector.shape_cast %shift_right_logical3A_562 : vector<16xi32> to vector<16xi32>
      tpu.vector_store %arg9[%swap3A_563], %swap3A_566 {strides = array<i32>} : memref<128xi32, #tpu.memory_space<vmem>>, vector<16xi32>,
      %get3A_567 = arith.index_cast %add3A_494 : i32 to index
      %get3A_568 = arith.constant 64 : index
      %get3A_569 = tpu.vector_load %arg5[%get3A_567, %get3A_568] {strides = array<i32>} : memref<80x128xi32, #tpu.memory_space<vmem>>, vector<1x16xi32>,
      %get3A_570 = vector.shape_cast %get3A_569 : vector<1x16xi32> to vector<16xi32>
      %and3A_571 = arith.constant 65535 : i32
      %and3A_572 = vector.broadcast %and3A_571 : i32 to vector<16xi32>
      %and3A_573 = arith.andi %get3A_570, %and3A_572 : vector<16xi32>
      %swap3A_574 = arith.constant 64 : index
      %swap3A_575 = tpu.vector_load %arg8[%swap3A_574] {strides = array<i32>} : memref<128xi32, #tpu.memory_space<vmem>>, vector<16xi32>,
      %swap3A_576 = vector.shape_cast %swap3A_575 : vector<16xi32> to vector<16xi32>
      %swap3A_577 = vector.shape_cast %and3A_573 : vector<16xi32> to vector<16xi32>
      tpu.vector_store %arg8[%swap3A_574], %swap3A_577 {strides = array<i32>} : memref<128xi32, #tpu.memory_space<vmem>>, vector<16xi32>,
      %shift_right_logical3A_578 = arith.constant 16 : i32
      %shift_right_logical3A_579 = vector.broadcast %shift_right_logical3A_578 : i32 to vector<16xi32>
      %shift_right_logical3A_580 = arith.shrui %get3A_570, %shift_right_logical3A_579 : vector<16xi32>
      %swap3A_581 = arith.constant 64 : index
      %swap3A_582 = tpu.vector_load %arg9[%swap3A_581] {strides = array<i32>} : memref<128xi32, #tpu.memory_space<vmem>>, vector<16xi32>,
      %swap3A_583 = vector.shape_cast %swap3A_582 : vector<16xi32> to vector<16xi32>
      %swap3A_584 = vector.shape_cast %shift_right_logical3A_580 : vector<16xi32> to vector<16xi32>
      tpu.vector_store %arg9[%swap3A_581], %swap3A_584 {strides = array<i32>} : memref<128xi32, #tpu.memory_space<vmem>>, vector<16xi32>,
      %get3A_585 = arith.index_cast %add3A_494 : i32 to index
      %get3A_586 = arith.constant 80 : index
      %get3A_587 = tpu.vector_load %arg5[%get3A_585, %get3A_586] {strides = array<i32>} : memref<80x128xi32, #tpu.memory_space<vmem>>, vector<1x16xi32>,
      %get3A_588 = vector.shape_cast %get3A_587 : vector<1x16xi32> to vector<16xi32>
      %and3A_589 = arith.constant 65535 : i32
      %and3A_590 = vector.broadcast %and3A_589 : i32 to vector<16xi32>
      %and3A_591 = arith.andi %get3A_588, %and3A_590 : vector<16xi32>
      %swap3A_592 = arith.constant 80 : index
      %swap3A_593 = tpu.vector_load %arg8[%swap3A_592] {strides = array<i32>} : memref<128xi32, #tpu.memory_space<vmem>>, vector<16xi32>,
      %swap3A_594 = vector.shape_cast %swap3A_593 : vector<16xi32> to vector<16xi32>
      %swap3A_595 = vector.shape_cast %and3A_591 : vector<16xi32> to vector<16xi32>
      tpu.vector_store %arg8[%swap3A_592], %swap3A_595 {strides = array<i32>} : memref<128xi32, #tpu.memory_space<vmem>>, vector<16xi32>,
      %shift_right_logical3A_596 = arith.constant 16 : i32
      %shift_right_logical3A_597 = vector.broadcast %shift_right_logical3A_596 : i32 to vector<16xi32>
      %shift_right_logical3A_598 = arith.shrui %get3A_588, %shift_right_logical3A_597 : vector<16xi32>
      %swap3A_599 = arith.constant 80 : index
      %swap3A_600 = tpu.vector_load %arg9[%swap3A_599] {strides = array<i32>} : memref<128xi32, #tpu.memory_space<vmem>>, vector<16xi32>,
      %swap3A_601 = vector.shape_cast %swap3A_600 : vector<16xi32> to vector<16xi32>
      %swap3A_602 = vector.shape_cast %shift_right_logical3A_598 : vector<16xi32> to vector<16xi32>
      tpu.vector_store %arg9[%swap3A_599], %swap3A_602 {strides = array<i32>} : memref<128xi32, #tpu.memory_space<vmem>>, vector<16xi32>,
      %get3A_603 = arith.index_cast %add3A_494 : i32 to index
      %get3A_604 = arith.constant 96 : index
      %get3A_605 = tpu.vector_load %arg5[%get3A_603, %get3A_604] {strides = array<i32>} : memref<80x128xi32, #tpu.memory_space<vmem>>, vector<1x16xi32>,
      %get3A_606 = vector.shape_cast %get3A_605 : vector<1x16xi32> to vector<16xi32>
      %and3A_607 = arith.constant 65535 : i32
      %and3A_608 = vector.broadcast %and3A_607 : i32 to vector<16xi32>
      %and3A_609 = arith.andi %get3A_606, %and3A_608 : vector<16xi32>
      %swap3A_610 = arith.constant 96 : index
      %swap3A_611 = tpu.vector_load %arg8[%swap3A_610] {strides = array<i32>} : memref<128xi32, #tpu.memory_space<vmem>>, vector<16xi32>,
      %swap3A_612 = vector.shape_cast %swap3A_611 : vector<16xi32> to vector<16xi32>
      %swap3A_613 = vector.shape_cast %and3A_609 : vector<16xi32> to vector<16xi32>
      tpu.vector_store %arg8[%swap3A_610], %swap3A_613 {strides = array<i32>} : memref<128xi32, #tpu.memory_space<vmem>>, vector<16xi32>,
      %shift_right_logical3A_614 = arith.constant 16 : i32
      %shift_right_logical3A_615 = vector.broadcast %shift_right_logical3A_614 : i32 to vector<16xi32>
      %shift_right_logical3A_616 = arith.shrui %get3A_606, %shift_right_logical3A_615 : vector<16xi32>
      %swap3A_617 = arith.constant 96 : index
      %swap3A_618 = tpu.vector_load %arg9[%swap3A_617] {strides = array<i32>} : memref<128xi32, #tpu.memory_space<vmem>>, vector<16xi32>,
      %swap3A_619 = vector.shape_cast %swap3A_618 : vector<16xi32> to vector<16xi32>
      %swap3A_620 = vector.shape_cast %shift_right_logical3A_616 : vector<16xi32> to vector<16xi32>
      tpu.vector_store %arg9[%swap3A_617], %swap3A_620 {strides = array<i32>} : memref<128xi32, #tpu.memory_space<vmem>>, vector<16xi32>,
      %get3A_621 = arith.index_cast %add3A_494 : i32 to index
      %get3A_622 = arith.constant 112 : index
      %get3A_623 = tpu.vector_load %arg5[%get3A_621, %get3A_622] {strides = array<i32>} : memref<80x128xi32, #tpu.memory_space<vmem>>, vector<1x16xi32>,
      %get3A_624 = vector.shape_cast %get3A_623 : vector<1x16xi32> to vector<16xi32>
      %and3A_625 = arith.constant 65535 : i32
      %and3A_626 = vector.broadcast %and3A_625 : i32 to vector<16xi32>
      %and3A_627 = arith.andi %get3A_624, %and3A_626 : vector<16xi32>
      %swap3A_628 = arith.constant 112 : index
      %swap3A_629 = tpu.vector_load %arg8[%swap3A_628] {strides = array<i32>} : memref<128xi32, #tpu.memory_space<vmem>>, vector<16xi32>,
      %swap3A_630 = vector.shape_cast %swap3A_629 : vector<16xi32> to vector<16xi32>
      %swap3A_631 = vector.shape_cast %and3A_627 : vector<16xi32> to vector<16xi32>
      tpu.vector_store %arg8[%swap3A_628], %swap3A_631 {strides = array<i32>} : memref<128xi32, #tpu.memory_space<vmem>>, vector<16xi32>,
      %shift_right_logical3A_632 = arith.constant 16 : i32
      %shift_right_logical3A_633 = vector.broadcast %shift_right_logical3A_632 : i32 to vector<16xi32>
      %shift_right_logical3A_634 = arith.shrui %get3A_624, %shift_right_logical3A_633 : vector<16xi32>
      %swap3A_635 = arith.constant 112 : index
      %swap3A_636 = tpu.vector_load %arg9[%swap3A_635] {strides = array<i32>} : memref<128xi32, #tpu.memory_space<vmem>>, vector<16xi32>,
      %swap3A_637 = vector.shape_cast %swap3A_636 : vector<16xi32> to vector<16xi32>
      %swap3A_638 = vector.shape_cast %shift_right_logical3A_634 : vector<16xi32> to vector<16xi32>
      tpu.vector_store %arg9[%swap3A_635], %swap3A_638 {strides = array<i32>} : memref<128xi32, #tpu.memory_space<vmem>>, vector<16xi32>,
      %dma_start3A_639 = arith.constant 0 : i32
      %dma_start3A_640 = arith.constant 0 : i32
      %dma_start3A_641 = tpu.memref_slice %arg2[%dma_start3A_639, %dma_start3A_640] : memref<10112x128xf32, #tpu.memory_space<hbm>> -> memref<10112x128xf32, #tpu.memory_space<hbm>>
      tpu.enqueue_indirect_dma source(%dma_start3A_641 : memref<10112x128xf32, #tpu.memory_space<hbm>>) target(%arg11 : memref<128x128xf32, #tpu.memory_space<vmem>>) offsets(%arg8 : memref<128xi32, #tpu.memory_space<vmem>>) semaphore(%arg14 : memref<!tpu.dma_semaphore, #tpu.memory_space<semaphore_mem>>)
      %scan3A_642 = arith.constant 0 : i32
      scf.yield %scan3A_642 : i32
    }
    %scan3A_325 = arith.constant 39 : i32
    %dma_wait3A = arith.constant 0 : i32
    %dma_wait3A_326 = arith.constant 0 : i32
    %dma_wait3A_327 = tpu.memref_slice %arg2[%dma_wait3A, %dma_wait3A_326] : memref<10112x128xf32, #tpu.memory_space<hbm>> -> memref<10112x128xf32, #tpu.memory_space<hbm>>
    tpu.wait_indirect_dma semaphore(%arg13 : memref<!tpu.dma_semaphore, #tpu.memory_space<semaphore_mem>>) src(%dma_wait3A_327 : memref<10112x128xf32, #tpu.memory_space<hbm>>) dst(%arg10 : memref<128x128xf32, #tpu.memory_space<vmem>>)
    "tpu.region"() ({
      %run_scoped3A = tpu.sem_alloc : memref<!tpu.dma_semaphore, #tpu.memory_space<semaphore_mem>>
      %dma_start3A_335 = arith.constant 0 : i32
      %dma_start3A_336 = arith.constant 0 : i32
      %dma_start3A_337 = tpu.memref_slice %arg12[%dma_start3A_335, %dma_start3A_336] : memref<10112x128xf32, #tpu.memory_space<vmem_shared>> -> memref<10112x128xf32, #tpu.memory_space<vmem_shared>>
      tpu.enqueue_indirect_dma source(%arg10 : memref<128x128xf32, #tpu.memory_space<vmem>>) target(%dma_start3A_337 : memref<10112x128xf32, #tpu.memory_space<vmem_shared>>) offsets(%arg7 : memref<128xi32, #tpu.memory_space<vmem>>) semaphore(%run_scoped3A : memref<!tpu.dma_semaphore, #tpu.memory_space<semaphore_mem>>) {add = true}
      %dma_wait3A_338 = arith.constant 0 : i32
      %dma_wait3A_339 = arith.constant 0 : i32
      %dma_wait3A_340 = tpu.memref_slice %arg12[%dma_wait3A_338, %dma_wait3A_339] : memref<10112x128xf32, #tpu.memory_space<vmem_shared>> -> memref<10112x128xf32, #tpu.memory_space<vmem_shared>>
      tpu.wait_indirect_dma semaphore(%run_scoped3A : memref<!tpu.dma_semaphore, #tpu.memory_space<semaphore_mem>>) src(%arg10 : memref<128x128xf32, #tpu.memory_space<vmem>>) dst(%dma_wait3A_340 : memref<10112x128xf32, #tpu.memory_space<vmem_shared>>)
      tpu.yield
    }) : () -> ()
    %dma_wait3A_328 = arith.constant 0 : i32
    %dma_wait3A_329 = arith.constant 0 : i32
    %dma_wait3A_330 = tpu.memref_slice %arg2[%dma_wait3A_328, %dma_wait3A_329] : memref<10112x128xf32, #tpu.memory_space<hbm>> -> memref<10112x128xf32, #tpu.memory_space<hbm>>
    tpu.wait_indirect_dma semaphore(%arg14 : memref<!tpu.dma_semaphore, #tpu.memory_space<semaphore_mem>>) src(%dma_wait3A_330 : memref<10112x128xf32, #tpu.memory_space<hbm>>) dst(%arg11 : memref<128x128xf32, #tpu.memory_space<vmem>>)
    "tpu.region"() ({
      %run_scoped3A = tpu.sem_alloc : memref<!tpu.dma_semaphore, #tpu.memory_space<semaphore_mem>>
      %dma_start3A_335 = arith.constant 0 : i32
      %dma_start3A_336 = arith.constant 0 : i32
      %dma_start3A_337 = tpu.memref_slice %arg12[%dma_start3A_335, %dma_start3A_336] : memref<10112x128xf32, #tpu.memory_space<vmem_shared>> -> memref<10112x128xf32, #tpu.memory_space<vmem_shared>>
      tpu.enqueue_indirect_dma source(%arg11 : memref<128x128xf32, #tpu.memory_space<vmem>>) target(%dma_start3A_337 : memref<10112x128xf32, #tpu.memory_space<vmem_shared>>) offsets(%arg9 : memref<128xi32, #tpu.memory_space<vmem>>) semaphore(%run_scoped3A : memref<!tpu.dma_semaphore, #tpu.memory_space<semaphore_mem>>) {add = true}
      %dma_wait3A_338 = arith.constant 0 : i32
      %dma_wait3A_339 = arith.constant 0 : i32
      %dma_wait3A_340 = tpu.memref_slice %arg12[%dma_wait3A_338, %dma_wait3A_339] : memref<10112x128xf32, #tpu.memory_space<vmem_shared>> -> memref<10112x128xf32, #tpu.memory_space<vmem_shared>>
      tpu.wait_indirect_dma semaphore(%run_scoped3A : memref<!tpu.dma_semaphore, #tpu.memory_space<semaphore_mem>>) src(%arg11 : memref<128x128xf32, #tpu.memory_space<vmem>>) dst(%dma_wait3A_340 : memref<10112x128xf32, #tpu.memory_space<vmem_shared>>)
      tpu.yield
    }) : () -> ()
    %barrier3A_331 = arith.constant 0 : index
    tpu.barrier barrier_id(%barrier3A_331)
    %mul3A = arith.constant 632 : i32
    %mul3A_332 = arith.muli %arg1, %mul3A : i32
    %mul3A_333 = arith.constant 632 : i32
    %mul3A_334 = arith.muli %arg1, %mul3A_333 : i32
    "tpu.region"() ({
      %run_scoped3A = tpu.sem_alloc : memref<!tpu.dma_semaphore, #tpu.memory_space<semaphore_mem>>
      %dma_start3A_335 = arith.constant 0 : i32
      %dma_start3A_336 = tpu.memref_slice %arg4[%arg0, %mul3A_334, %dma_start3A_335] : memref<2x10112x128xf32, #tpu.memory_space<hbm>> -> memref<1x632x128xf32, #tpu.memory_space<hbm>>
      %dma_start3A_337 = tpu.memref_squeeze %dma_start3A_336 : memref<1x632x128xf32, #tpu.memory_space<hbm>> -> memref<632x128xf32, #tpu.memory_space<hbm>>
      %dma_start3A_338 = arith.constant 0 : i32
      %dma_start3A_339 = tpu.memref_slice %arg12[%mul3A_332, %dma_start3A_338] : memref<10112x128xf32, #tpu.memory_space<vmem_shared>> -> memref<632x128xf32, #tpu.memory_space<vmem_shared>>
      tpu.enqueue_dma source(%dma_start3A_339 : memref<632x128xf32, #tpu.memory_space<vmem_shared>>) target(%dma_start3A_337 : memref<632x128xf32, #tpu.memory_space<hbm>>) target_semaphore(%run_scoped3A : memref<!tpu.dma_semaphore, #tpu.memory_space<semaphore_mem>>)
      %dma_wait3A_340 = arith.constant 0 : i32
      %dma_wait3A_341 = tpu.memref_slice %arg4[%arg0, %mul3A_334, %dma_wait3A_340] : memref<2x10112x128xf32, #tpu.memory_space<hbm>> -> memref<1x632x128xf32, #tpu.memory_space<hbm>>
      %dma_wait3A_342 = tpu.memref_squeeze %dma_wait3A_341 : memref<1x632x128xf32, #tpu.memory_space<hbm>> -> memref<632x128xf32, #tpu.memory_space<hbm>>
      %dma_wait3A_343 = arith.constant 0 : i32
      %dma_wait3A_344 = tpu.memref_slice %arg12[%mul3A_332, %dma_wait3A_343] : memref<10112x128xf32, #tpu.memory_space<vmem_shared>> -> memref<632x128xf32, #tpu.memory_space<vmem_shared>>
      tpu.wait_dma2 semaphore(%run_scoped3A : memref<!tpu.dma_semaphore, #tpu.memory_space<semaphore_mem>>) src(%dma_wait3A_344 : memref<632x128xf32, #tpu.memory_space<vmem_shared>>) dst(%dma_wait3A_342 : memref<632x128xf32, #tpu.memory_space<hbm>>)
      tpu.yield
    }) : () -> ()
    return
  }
}

module attributes {stable_mosaic.version = 14 : i64} {
  func.func @body(%arg0: memref<2x10112x16xf32, #tpu.memory_space<vmem>>, %arg1: memref<10000x128xf32, #tpu.memory_space<vmem>>, %arg2: memref<10000x16xf32, #tpu.memory_space<vmem>>, %arg3: memref<10112x128xf32, #tpu.memory_space<vmem>>) attributes {dimension_semantics = [], scalar_prefetch = 0 : i64, scratch_operands = 0 : i64, tpu.core_type = #tpu.core_type<tc>} {
    %get3A = arith.constant 0 : index
    %get3A_0 = arith.constant 0 : index
    %get3A_1 = arith.constant 0 : index
    %get3A_2 = vector.load %arg0[%get3A, %get3A_0, %get3A_1] : memref<2x10112x16xf32, #tpu.memory_space<vmem>>, vector<1x10000x16xf32>
    %get3A_3 = vector.shape_cast %get3A_2 : vector<1x10000x16xf32> to vector<10000x16xf32>
    %get3A_4 = arith.constant 1 : index
    %get3A_5 = arith.constant 0 : index
    %get3A_6 = arith.constant 0 : index
    %get3A_7 = vector.load %arg0[%get3A_4, %get3A_5, %get3A_6] : memref<2x10112x16xf32, #tpu.memory_space<vmem>>, vector<1x10000x16xf32>
    %get3A_8 = vector.shape_cast %get3A_7 : vector<1x10000x16xf32> to vector<10000x16xf32>
    %add3A = arith.addf %get3A_3, %get3A_8 : vector<10000x16xf32>
    %add3A_9 = arith.constant 1.000000e+00 : f32
    %add3A_10 = vector.broadcast %add3A_9 : f32 to vector<10000x16xf32>
    %add3A_11 = arith.addf %add3A, %add3A_10 : vector<10000x16xf32>
    %rsqrt3A = math.rsqrt %add3A_11 : vector<10000x16xf32>
    %swap3A = arith.constant 0 : index
    %swap3A_12 = arith.constant 0 : index
    %swap3A_13 = vector.load %arg2[%swap3A, %swap3A_12] : memref<10000x16xf32, #tpu.memory_space<vmem>>, vector<10000x16xf32>
    tpu.vector_store %arg2[%swap3A, %swap3A_12], %rsqrt3A {strides = array<i32>} : memref<10000x16xf32, #tpu.memory_space<vmem>>, vector<10000x16xf32>,
    %get3A_14 = arith.constant 0 : index
    %get3A_15 = arith.constant 0 : index
    %get3A_16 = vector.load %arg1[%get3A_14, %get3A_15] : memref<10000x128xf32, #tpu.memory_space<vmem>>, vector<10000x128xf32>
    %slice3A = vector.extract_strided_slice %rsqrt3A {offsets = [0, 0], sizes = [10000, 1], strides = [1, 1]} : vector<10000x16xf32> to vector<10000x1xf32>
    %mul3A = vector.broadcast %slice3A : vector<10000x1xf32> to vector<10000x128xf32>
    %mul3A_17 = arith.mulf %get3A_16, %mul3A : vector<10000x128xf32>
    %swap3A_18 = arith.constant 0 : index
    %swap3A_19 = arith.constant 0 : index
    %swap3A_20 = vector.load %arg3[%swap3A_18, %swap3A_19] : memref<10112x128xf32, #tpu.memory_space<vmem>>, vector<10000x128xf32>
    tpu.vector_store %arg3[%swap3A_18, %swap3A_19], %mul3A_17 {strides = array<i32>} : memref<10112x128xf32, #tpu.memory_space<vmem>>, vector<10000x128xf32>,
    %broadcast_in_dim3A = arith.constant 0.000000e+00 : f32
    %broadcast_in_dim3A_21 = vector.broadcast %broadcast_in_dim3A : f32 to vector<112x128xf32>
    %swap3A_22 = arith.constant 10000 : index
    %swap3A_23 = arith.constant 0 : index
    %swap3A_24 = vector.load %arg3[%swap3A_22, %swap3A_23] : memref<10112x128xf32, #tpu.memory_space<vmem>>, vector<112x128xf32>
    tpu.vector_store %arg3[%swap3A_22, %swap3A_23], %broadcast_in_dim3A_21 {strides = array<i32>} : memref<10112x128xf32, #tpu.memory_space<vmem>>, vector<112x128xf32>,
    return
  }
}

module attributes {stable_mosaic.version = 14 : i64} {
  func.func @body(%arg0: memref<2x10112x128xf32, #tpu.memory_space<vmem>>, %arg1: memref<10112x128xf32, #tpu.memory_space<vmem>>, %arg2: memref<10000x16xf32, #tpu.memory_space<vmem>>, %arg3: memref<128x128xf32, #tpu.memory_space<vmem>>, %arg4: memref<1x128xf32, #tpu.memory_space<vmem>>, %arg5: memref<10000x128xf32, #tpu.memory_space<vmem>>, %arg6: memref<10112x128xf32, #tpu.memory_space<vmem>>) attributes {dimension_semantics = [], scalar_prefetch = 0 : i64, scratch_operands = 0 : i64, tpu.core_type = #tpu.core_type<tc>} {
    %get3A = arith.constant 0 : index
    %get3A_0 = arith.constant 0 : index
    %get3A_1 = vector.load %arg2[%get3A, %get3A_0] : memref<10000x16xf32, #tpu.memory_space<vmem>>, vector<10000x1xf32>
    %get3A_2 = arith.constant 0 : index
    %get3A_3 = arith.constant 0 : index
    %get3A_4 = arith.constant 0 : index
    %get3A_5 = vector.load %arg0[%get3A_2, %get3A_3, %get3A_4] : memref<2x10112x128xf32, #tpu.memory_space<vmem>>, vector<1x10000x128xf32>
    %get3A_6 = vector.shape_cast %get3A_5 : vector<1x10000x128xf32> to vector<10000x128xf32>
    %get3A_7 = arith.constant 1 : index
    %get3A_8 = arith.constant 0 : index
    %get3A_9 = arith.constant 0 : index
    %get3A_10 = vector.load %arg0[%get3A_7, %get3A_8, %get3A_9] : memref<2x10112x128xf32, #tpu.memory_space<vmem>>, vector<1x10000x128xf32>
    %get3A_11 = vector.shape_cast %get3A_10 : vector<1x10000x128xf32> to vector<10000x128xf32>
    %add3A = arith.addf %get3A_6, %get3A_11 : vector<10000x128xf32>
    %get3A_12 = arith.constant 0 : index
    %get3A_13 = arith.constant 0 : index
    %get3A_14 = vector.load %arg1[%get3A_12, %get3A_13] : memref<10112x128xf32, #tpu.memory_space<vmem>>, vector<10000x128xf32>
    %add3A_15 = arith.addf %add3A, %get3A_14 : vector<10000x128xf32>
    %mul3A = vector.broadcast %get3A_1 : vector<10000x1xf32> to vector<10000x128xf32>
    %mul3A_16 = arith.mulf %add3A_15, %mul3A : vector<10000x128xf32>
    %get3A_17 = arith.constant 0 : index
    %get3A_18 = arith.constant 0 : index
    %get3A_19 = vector.load %arg3[%get3A_17, %get3A_18] : memref<128x128xf32, #tpu.memory_space<vmem>>, vector<128x128xf32>
    %dot_general3A = arith.constant dense<0.000000e+00> : vector<10000x128xf32>
    %dot_general3A_20 = tpu.matmul %mul3A_16, %get3A_19, %dot_general3A {dimension_numbers = #tpu.dot_dimension_numbers<[1], [0], [0], [1], [0, 0, 1, 1], [], []>, transpose_lhs_hint = false} : vector<10000x128xf32>, vector<128x128xf32>, vector<10000x128xf32> -> vector<10000x128xf32>
    %get3A_21 = arith.constant 0 : index
    %get3A_22 = arith.constant 0 : index
    %get3A_23 = vector.load %arg4[%get3A_21, %get3A_22] : memref<1x128xf32, #tpu.memory_space<vmem>>, vector<1x128xf32>
    %add3A_24 = vector.broadcast %get3A_23 : vector<1x128xf32> to vector<10000x128xf32>
    %add3A_25 = arith.addf %dot_general3A_20, %add3A_24 : vector<10000x128xf32>
    %max3A = arith.constant 0.000000e+00 : f32
    %max3A_26 = vector.broadcast %max3A : f32 to vector<10000x128xf32>
    %max3A_27 = arith.maximumf %add3A_25, %max3A_26 : vector<10000x128xf32>
    %swap3A = arith.constant 0 : index
    %swap3A_28 = arith.constant 0 : index
    %swap3A_29 = vector.load %arg5[%swap3A, %swap3A_28] : memref<10000x128xf32, #tpu.memory_space<vmem>>, vector<10000x128xf32>
    tpu.vector_store %arg5[%swap3A, %swap3A_28], %max3A_27 {strides = array<i32>} : memref<10000x128xf32, #tpu.memory_space<vmem>>, vector<10000x128xf32>,
    %mul3A_30 = vector.broadcast %get3A_1 : vector<10000x1xf32> to vector<10000x128xf32>
    %mul3A_31 = arith.mulf %max3A_27, %mul3A_30 : vector<10000x128xf32>
    %swap3A_32 = arith.constant 0 : index
    %swap3A_33 = arith.constant 0 : index
    %swap3A_34 = vector.load %arg6[%swap3A_32, %swap3A_33] : memref<10112x128xf32, #tpu.memory_space<vmem>>, vector<10000x128xf32>
    tpu.vector_store %arg6[%swap3A_32, %swap3A_33], %mul3A_31 {strides = array<i32>} : memref<10112x128xf32, #tpu.memory_space<vmem>>, vector<10000x128xf32>,
    %broadcast_in_dim3A = arith.constant 0.000000e+00 : f32
    %broadcast_in_dim3A_35 = vector.broadcast %broadcast_in_dim3A : f32 to vector<112x128xf32>
    %swap3A_36 = arith.constant 10000 : index
    %swap3A_37 = arith.constant 0 : index
    %swap3A_38 = vector.load %arg6[%swap3A_36, %swap3A_37] : memref<10112x128xf32, #tpu.memory_space<vmem>>, vector<112x128xf32>
    tpu.vector_store %arg6[%swap3A_36, %swap3A_37], %broadcast_in_dim3A_35 {strides = array<i32>} : memref<10112x128xf32, #tpu.memory_space<vmem>>, vector<112x128xf32>,
    return
  }
}

module attributes {stable_mosaic.version = 14 : i64} {
  func.func @body(%arg0: memref<2x10112x128xf32, #tpu.memory_space<vmem>>, %arg1: memref<10112x128xf32, #tpu.memory_space<vmem>>, %arg2: memref<10000x128xf32, #tpu.memory_space<vmem>>, %arg3: memref<10000x16xf32, #tpu.memory_space<vmem>>, %arg4: memref<10000x1xi32, #tpu.memory_space<vmem>>, %arg5: memref<128x256xf32, #tpu.memory_space<vmem>>, %arg6: memref<1x256xf32, #tpu.memory_space<vmem>>, %arg7: memref<128x256xf32, #tpu.memory_space<vmem>>, %arg8: memref<1x256xf32, #tpu.memory_space<vmem>>, %arg9: memref<256x64xf32, #tpu.memory_space<vmem>>, %arg10: memref<1x64xf32, #tpu.memory_space<vmem>>, %arg11: memref<64x1xf32, #tpu.memory_space<vmem>>, %arg12: memref<1x1xf32, #tpu.memory_space<vmem>>, %arg13: memref<256x16xf32, #tpu.memory_space<vmem>>, %arg14: memref<1x16xf32, #tpu.memory_space<vmem>>, %arg15: memref<64x256xf32, #tpu.memory_space<vmem>>, %arg16: memref<64x16xf32, #tpu.memory_space<vmem>>) attributes {dimension_semantics = [], scalar_prefetch = 0 : i64, scratch_operands = 0 : i64, tpu.core_type = #tpu.core_type<tc>} {
    %get3A = arith.constant 0 : index
    %get3A_0 = arith.constant 0 : index
    %get3A_1 = vector.load %arg3[%get3A, %get3A_0] : memref<10000x16xf32, #tpu.memory_space<vmem>>, vector<10000x1xf32>
    %get3A_2 = arith.constant 0 : index
    %get3A_3 = arith.constant 0 : index
    %get3A_4 = arith.constant 0 : index
    %get3A_5 = vector.load %arg0[%get3A_2, %get3A_3, %get3A_4] : memref<2x10112x128xf32, #tpu.memory_space<vmem>>, vector<1x10000x128xf32>
    %get3A_6 = vector.shape_cast %get3A_5 : vector<1x10000x128xf32> to vector<10000x128xf32>
    %get3A_7 = arith.constant 1 : index
    %get3A_8 = arith.constant 0 : index
    %get3A_9 = arith.constant 0 : index
    %get3A_10 = vector.load %arg0[%get3A_7, %get3A_8, %get3A_9] : memref<2x10112x128xf32, #tpu.memory_space<vmem>>, vector<1x10000x128xf32>
    %get3A_11 = vector.shape_cast %get3A_10 : vector<1x10000x128xf32> to vector<10000x128xf32>
    %add3A = arith.addf %get3A_6, %get3A_11 : vector<10000x128xf32>
    %get3A_12 = arith.constant 0 : index
    %get3A_13 = arith.constant 0 : index
    %get3A_14 = vector.load %arg1[%get3A_12, %get3A_13] : memref<10112x128xf32, #tpu.memory_space<vmem>>, vector<10000x128xf32>
    %add3A_15 = arith.addf %add3A, %get3A_14 : vector<10000x128xf32>
    %mul3A = vector.broadcast %get3A_1 : vector<10000x1xf32> to vector<10000x128xf32>
    %mul3A_16 = arith.mulf %add3A_15, %mul3A : vector<10000x128xf32>
    %get3A_17 = arith.constant 0 : index
    %get3A_18 = arith.constant 0 : index
    %get3A_19 = vector.load %arg5[%get3A_17, %get3A_18] : memref<128x256xf32, #tpu.memory_space<vmem>>, vector<128x256xf32>
    %dot_general3A = arith.constant dense<0.000000e+00> : vector<10000x256xf32>
    %dot_general3A_20 = tpu.matmul %mul3A_16, %get3A_19, %dot_general3A {dimension_numbers = #tpu.dot_dimension_numbers<[1], [0], [0], [1], [0, 0, 1, 1], [], []>, transpose_lhs_hint = false} : vector<10000x128xf32>, vector<128x256xf32>, vector<10000x256xf32> -> vector<10000x256xf32>
    %get3A_21 = arith.constant 0 : index
    %get3A_22 = arith.constant 0 : index
    %get3A_23 = vector.load %arg6[%get3A_21, %get3A_22] : memref<1x256xf32, #tpu.memory_space<vmem>>, vector<1x256xf32>
    %add3A_24 = vector.broadcast %get3A_23 : vector<1x256xf32> to vector<10000x256xf32>
    %add3A_25 = arith.addf %dot_general3A_20, %add3A_24 : vector<10000x256xf32>
    %get3A_26 = arith.constant 0 : index
    %get3A_27 = arith.constant 0 : index
    %get3A_28 = vector.load %arg2[%get3A_26, %get3A_27] : memref<10000x128xf32, #tpu.memory_space<vmem>>, vector<10000x128xf32>
    %get3A_29 = arith.constant 0 : index
    %get3A_30 = arith.constant 0 : index
    %get3A_31 = vector.load %arg7[%get3A_29, %get3A_30] : memref<128x256xf32, #tpu.memory_space<vmem>>, vector<128x256xf32>
    %dot_general3A_32 = arith.constant dense<0.000000e+00> : vector<10000x256xf32>
    %dot_general3A_33 = tpu.matmul %get3A_28, %get3A_31, %dot_general3A_32 {dimension_numbers = #tpu.dot_dimension_numbers<[1], [0], [0], [1], [0, 0, 1, 1], [], []>, transpose_lhs_hint = false} : vector<10000x128xf32>, vector<128x256xf32>, vector<10000x256xf32> -> vector<10000x256xf32>
    %add3A_34 = arith.addf %add3A_25, %dot_general3A_33 : vector<10000x256xf32>
    %get3A_35 = arith.constant 0 : index
    %get3A_36 = arith.constant 0 : index
    %get3A_37 = vector.load %arg8[%get3A_35, %get3A_36] : memref<1x256xf32, #tpu.memory_space<vmem>>, vector<1x256xf32>
    %add3A_38 = vector.broadcast %get3A_37 : vector<1x256xf32> to vector<10000x256xf32>
    %add3A_39 = arith.addf %add3A_34, %add3A_38 : vector<10000x256xf32>
    %max3A = arith.constant 0.000000e+00 : f32
    %max3A_40 = vector.broadcast %max3A : f32 to vector<10000x256xf32>
    %max3A_41 = arith.maximumf %add3A_39, %max3A_40 : vector<10000x256xf32>
    %get3A_42 = arith.constant 0 : index
    %get3A_43 = arith.constant 0 : index
    %get3A_44 = vector.load %arg9[%get3A_42, %get3A_43] : memref<256x64xf32, #tpu.memory_space<vmem>>, vector<256x64xf32>
    %dot_general3A_45 = arith.constant dense<0.000000e+00> : vector<10000x64xf32>
    %dot_general3A_46 = tpu.matmul %max3A_41, %get3A_44, %dot_general3A_45 {dimension_numbers = #tpu.dot_dimension_numbers<[1], [0], [0], [1], [0, 0, 1, 1], [], []>, transpose_lhs_hint = false} : vector<10000x256xf32>, vector<256x64xf32>, vector<10000x64xf32> -> vector<10000x64xf32>
    %get3A_47 = arith.constant 0 : index
    %get3A_48 = arith.constant 0 : index
    %get3A_49 = vector.load %arg10[%get3A_47, %get3A_48] : memref<1x64xf32, #tpu.memory_space<vmem>>, vector<1x64xf32>
    %add3A_50 = vector.broadcast %get3A_49 : vector<1x64xf32> to vector<10000x64xf32>
    %add3A_51 = arith.addf %dot_general3A_46, %add3A_50 : vector<10000x64xf32>
    %max3A_52 = arith.constant 0.000000e+00 : f32
    %max3A_53 = vector.broadcast %max3A_52 : f32 to vector<10000x64xf32>
    %max3A_54 = arith.maximumf %add3A_51, %max3A_53 : vector<10000x64xf32>
    %get3A_55 = arith.constant 0 : index
    %get3A_56 = arith.constant 0 : index
    %get3A_57 = vector.load %arg11[%get3A_55, %get3A_56] : memref<64x1xf32, #tpu.memory_space<vmem>>, vector<64x1xf32>
    %dot_general3A_58 = arith.constant dense<0.000000e+00> : vector<10000x1xf32>
    %dot_general3A_59 = tpu.matmul %max3A_54, %get3A_57, %dot_general3A_58 {dimension_numbers = #tpu.dot_dimension_numbers<[1], [0], [0], [1], [0, 0, 1, 1], [], []>, transpose_lhs_hint = false} : vector<10000x64xf32>, vector<64x1xf32>, vector<10000x1xf32> -> vector<10000x1xf32>
    %get3A_60 = arith.constant 0 : index
    %get3A_61 = arith.constant 0 : index
    %get3A_62 = vector.load %arg12[%get3A_60, %get3A_61] : memref<1x1xf32, #tpu.memory_space<vmem>>, vector<1x1xf32>
    %add3A_63 = vector.broadcast %get3A_62 : vector<1x1xf32> to vector<10000x1xf32>
    %add3A_64 = arith.addf %dot_general3A_59, %add3A_63 : vector<10000x1xf32>
    %logistic3A = arith.negf %add3A_64 : vector<10000x1xf32>
    %logistic3A_65 = math.exp %logistic3A : vector<10000x1xf32>
    %logistic3A_66 = arith.constant 1.000000e+00 : f32
    %logistic3A_67 = vector.broadcast %logistic3A_66 : f32 to vector<10000x1xf32>
    %logistic3A_68 = arith.addf %logistic3A_67, %logistic3A_65 : vector<10000x1xf32>
    %logistic3A_69 = arith.divf %logistic3A_67, %logistic3A_68 : vector<10000x1xf32>
    %mul3A_70 = vector.broadcast %logistic3A_69 : vector<10000x1xf32> to vector<10000x256xf32>
    %mul3A_71 = arith.mulf %max3A_41, %mul3A_70 : vector<10000x256xf32>
    %iota3A = tpu.iota {dimensions = array<i32: 1>} : vector<10000x64xi32>
    %get3A_72 = arith.constant 0 : index
    %get3A_73 = arith.constant 0 : index
    %get3A_74 = vector.load %arg4[%get3A_72, %get3A_73] : memref<10000x1xi32, #tpu.memory_space<vmem>>, vector<10000x1xi32>
    %eq3A = vector.broadcast %get3A_74 : vector<10000x1xi32> to vector<10000x64xi32>
    %eq3A_75 = arith.cmpi eq, %eq3A, %iota3A : vector<10000x64xi32>
    %convert_element_type3A = arith.extui %eq3A_75 : vector<10000x64xi1> to vector<10000x64xi32>
    %convert_element_type3A_76 = arith.sitofp %convert_element_type3A : vector<10000x64xi32> to vector<10000x64xf32>
    %dot_general3A_77 = arith.constant dense<0.000000e+00> : vector<64x256xf32>
    %dot_general3A_78 = tpu.matmul %convert_element_type3A_76, %mul3A_71, %dot_general3A_77 {dimension_numbers = #tpu.dot_dimension_numbers<[0], [0], [1], [1], [0, 1, 1, 1], [], []>, transpose_lhs_hint = false} : vector<10000x64xf32>, vector<10000x256xf32>, vector<64x256xf32> -> vector<64x256xf32>
    %broadcast_in_dim3A = arith.constant 1.000000e+00 : f32
    %broadcast_in_dim3A_79 = vector.broadcast %broadcast_in_dim3A : f32 to vector<10000x1xf32>
    %dot_general3A_80 = arith.constant dense<0.000000e+00> : vector<64x1xf32>
    %dot_general3A_81 = tpu.matmul %convert_element_type3A_76, %broadcast_in_dim3A_79, %dot_general3A_80 {dimension_numbers = #tpu.dot_dimension_numbers<[0], [0], [1], [1], [0, 1, 1, 1], [], []>, transpose_lhs_hint = false} : vector<10000x64xf32>, vector<10000x1xf32>, vector<64x1xf32> -> vector<64x1xf32>
    %max3A_82 = arith.constant 1.000000e+00 : f32
    %max3A_83 = vector.broadcast %max3A_82 : f32 to vector<64x1xf32>
    %max3A_84 = arith.maximumf %dot_general3A_81, %max3A_83 : vector<64x1xf32>
    %div3A = vector.broadcast %max3A_84 : vector<64x1xf32> to vector<64x256xf32>
    %div3A_85 = arith.divf %dot_general3A_78, %div3A : vector<64x256xf32>
    %swap3A = arith.constant 0 : index
    %swap3A_86 = arith.constant 0 : index
    %swap3A_87 = vector.load %arg15[%swap3A, %swap3A_86] : memref<64x256xf32, #tpu.memory_space<vmem>>, vector<64x256xf32>
    tpu.vector_store %arg15[%swap3A, %swap3A_86], %div3A_85 {strides = array<i32>} : memref<64x256xf32, #tpu.memory_space<vmem>>, vector<64x256xf32>,
    %get3A_88 = arith.constant 0 : index
    %get3A_89 = arith.constant 0 : index
    %get3A_90 = vector.load %arg13[%get3A_88, %get3A_89] : memref<256x16xf32, #tpu.memory_space<vmem>>, vector<256x16xf32>
    %dot_general3A_91 = arith.constant dense<0.000000e+00> : vector<64x16xf32>
    %dot_general3A_92 = tpu.matmul %div3A_85, %get3A_90, %dot_general3A_91 {dimension_numbers = #tpu.dot_dimension_numbers<[1], [0], [0], [1], [0, 0, 1, 1], [], []>, transpose_lhs_hint = false} : vector<64x256xf32>, vector<256x16xf32>, vector<64x16xf32> -> vector<64x16xf32>
    %get3A_93 = arith.constant 0 : index
    %get3A_94 = arith.constant 0 : index
    %get3A_95 = vector.load %arg14[%get3A_93, %get3A_94] : memref<1x16xf32, #tpu.memory_space<vmem>>, vector<1x16xf32>
    %add3A_96 = vector.broadcast %get3A_95 : vector<1x16xf32> to vector<64x16xf32>
    %add3A_97 = arith.addf %dot_general3A_92, %add3A_96 : vector<64x16xf32>
    %swap3A_98 = arith.constant 0 : index
    %swap3A_99 = arith.constant 0 : index
    %swap3A_100 = vector.load %arg16[%swap3A_98, %swap3A_99] : memref<64x16xf32, #tpu.memory_space<vmem>>, vector<64x16xf32>
    tpu.vector_store %arg16[%swap3A_98, %swap3A_99], %add3A_97 {strides = array<i32>} : memref<64x16xf32, #tpu.memory_space<vmem>>, vector<64x16xf32>,
    return
  }
}

</mosaic_0001>

<sc_bundles>
// kernel: kernel.11.cloned.1.call-start
scs
__scs_entry_jumppad:
0x0: {  	(pc) =	sbr.rel $0x88, $3  }
0x1: {  	(tag) =	ssettag $0x0;
	lr =	simm.s32 $0x1  }
0x2: {  	[smem:$0x3F92] =	sst lr;
	_ =	strace $0xD0000000  }
0x3: {  	_ = 	snop  }
0x4: {  	_ = 	snop  }
0x5: {  	_ = 	snop  }
0x6: {  	_ = 	snop  }
0x7: {  	_ = 	snop  }
__scs_overlays_trampoline_lowered:
0x8: {  	[smem:$0x3FA1] =	sst s0  }
0x9: {  	[smem:$0x3FA2] =	sst s1  }
0xa: {  	[smem:$0x3FA3] =	sst s2  }
0xb: {  	[smem:$0x3FA4] =	sst s3  }
0xc: {  	[smem:$0x3FA5] =	sst s4  }
0xd: {  	[smem:$0x3FA6] =	sst s5  }
0xe: {  	[smem:$0x3FA7] =	sst s6  }
0xf: {  	[smem:$0x3FA8] =	sst s7  }
0x10: {  	[smem:$0x3FA9] =	sst s8  }
0x11: {  	[smem:$0x3FAA] =	sst s9;
	s0 =	simm.s32 @!p0 $0x0  }
0x12: {  	s1 =	sld [smem:$0x3F90];
	s0 =	simm.s32 @p0 $0x1  }
0x13: {  	[smem:$0x3FAB] =	sst s0;
	s0 =	simm.s32 @!p1 $0x0  }
0x14: {  	s2 =	sld [smem:$0x3F8F];
	s0 =	simm.s32 @p1 $0x1  }
0x15: {  	[smem:$0x3FAC] =	sst s0;
	s0 =	simm.s32 @!p2 $0x0  }
0x16: {  	s3 =	sld [smem:$0x3FDB];
	s0 =	simm.s32 @p2 $0x1  }
0x17: {  	s4 =	simm.s32 $0x1BF5;
	[smem:$0x3FAE] =	sst s0  }
0x18: {  	s0 =	sld [smem:$0x3F91];
	_ =	swait.ge [sflag:s4], $0x0  }
0x19: {  	s7 =	sld [smem:$0x3F92]  }
0x1a: {  	s8 =	sadd.s32 $0xFFFFE003, lr  }
0x1b: {  	s9 =	sadd.s32 $0xFFFFFEF7, lr;
	s5 =	simm.s32 $0xFFFFFFFF;
	p2 =	slt.u32 s8, $0xFFFFF086  }
0x1c: {  	p1 =	slt.u32 s9, $0xF7A;
	s5 =	simm.s32 @!p2 $0x0  }
0x1d: {  	s5 =	simm.s32 @p1 $0x1;
	p0 =	seq.s32 s7, s2  }
0x1e: {  	s7 =	smul.u32 @!p0 $0xF7A, s2;
	p2 =	seq.s32 @!p0 s5, $0x0  }
0x1f: {  	s9 =	smul.u32 $0xF7A, s1;
	s8 =	simm.s32 @!p0 $0x1BF5;
	p2 =	por !p2, p0  }
0x20: {  	[sflag:s8] =	ssyncset.s32 @!p0 $0xFFFFF086;
	s6 =	sadd.s32 @!p0 s3, s7;
	s7 =	simm.s32 @!p0 $0x108  }
0x21: {  	s3 =	sadd.s32 s3, s9;
	s6 =	sadd.s32 @!p0 $0x88, s6;
	s7 =	simm.s32 @p2 $0x1082  }
0x22: {  	[simem:s7], [sflag:s8] =	dma.local @!p0 [hbm:s6], $0xF7A  }
0x23: {  	s9 =	sor.u32 $0xD0000000, s2;
	s6 =	simm.s32 $0x108;
	_ =	swait.ge @!p0 [sflag:s8], $0x0  }
0x24: {  	s3 =	sadd.s32 $0x88, s3;
	s6 =	simm.s32 @!p1 $0x1082;
	[sflag:s4] =	ssyncset.s32 $0xFFFFF086  }
0x25: {  	[simem:s6], [sflag:s4] =	dma.local [hbm:s3], $0xF7A  }
0x26: {  	[smem:$0x3F92] =	sst s1;
	(tag) =	ssettag s2;
	_ =	strace s9  }
0x27: {  	s1 =	sld [smem:$0x3FA2]  }
0x28: {  	s2 =	sld [smem:$0x3FA3]  }
0x29: {  	s4 =	sld [smem:$0x3FA5]  }
0x2a: {  	p0 =	seq.s32 s5, $0x0;
	s5 =	sld [smem:$0x3FA6]  }
0x2b: {  	s6 =	sld [smem:$0x3FA7]  }
0x2c: {  	s7 =	sld [smem:$0x3FA8]  }
0x2d: {  	s3 =	simm.s32 $0x108;
	s8 =	sld [smem:$0x3FA9]  }
0x2e: {  	s3 =	simm.s32 @!p0 $0x1082;
	s9 =	sld [smem:$0x3FAA]  }
0x2f: {  	lr =	sadd.s32 s0, s3;
	s0 =	sld [smem:$0x3FA1]  }
0x30: {  	s3 =	sld [smem:$0x3FA4]  }
0x31: {  	[smem:$0x3FAD] =	sst s10  }
0x32: {  	s10 =	sld [smem:$0x3FAB];
	_ =	sdelay $0x3  }
0x33: {  	p0 =	seq.s32 s10, $0x1;
	s10 =	sld [smem:$0x3FAD];
	_ =	sdelay $0x3  }
0x34: {  	[smem:$0x3FAD] =	sst s10  }
0x35: {  	s10 =	sld [smem:$0x3FAC];
	_ =	sdelay $0x3  }
0x36: {  	p1 =	seq.s32 s10, $0x1;
	s10 =	sld [smem:$0x3FAD];
	_ =	sdelay $0x3  }
0x37: {  	[smem:$0x3FAD] =	sst s10  }
0x38: {  	s10 =	sld [smem:$0x3FAE]  }
0x39: {  	_ = 	snop;
	(pc) =	sbr.ind lr, $3  }
0x3a: {  	_ = 	snop  }
0x3b: {  	_ = 	snop  }
0x3c: {  	p2 =	seq.s32 s10, $0x1;
	s10 =	sld [smem:$0x3FAD]  }
0x3d: {  	_ =	shalt  }
0x3e: {  	_ =	shalt  }
0x3f: {  	_ =	shalt  }
0x40: {  	_ =	shalt  }
0x41: {  	_ =	shalt  }
0x42: {  	_ =	shalt  }
0x43: {  	_ =	shalt  }
0x44: {  	_ =	shalt  }
0x45: {  	_ =	shalt  }
0x46: {  	_ =	shalt  }
0x47: {  	_ =	shalt  }
0x48: {  	_ =	shalt  }
0x49: {  	_ =	shalt  }
0x4a: {  	_ =	shalt  }
0x4b: {  	_ =	shalt  }
0x4c: {  	_ =	shalt  }
0x4d: {  	_ =	shalt  }
0x4e: {  	_ =	shalt  }
0x4f: {  	_ =	shalt  }
0x50: {  	_ =	shalt  }
0x51: {  	_ =	shalt  }
0x52: {  	_ =	shalt  }
0x53: {  	_ =	shalt  }
0x54: {  	_ =	shalt  }
0x55: {  	_ =	shalt  }
0x56: {  	_ =	shalt  }
0x57: {  	_ =	shalt  }
0x58: {  	_ =	shalt  }
0x59: {  	_ =	shalt  }
0x5a: {  	_ =	shalt  }
0x5b: {  	_ =	shalt  }
0x5c: {  	_ =	shalt  }
0x5d: {  	_ =	shalt  }
0x5e: {  	_ =	shalt  }
0x5f: {  	_ =	shalt  }
0x60: {  	_ =	shalt  }
0x61: {  	_ =	shalt  }
0x62: {  	_ =	shalt  }
0x63: {  	_ =	shalt  }
0x64: {  	_ =	shalt  }
0x65: {  	_ =	shalt  }
0x66: {  	_ =	shalt  }
0x67: {  	_ =	shalt  }
0x68: {  	_ =	shalt  }
0x69: {  	_ =	shalt  }
0x6a: {  	_ =	shalt  }
0x6b: {  	_ =	shalt  }
0x6c: {  	_ =	shalt  }
0x6d: {  	_ =	shalt  }
0x6e: {  	_ =	shalt  }
0x6f: {  	_ =	shalt  }
0x70: {  	_ =	shalt  }
0x71: {  	_ =	shalt  }
0x72: {  	_ =	shalt  }
0x73: {  	_ =	shalt  }
0x74: {  	_ =	shalt  }
0x75: {  	_ =	shalt  }
0x76: {  	_ =	shalt  }
0x77: {  	_ =	shalt  }
0x78: {  	_ =	shalt  }
0x79: {  	_ =	shalt  }
0x7a: {  	_ =	shalt  }
0x7b: {  	_ =	shalt  }
0x7c: {  	_ =	shalt  }
0x7d: {  	_ =	shalt  }
0x7e: {  	_ =	shalt  }
0x7f: {  	_ =	shalt  }
0x80: {  	_ =	shalt  }
0x81: {  	_ =	shalt  }
0x82: {  	_ =	shalt  }
0x83: {  	_ =	shalt  }
0x84: {  	_ =	shalt  }
0x85: {  	_ =	shalt  }
0x86: {  	_ =	shalt  }
0x87: {  	_ =	shalt  }
.Lfunc_end0:
.L_simem_size_0:
called_computation.1_lowered:
.L_overlay_start_0:
0x88: {  	s2 =	sld [smem:$0x3FD9]  }
0x89: {  	s3 =	sld [smem:$0x3FFE];
	_ =	sdelay $0x1  }
0x8a: {  	s1 =	srdreg.scid  }
0x8b: {  	s0 =	sand.u32 $0x1, s1  }
0x8c: {  	s16 =	sshll.u32 s0, $0xA;
	s2 =	sadd.s32 s3, s2  }
0x8d: {  	s2 =	sadd.s32 s2, s16  }
0x8e: {  	[smem:$0x3FB9] =	sst s2  }
0x8f: {  	_ = 	snop  }
0x90: {  	(tm) =	ssettm $0x1  }
0x91: {  	s17 =	sld [smem:$0x3FFB];
	_ =	sdelay $0x3  }
0x92: {  	_ =	strace s17  }
0x93: {  	s2 =	sld [smem:$0x3FFC];
	_ =	sdelay $0x3  }
0x94: {  	_ =	strace s2  }
0x95: {  	s2 =	sld [smem:$0x3FFD];
	_ =	sdelay $0x3  }
0x96: {  	_ =	strace s2  }
0x97: {  	_ =	strace $0x8FFFFFFF  }
0x98: {  	s18 =	sld [smem:$0x3FDB];
	_ =	sdelay $0x1  }
0x99: {  	s19 =	simm.s32 $_scs_section_size  }
0x9a: {  	s4 =	simm.s32 $_size__tile_overlayer_lowered;
	s5 =	simm.s32 $_tile_overlayer_lowered  }
0x9b: {  	s22 =	simm.s32 $0x1BFF;
	s21 =	sshll.u32 s5, $0x1;
	s2 =	sadd.s32 s19, s18  }
0x9c: {  	s6 =	simm.s32 $0x0;
	s20 =	sshll.u32 s4, $0x1;
	s4 =	sadd.s32 s21, s2  }
0x9d: {  	[timem:s6], [sflag:s22] =	dma.local [hbm:s4], s20  }
0x9e: {  	_ =	swait.ge [sflag:s22], s20  }
0x9f: {  	s3 =	ssub.s32 $0x0, s20;
	[sflag:s22] =	ssyncset.done $0x0  }
0xa0: {  	[sflag:s22] =	ssyncadd.s32 s3;
	_ =	sdelay $0x1  }
0xa1: {  	s23 =	simm.s32 $0x1B8B  }
0xa2: {  	_ =	swait.ge [sflag:s23], $0x1  }
0xa3: {  	[sflag:s23] =	ssyncset.done $0x0  }
0xa4: {  	s25 =	simm.s32 $0x1B8E;
	s24 =	sld [smem:$0x3FFE];
	[sflag:s23] =	ssyncadd.s32 $0xFFFFFFFF  }
0xa5: {  	s26 =	simm.s32 $execute0_lowered;
	[smem:$0x3FD2] =	sst s25  }
0xa6: {  	s4 =	sshll.u32 s26, $0x1;
	_ =	strace $0x80000049;
	[dreg:$0x1] =	wrdreg $0xFFFFFFFF  }
0xa7: {  	s28 =	simm.s32 $_size_execute0_lowered;
	s2 =	sadd.s32 s2, s4;
	[dreg:$0x0] =	wrdreg $0x0  }
0xa8: {  	s4 =	sshll.u32 s28, $0x1;
	[dreg:$0x2] =	wrdreg s2  }
0xa9: {  	[dreg:$0x3] =	wrdreg s4  }
0xaa: {  	[dreg:$0x4] =	wrdreg $0xC0  }
0xab: {  	_ =	task [dreg:s6], $0x5FFFF  }
0xac: {  	[dreg:$0x1] =	wrdreg $0xFFFFFFFF  }
0xad: {  	[dreg:$0x0] =	wrdreg $0x60  }
0xae: {  	[dreg:$0x2] =	wrdreg s24  }
0xaf: {  	[dreg:$0x3] =	wrdreg $0xAA000  }
0xb0: {  	[dreg:$0x4] =	wrdreg $0x9  }
0xb1: {  	_ =	task.clear_ibuf [dreg:s6], $0x5FFFF;
	_ =	strace $0x90000049  }
0xb2: {  	s29 =	simm.s32 $0x9;
	_ =	strace $0x8000004B  }
0xb3: {  	_ =	swait.ge [sflag:s29], $0x1  }
0xb4: {  	[sflag:s29] =	ssyncadd.s32 $0xFFFFFFFF  }
0xb5: {  	_ =	strace $0x9000004B  }
0xb6: {  	_ =	sfence  }
0xb7: {  	s30 =	sld [smem:$0x0];
	_ =	sdelay $0x2  }
0xb8: {  	s31 =	sshll.u32 s1, $0xD;
	s1 =	sshrl.u32 s1, $0x2  }
0xb9: {  	s3 =	sand.u32 $0x4000, s31;
	s1 =	sadd.s32 s1, s30  }
0xba: {  	s0 =	sor.u32 s3, s0;
	s1 =	sshll.u32 s1, $0x11  }
0xbb: {  	s0 =	sor.u32 s1, s0  }
0xbc: {  	s0 =	sadd.s32 $0x8F2B, s0  }
0xbd: {  	[sflag:s0] =	ssyncadd.remote.s32 $0x1  }
0xbe: {  	_ =	sfence.sel $0xFFFF  }
0xbf: {  	[dreg:$0x0] =	wrdreg $0xFFFFFFFF;
	(pc) =	sbr.abs _section_cstart, $3  }
0xc0: {  	[dreg:$0x1] =	wrdreg $0xFFFFFFFF  }
0xc1: {  	_ =	task.clear_ibuf [dreg:s6], $0x2FFFF;
	_ =	strace $0x9FFFFFFF  }
0xc2: {  	(tm) =	ssettm $0x7FFFFFFF  }
0xc3: {  	_ =	shalt  }
tec
execute0_lowered:
.L_overlay_start_1:
0x0: {  	(tag) =	ssettag $0x1  }
0x1: {  	s5 =	rddreg [dreg:$0x0];
	s0 =	srdreg.scid  }
0x2: {  	s2 =	rddreg [dreg:$0x1];
	s1 =	stileid.u32;
	s3 =	simm.s32 $0x0  }
0x3: {  	s12 =	simm.s32 $0x2800;
	s13 =	simm.s32 $0x2900;
	s14 =	simm.s32 $0x6A00  }
0x4: {  	s15 =	simm.s32 $0x1;
	s16 =	simm.s32 $0x2880;
	s7 =	smul.u32 $0x2800, s1  }
0x5: {  	s17 =	simm.s32 $0x2;
	s18 =	simm.s32 $0x2980;
	s9 =	smul.u32 $0x13C00, s1  }
0x6: {  	s6 =	sand.u32 $0x1, s0;
	s0 =	rddreg [dreg:$0x2];
	s10 =	smul.u32 $0x4F000, s1  }
0x7: {  	s21 =	simm.s32 $0x0;
	[smem:$0x7FF] =	sst s3;
	s4 =	smul.u32 $0x28000, s6  }
0x8: {  	s19 =	sshll.u32 s1, $0x6;
	s8 =	smul.u32 $0x13C000, s6;
	s6 =	ssub.s32 $0x2, s6  }
0x9: {  	_ =	strace $0x8000004A;
	s19 =	sor.u32 $0x1C03, s19;
	s11 =	sshrl.u32 s6, $0x1  }
0xa: {  	s10 =	sshrl.u32 s10, $0x2;
	s20 =	sadd.s32 s9, s2;
	s7 =	sadd.s32 s7, s4  }
0xb: {  	s4 =	sadd.s32 $0x22200, s5;
	s8 =	sadd.s32 s9, s8;
	s11 =	ssub.s32 s6, s11  }
0xc: {  	s9 =	simm.s32 $0x2A00;
	s7 =	sshrl.u32 s7, $0x3;
	s8 =	sshrl.u32 s8, $0x3  }
0xd: {  	s20 =	sshrl.u32 s20, $0x3;
	s7 =	sadd.s32 s7, s5;
	s8 =	sadd.s32 s8, s5  }
0xe: {  	s5 =	sadd.s32 s10, s2;
	s10 =	simm.s32 $0x3;
	s6 =	sadd.s32 $0x18200, s7  }
0xf: {  	v0 =	vimm.f32 $0.0e+00;
	s7 =	sadd.s32 $0x49A00, s8;
	s8 =	smax.u32 s11, $0x1;
	s11 =	simm.s32 $0x80  }
.LBB2_1:
0x10: {  	[tilespmem:$0x2A00] =	vst v0  }
0x11: {  	[tilespmem:$0x2A10] =	vst v0  }
0x12: {  	[tilespmem:$0x2A20] =	vst v0  }
0x13: {  	[tilespmem:$0x2A30] =	vst v0  }
0x14: {  	[tilespmem:$0x2A40] =	vst v0  }
0x15: {  	[tilespmem:$0x2A50] =	vst v0  }
0x16: {  	[tilespmem:$0x2A60] =	vst v0  }
0x17: {  	[tilespmem:$0x2A70] =	vst v0  }
0x18: {  	[tilespmem:$0x2A80] =	vst v0  }
0x19: {  	[tilespmem:$0x2A90] =	vst v0  }
0x1a: {  	[tilespmem:$0x2AA0] =	vst v0  }
0x1b: {  	[tilespmem:$0x2AB0] =	vst v0  }
0x1c: {  	[tilespmem:$0x2AC0] =	vst v0  }
0x1d: {  	[tilespmem:$0x2AD0] =	vst v0  }
0x1e: {  	[tilespmem:$0x2AE0] =	vst v0  }
0x1f: {  	[tilespmem:$0x2AF0] =	vst v0  }
0x20: {  	[tilespmem:$0x2B00] =	vst v0  }
0x21: {  	[tilespmem:$0x2B10] =	vst v0  }
0x22: {  	[tilespmem:$0x2B20] =	vst v0  }
0x23: {  	[tilespmem:$0x2B30] =	vst v0  }
0x24: {  	[tilespmem:$0x2B40] =	vst v0  }
0x25: {  	[tilespmem:$0x2B50] =	vst v0  }
0x26: {  	[tilespmem:$0x2B60] =	vst v0  }
0x27: {  	[tilespmem:$0x2B70] =	vst v0  }
0x28: {  	[tilespmem:$0x2B80] =	vst v0  }
0x29: {  	[tilespmem:$0x2B90] =	vst v0  }
0x2a: {  	[tilespmem:$0x2BA0] =	vst v0  }
0x2b: {  	[tilespmem:$0x2BB0] =	vst v0  }
0x2c: {  	[tilespmem:$0x2BC0] =	vst v0  }
0x2d: {  	[tilespmem:$0x2BD0] =	vst v0  }
0x2e: {  	[tilespmem:$0x2BE0] =	vst v0  }
0x2f: {  	[tilespmem:$0x2BF0] =	vst v0  }
0x30: {  	[tilespmem:$0x2C00] =	vst v0  }
0x31: {  	[tilespmem:$0x2C10] =	vst v0  }
0x32: {  	[tilespmem:$0x2C20] =	vst v0  }
0x33: {  	[tilespmem:$0x2C30] =	vst v0  }
0x34: {  	[tilespmem:$0x2C40] =	vst v0  }
0x35: {  	[tilespmem:$0x2C50] =	vst v0  }
0x36: {  	[tilespmem:$0x2C60] =	vst v0  }
0x37: {  	[tilespmem:$0x2C70] =	vst v0  }
0x38: {  	[tilespmem:$0x2C80] =	vst v0  }
0x39: {  	[tilespmem:$0x2C90] =	vst v0  }
0x3a: {  	[tilespmem:$0x2CA0] =	vst v0  }
0x3b: {  	[tilespmem:$0x2CB0] =	vst v0  }
0x3c: {  	[tilespmem:$0x2CC0] =	vst v0  }
0x3d: {  	[tilespmem:$0x2CD0] =	vst v0  }
0x3e: {  	[tilespmem:$0x2CE0] =	vst v0  }
0x3f: {  	[tilespmem:$0x2CF0] =	vst v0  }
0x40: {  	[tilespmem:$0x2D00] =	vst v0  }
0x41: {  	[tilespmem:$0x2D10] =	vst v0  }
0x42: {  	[tilespmem:$0x2D20] =	vst v0  }
0x43: {  	[tilespmem:$0x2D30] =	vst v0  }
0x44: {  	[tilespmem:$0x2D40] =	vst v0  }
0x45: {  	[tilespmem:$0x2D50] =	vst v0  }
0x46: {  	[tilespmem:$0x2D60] =	vst v0  }
0x47: {  	[tilespmem:$0x2D70] =	vst v0  }
0x48: {  	[tilespmem:$0x2D80] =	vst v0  }
0x49: {  	[tilespmem:$0x2D90] =	vst v0  }
0x4a: {  	[tilespmem:$0x2DA0] =	vst v0  }
0x4b: {  	[tilespmem:$0x2DB0] =	vst v0  }
0x4c: {  	[tilespmem:$0x2DC0] =	vst v0  }
0x4d: {  	[tilespmem:$0x2DD0] =	vst v0  }
0x4e: {  	[tilespmem:$0x2DE0] =	vst v0  }
0x4f: {  	[tilespmem:$0x2DF0] =	vst v0;
	s22 =	sadd.s32 $0x0, s5  }
0x50: {  	[spmem:s22] =	stream.linear.scatter [tilespmem:s9], [sflag:$0x3], $0x400, $0x38;
	[tilespmem:$0x1E600] =	vst v63  }
0x51: {  	s22 =	simm.s32 $0x1000;
	_ =	swait.ge [sflag:s10], $0x400  }
.LBB2_2:
0x52: {  	s23 =	sshra.s32 s22, $0x2;
	[sflag:s10] =	ssyncset.done $0x0;
	p0 =	sne.s32 s22, $0x4E000  }
.Ltmp0:
0x53: {  	s23 =	sadd.s32 s23, s5;
	[sflag:s10] =	ssyncadd.s32 $0xFFFFFC00;
	(pc) =	sbr.rel @p0 .LBB2_2-.Ltmp0, $3  }
0x54: {  	[spmem:s23] =	stream.linear.scatter [tilespmem:s9], [sflag:$0x3], $0x400, $0x38;
	[tilespmem:$0x1E600] =	vst v63  }
0x55: {  	s22 =	sadd.s32 $0x1000, s22;
	_ =	sdelay $0x1  }
0x56: {  	_ =	swait.ge [sflag:s10], $0x400  }
0x57: {  	[sflag:s10] =	ssyncset.done $0x0  }
0x58: {  	[sflag:s10] =	ssyncadd.s32 $0xFFFFFC00  }
0x59: {  	[tilespmem:s3], [sflag:$0x3] =	stream.linear.gather [hbm4b:s6+s3], $0x2800, $0x38;
	[tilespmem:$0x1E600] =	vst v63  }
0x5a: {  	_ =	swait.ge [sflag:s10], $0x2800  }
0x5b: {  	[sflag:s10] =	ssyncset.done $0x0  }
0x5c: {  	[sflag:s10] =	ssyncadd.s32 $0xFFFFD800  }
0x5d: {  	[bflag:$0x0] =	sbarrier.arrive $0xFFFF  }
0x5e: {  	v1 =	vld [tilespmem:$0x0];
	_ =	sdelay $0x1  }
0x5f: {  	v2 =	vld [tilespmem:$0x10];
	_ =	sdelay $0x1  }
0x60: {  	v3 =	vld [tilespmem:$0x20]  }
0x61: {  	v4 =	vand.u32 $0xFFFF, v1  }
0x62: {  	v59 =	vld [tilespmem:$0x30];
	v1 =	vshrl.u32 v1, $0x10;
	[tilespmem:$0x2800] =	vst v4  }
0x63: {  	[tilespmem:$0x2880] =	vst v1;
	v1 =	vand.u32 $0xFFFF, v2  }
0x64: {  	[tilespmem:$0x2810] =	vst v1;
	v1 =	vshrl.u32 v2, $0x10;
	v2 =	vld [tilespmem:$0x40]  }
0x65: {  	[tilespmem:$0x2890] =	vst v1;
	v1 =	vand.u32 $0xFFFF, v3  }
0x66: {  	[tilespmem:$0x2820] =	vst v1;
	v1 =	vshrl.u32 v3, $0x10;
	v3 =	vld [tilespmem:$0x50]  }
0x67: {  	[tilespmem:$0x28A0] =	vst v1;
	v1 =	vand.u32 $0xFFFF, v59  }
0x68: {  	v60 =	vld [tilespmem:$0x60];
	[tilespmem:$0x2830] =	vst v1;
	v1 =	vshrl.u32 v59, $0x10  }
0x69: {  	[tilespmem:$0x28B0] =	vst v1;
	v1 =	vand.u32 $0xFFFF, v2  }
0x6a: {  	[tilespmem:$0x2840] =	vst v1;
	v1 =	vshrl.u32 v2, $0x10;
	v2 =	vld [tilespmem:$0x70]  }
0x6b: {  	[tilespmem:$0x28C0] =	vst v1;
	v1 =	vand.u32 $0xFFFF, v3  }
0x6c: {  	[tilespmem:$0x2850] =	vst v1;
	v1 =	vshrl.u32 v3, $0x10;
	v3 =	vld [tilespmem:$0x80]  }
0x6d: {  	[tilespmem:$0x28D0] =	vst v1;
	v1 =	vand.u32 $0xFFFF, v60  }
0x6e: {  	v61 =	vld [tilespmem:$0x90];
	[tilespmem:$0x2860] =	vst v1;
	v1 =	vshrl.u32 v60, $0x10  }
0x6f: {  	[tilespmem:$0x28E0] =	vst v1;
	v1 =	vand.u32 $0xFFFF, v2  }
0x70: {  	[tilespmem:$0x2870] =	vst v1;
	v1 =	vshrl.u32 v2, $0x10;
	v2 =	vld [tilespmem:$0xA0]  }
0x71: {  	[tilespmem:$0x28F0] =	vst v1;
	v1 =	vand.u32 $0xFFFF, v3  }
0x72: {  	[tilespmem:$0x2900] =	vst v1;
	v1 =	vshrl.u32 v3, $0x10;
	v3 =	vld [tilespmem:$0xB0]  }
0x73: {  	[tilespmem:$0x2980] =	vst v1;
	v1 =	vand.u32 $0xFFFF, v61  }
0x74: {  	v62 =	vld [tilespmem:$0xC0];
	[tilespmem:$0x2910] =	vst v1;
	v1 =	vshrl.u32 v61, $0x10  }
0x75: {  	[tilespmem:$0x2990] =	vst v1;
	v1 =	vand.u32 $0xFFFF, v2  }
0x76: {  	[tilespmem:$0x2920] =	vst v1;
	v1 =	vshrl.u32 v2, $0x10;
	v2 =	vld [tilespmem:$0xD0]  }
0x77: {  	[tilespmem:$0x29A0] =	vst v1;
	v1 =	vand.u32 $0xFFFF, v3  }
0x78: {  	[tilespmem:$0x2930] =	vst v1;
	v1 =	vshrl.u32 v3, $0x10;
	v3 =	vld [tilespmem:$0xE0]  }
0x79: {  	[tilespmem:$0x29B0] =	vst v1;
	v1 =	vand.u32 $0xFFFF, v62  }
0x7a: {  	v63 =	vld [tilespmem:$0xF0];
	[tilespmem:$0x2940] =	vst v1;
	v1 =	vshrl.u32 v62, $0x10  }
0x7b: {  	[tilespmem:$0x29C0] =	vst v1;
	v1 =	vand.u32 $0xFFFF, v2  }
0x7c: {  	[tilespmem:$0x2950] =	vst v1;
	v1 =	vshrl.u32 v2, $0x10  }
0x7d: {  	[tilespmem:$0x29D0] =	vst v1;
	v1 =	vand.u32 $0xFFFF, v3  }
0x7e: {  	[tilespmem:$0x2960] =	vst v1;
	v1 =	vshrl.u32 v3, $0x10  }
0x7f: {  	[tilespmem:$0x29E0] =	vst v1;
	v1 =	vand.u32 $0xFFFF, v63  }
0x80: {  	[tilespmem:$0x2970] =	vst v1;
	v1 =	vshrl.u32 v63, $0x10  }
0x81: {  	[tilespmem:$0x29F0] =	vst v1  }
0x82: {  	[tilespmem:s9], [sflag:$0x1] =	stream.indirect.gather [hbm4b:s4+s11], $0x80, s12, s11, $0xb8;
	[tilespmem:$0x1E600] =	vst v63  }
0x83: {  	_ = 	snop  }
0x84: {  	[tilespmem:s14], [sflag:$0x2] =	stream.indirect.gather [hbm4b:s4+s11], $0x80, s13, s11, $0xb8;
	[tilespmem:$0x1E600] =	vst v63  }
0x85: {  	_ =	swait.ge [sflag:s15], $0x4000  }
0x86: {  	[sflag:s15] =	ssyncset.done $0x0  }
0x87: {  	[sflag:s15] =	ssyncadd.s32 $0xFFFFC000  }
0x88: {  	[spmem:s2] =	stream.indirect.scatter.add.f32 [tilespmem:s9], [sflag:$0x3], $0x80, s16, s11, $0xb8;
	[tilespmem:$0x1E600] =	vst v63  }
0x89: {  	_ =	swait.ge [sflag:s10], $0x4000  }
0x8a: {  	[sflag:s10] =	ssyncset.done $0x0  }
0x8b: {  	s22 =	simm.s32 $0x1F0;
	[sflag:s10] =	ssyncadd.s32 $0xFFFFC000  }
0x8c: {  	v1 =	vld [tilespmem:s22+$0xFFFFFF10];
	_ =	sdelay $0x4  }
0x8d: {  	v2 =	vand.u32 $0xFFFF, v1  }
0x8e: {  	v1 =	vshrl.u32 v1, $0x10;
	[tilespmem:$0x2800] =	vst v2  }
0x8f: {  	[tilespmem:$0x2880] =	vst v1  }
0x90: {  	v1 =	vld [tilespmem:s22+$0xFFFFFF20];
	_ =	sdelay $0x4  }
0x91: {  	v2 =	vand.u32 $0xFFFF, v1  }
0x92: {  	v1 =	vshrl.u32 v1, $0x10;
	[tilespmem:$0x2810] =	vst v2  }
0x93: {  	[tilespmem:$0x2890] =	vst v1  }
0x94: {  	v1 =	vld [tilespmem:s22+$0xFFFFFF30];
	_ =	sdelay $0x4  }
0x95: {  	v2 =	vand.u32 $0xFFFF, v1  }
0x96: {  	v1 =	vshrl.u32 v1, $0x10;
	[tilespmem:$0x2820] =	vst v2  }
0x97: {  	[tilespmem:$0x28A0] =	vst v1  }
0x98: {  	v1 =	vld [tilespmem:s22+$0xFFFFFF40];
	_ =	sdelay $0x4  }
0x99: {  	v2 =	vand.u32 $0xFFFF, v1  }
0x9a: {  	v1 =	vshrl.u32 v1, $0x10;
	[tilespmem:$0x2830] =	vst v2  }
0x9b: {  	[tilespmem:$0x28B0] =	vst v1  }
0x9c: {  	v1 =	vld [tilespmem:s22+$0xFFFFFF50];
	_ =	sdelay $0x4  }
0x9d: {  	v2 =	vand.u32 $0xFFFF, v1  }
0x9e: {  	v1 =	vshrl.u32 v1, $0x10;
	[tilespmem:$0x2840] =	vst v2  }
0x9f: {  	[tilespmem:$0x28C0] =	vst v1  }
0xa0: {  	v1 =	vld [tilespmem:s22+$0xFFFFFF60];
	_ =	sdelay $0x4  }
0xa1: {  	v2 =	vand.u32 $0xFFFF, v1  }
0xa2: {  	v1 =	vshrl.u32 v1, $0x10;
	[tilespmem:$0x2850] =	vst v2  }
0xa3: {  	[tilespmem:$0x28D0] =	vst v1  }
0xa4: {  	v1 =	vld [tilespmem:s22+$0xFFFFFF70];
	_ =	sdelay $0x4  }
0xa5: {  	v2 =	vand.u32 $0xFFFF, v1  }
0xa6: {  	v1 =	vshrl.u32 v1, $0x10;
	[tilespmem:$0x2860] =	vst v2  }
0xa7: {  	[tilespmem:$0x28E0] =	vst v1  }
0xa8: {  	v1 =	vld [tilespmem:s22+$0xFFFFFF80];
	_ =	sdelay $0x4  }
0xa9: {  	v2 =	vand.u32 $0xFFFF, v1  }
0xaa: {  	v1 =	vshrl.u32 v1, $0x10;
	[tilespmem:$0x2870] =	vst v2  }
0xab: {  	[tilespmem:$0x28F0] =	vst v1  }
0xac: {  	[tilespmem:s9], [sflag:$0x1] =	stream.indirect.gather [hbm4b:s4+s11], $0x80, s12, s11, $0xb8;
	[tilespmem:$0x1E600] =	vst v63  }
0xad: {  	_ =	swait.ge [sflag:s17], $0x4000  }
0xae: {  	[sflag:s17] =	ssyncset.done $0x0  }
0xaf: {  	[sflag:s17] =	ssyncadd.s32 $0xFFFFC000  }
0xb0: {  	[spmem:s2] =	stream.indirect.scatter.add.f32 [tilespmem:s14], [sflag:$0x3], $0x80, s18, s11, $0xb8;
	[tilespmem:$0x1E600] =	vst v63  }
0xb1: {  	_ =	swait.ge [sflag:s10], $0x4000  }
0xb2: {  	[sflag:s10] =	ssyncset.done $0x0  }
0xb3: {  	[sflag:s10] =	ssyncadd.s32 $0xFFFFC000  }
0xb4: {  	v1 =	vld [tilespmem:s22+$0xFFFFFF90];
	_ =	sdelay $0x4  }
0xb5: {  	v2 =	vand.u32 $0xFFFF, v1  }
0xb6: {  	v1 =	vshrl.u32 v1, $0x10;
	[tilespmem:$0x2900] =	vst v2  }
0xb7: {  	[tilespmem:$0x2980] =	vst v1  }
0xb8: {  	v1 =	vld [tilespmem:s22+$0xFFFFFFA0];
	_ =	sdelay $0x4  }
0xb9: {  	v2 =	vand.u32 $0xFFFF, v1  }
0xba: {  	v1 =	vshrl.u32 v1, $0x10;
	[tilespmem:$0x2910] =	vst v2  }
0xbb: {  	[tilespmem:$0x2990] =	vst v1  }
0xbc: {  	v1 =	vld [tilespmem:s22+$0xFFFFFFB0];
	_ =	sdelay $0x4  }
0xbd: {  	v2 =	vand.u32 $0xFFFF, v1  }
0xbe: {  	v1 =	vshrl.u32 v1, $0x10;
	[tilespmem:$0x2920] =	vst v2  }
0xbf: {  	[tilespmem:$0x29A0] =	vst v1  }
0xc0: {  	v1 =	vld [tilespmem:s22+$0xFFFFFFC0];
	_ =	sdelay $0x4  }
0xc1: {  	v2 =	vand.u32 $0xFFFF, v1  }
0xc2: {  	v1 =	vshrl.u32 v1, $0x10;
	[tilespmem:$0x2930] =	vst v2  }
0xc3: {  	[tilespmem:$0x29B0] =	vst v1  }
0xc4: {  	v1 =	vld [tilespmem:s22+$0xFFFFFFD0];
	_ =	sdelay $0x4  }
0xc5: {  	v2 =	vand.u32 $0xFFFF, v1  }
0xc6: {  	v1 =	vshrl.u32 v1, $0x10;
	[tilespmem:$0x2940] =	vst v2  }
0xc7: {  	[tilespmem:$0x29C0] =	vst v1  }
0xc8: {  	v1 =	vld [tilespmem:s22+$0xFFFFFFE0];
	_ =	sdelay $0x4  }
0xc9: {  	v2 =	vand.u32 $0xFFFF, v1  }
0xca: {  	v1 =	vshrl.u32 v1, $0x10;
	[tilespmem:$0x2950] =	vst v2  }
0xcb: {  	s23 =	simm.s32 $0xBC0;
	[tilespmem:$0x29D0] =	vst v1  }
.LBB2_4:
0xcc: {  	p0 =	sne.s32 s23, $0x9FC0;
	v1 =	vld [tilespmem:s22+$0xFFFFFFF0];
	s24 =	smov.u32 s23;
	s23 =	sadd.s32 $0x400, s23  }
0xcd: {  	_ =	sdelay $0x3  }
0xce: {  	v2 =	vand.u32 $0xFFFF, v1;
	v1 =	vshrl.u32 v1, $0x10  }
0xcf: {  	[tilespmem:$0x2960] =	vst v2  }
0xd0: {  	[tilespmem:$0x29E0] =	vst v1  }
0xd1: {  	v1 =	vld [tilespmem:s22+$0x0];
	_ =	sdelay $0x4  }
0xd2: {  	v2 =	vand.u32 $0xFFFF, v1;
	v1 =	vshrl.u32 v1, $0x10  }
0xd3: {  	[tilespmem:$0x2970] =	vst v2  }
0xd4: {  	[tilespmem:$0x29F0] =	vst v1  }
0xd5: {  	[tilespmem:s14], [sflag:$0x2] =	stream.indirect.gather [hbm4b:s4+s11], $0x80, s13, s11, $0xb8;
	[tilespmem:$0x1E600] =	vst v63  }
0xd6: {  	_ =	swait.ge [sflag:s15], $0x4000  }
0xd7: {  	[sflag:s15] =	ssyncset.done $0x0  }
0xd8: {  	[sflag:s15] =	ssyncadd.s32 $0xFFFFC000  }
0xd9: {  	[spmem:s2] =	stream.indirect.scatter.add.f32 [tilespmem:s9], [sflag:$0x3], $0x80, s16, s11, $0xb8;
	[tilespmem:$0x1E600] =	vst v63  }
0xda: {  	_ =	swait.ge [sflag:s10], $0x4000  }
0xdb: {  	[sflag:s10] =	ssyncset.done $0x0  }
0xdc: {  	s22 =	sshra.s32 s24, $0x2;
	[sflag:s10] =	ssyncadd.s32 $0xFFFFC000  }
0xdd: {  	v1 =	vld [tilespmem:s22+$0xFFFFFF10];
	_ =	sdelay $0x4  }
0xde: {  	v2 =	vand.u32 $0xFFFF, v1;
	v1 =	vshrl.u32 v1, $0x10  }
0xdf: {  	[tilespmem:$0x2800] =	vst v2  }
0xe0: {  	[tilespmem:$0x2880] =	vst v1  }
0xe1: {  	v1 =	vld [tilespmem:s22+$0xFFFFFF20];
	_ =	sdelay $0x4  }
0xe2: {  	v2 =	vand.u32 $0xFFFF, v1;
	v1 =	vshrl.u32 v1, $0x10  }
0xe3: {  	[tilespmem:$0x2810] =	vst v2  }
0xe4: {  	[tilespmem:$0x2890] =	vst v1  }
0xe5: {  	v1 =	vld [tilespmem:s22+$0xFFFFFF30];
	_ =	sdelay $0x4  }
0xe6: {  	v2 =	vand.u32 $0xFFFF, v1;
	v1 =	vshrl.u32 v1, $0x10  }
0xe7: {  	[tilespmem:$0x2820] =	vst v2  }
0xe8: {  	[tilespmem:$0x28A0] =	vst v1  }
0xe9: {  	v1 =	vld [tilespmem:s22+$0xFFFFFF40];
	_ =	sdelay $0x4  }
0xea: {  	v2 =	vand.u32 $0xFFFF, v1;
	v1 =	vshrl.u32 v1, $0x10  }
0xeb: {  	[tilespmem:$0x2830] =	vst v2  }
0xec: {  	[tilespmem:$0x28B0] =	vst v1  }
0xed: {  	v1 =	vld [tilespmem:s22+$0xFFFFFF50];
	_ =	sdelay $0x4  }
0xee: {  	v2 =	vand.u32 $0xFFFF, v1;
	v1 =	vshrl.u32 v1, $0x10  }
0xef: {  	[tilespmem:$0x2840] =	vst v2  }
0xf0: {  	[tilespmem:$0x28C0] =	vst v1  }
0xf1: {  	v1 =	vld [tilespmem:s22+$0xFFFFFF60];
	_ =	sdelay $0x4  }
0xf2: {  	v2 =	vand.u32 $0xFFFF, v1;
	v1 =	vshrl.u32 v1, $0x10  }
0xf3: {  	[tilespmem:$0x2850] =	vst v2  }
0xf4: {  	[tilespmem:$0x28D0] =	vst v1  }
0xf5: {  	v1 =	vld [tilespmem:s22+$0xFFFFFF70];
	_ =	sdelay $0x4  }
0xf6: {  	v2 =	vand.u32 $0xFFFF, v1;
	v1 =	vshrl.u32 v1, $0x10  }
0xf7: {  	[tilespmem:$0x2860] =	vst v2  }
0xf8: {  	[tilespmem:$0x28E0] =	vst v1  }
0xf9: {  	v1 =	vld [tilespmem:s22+$0xFFFFFF80];
	_ =	sdelay $0x4  }
0xfa: {  	v2 =	vand.u32 $0xFFFF, v1;
	v1 =	vshrl.u32 v1, $0x10  }
0xfb: {  	[tilespmem:$0x2870] =	vst v2  }
0xfc: {  	[tilespmem:$0x28F0] =	vst v1  }
0xfd: {  	[tilespmem:s9], [sflag:$0x1] =	stream.indirect.gather [hbm4b:s4+s11], $0x80, s12, s11, $0xb8;
	[tilespmem:$0x1E600] =	vst v63  }
0xfe: {  	_ =	swait.ge [sflag:s17], $0x4000  }
0xff: {  	[sflag:s17] =	ssyncset.done $0x0  }
0x100: {  	[sflag:s17] =	ssyncadd.s32 $0xFFFFC000  }
0x101: {  	[spmem:s2] =	stream.indirect.scatter.add.f32 [tilespmem:s14], [sflag:$0x3], $0x80, s18, s11, $0xb8;
	[tilespmem:$0x1E600] =	vst v63  }
0x102: {  	_ =	swait.ge [sflag:s10], $0x4000  }
0x103: {  	[sflag:s10] =	ssyncset.done $0x0  }
0x104: {  	[sflag:s10] =	ssyncadd.s32 $0xFFFFC000  }
0x105: {  	v1 =	vld [tilespmem:s22+$0xFFFFFF90];
	_ =	sdelay $0x4  }
0x106: {  	v2 =	vand.u32 $0xFFFF, v1;
	v1 =	vshrl.u32 v1, $0x10  }
0x107: {  	[tilespmem:$0x2900] =	vst v2  }
0x108: {  	[tilespmem:$0x2980] =	vst v1  }
0x109: {  	v1 =	vld [tilespmem:s22+$0xFFFFFFA0];
	_ =	sdelay $0x4  }
0x10a: {  	v2 =	vand.u32 $0xFFFF, v1;
	v1 =	vshrl.u32 v1, $0x10  }
0x10b: {  	[tilespmem:$0x2910] =	vst v2  }
0x10c: {  	[tilespmem:$0x2990] =	vst v1  }
0x10d: {  	v1 =	vld [tilespmem:s22+$0xFFFFFFB0];
	_ =	sdelay $0x4  }
0x10e: {  	v2 =	vand.u32 $0xFFFF, v1;
	v1 =	vshrl.u32 v1, $0x10  }
0x10f: {  	[tilespmem:$0x2920] =	vst v2  }
0x110: {  	[tilespmem:$0x29A0] =	vst v1  }
0x111: {  	v1 =	vld [tilespmem:s22+$0xFFFFFFC0];
	_ =	sdelay $0x4  }
0x112: {  	v2 =	vand.u32 $0xFFFF, v1;
	v1 =	vshrl.u32 v1, $0x10  }
0x113: {  	[tilespmem:$0x2930] =	vst v2  }
0x114: {  	[tilespmem:$0x29B0] =	vst v1  }
0x115: {  	v1 =	vld [tilespmem:s22+$0xFFFFFFD0];
	_ =	sdelay $0x4  }
0x116: {  	v2 =	vand.u32 $0xFFFF, v1;
	v1 =	vshrl.u32 v1, $0x10  }
0x117: {  	[tilespmem:$0x2940] =	vst v2  }
0x118: {  	[tilespmem:$0x29C0] =	vst v1  }
0x119: {  	v1 =	vld [tilespmem:s22+$0xFFFFFFE0];
	_ =	sdelay $0x2  }
.Ltmp1:
0x11a: {  	(pc) =	sbr.rel @p0 .LBB2_4-.Ltmp1, $4  }
0x11b: {  	_ = 	snop  }
0x11c: {  	v2 =	vand.u32 $0xFFFF, v1;
	v1 =	vshrl.u32 v1, $0x10  }
0x11d: {  	[tilespmem:$0x2950] =	vst v2  }
0x11e: {  	[tilespmem:$0x29D0] =	vst v1  }
0x11f: {  	v1 =	vld [tilespmem:s22+$0xFFFFFFF0];
	_ =	sdelay $0x4  }
0x120: {  	v2 =	vand.u32 $0xFFFF, v1  }
0x121: {  	v1 =	vshrl.u32 v1, $0x10;
	[tilespmem:$0x2960] =	vst v2  }
0x122: {  	[tilespmem:$0x29E0] =	vst v1  }
0x123: {  	v1 =	vld [tilespmem:s22+$0x0];
	_ =	sdelay $0x4  }
0x124: {  	v2 =	vand.u32 $0xFFFF, v1  }
0x125: {  	v1 =	vshrl.u32 v1, $0x10;
	[tilespmem:$0x2970] =	vst v2  }
0x126: {  	[tilespmem:$0x29F0] =	vst v1  }
0x127: {  	[tilespmem:s14], [sflag:$0x2] =	stream.indirect.gather [hbm4b:s4+s11], $0x80, s13, s11, $0xb8;
	[tilespmem:$0x1E600] =	vst v63  }
0x128: {  	_ =	swait.ge [sflag:s15], $0x4000  }
0x129: {  	[sflag:s15] =	ssyncset.done $0x0  }
0x12a: {  	[sflag:s15] =	ssyncadd.s32 $0xFFFFC000  }
0x12b: {  	[spmem:s2] =	stream.indirect.scatter.add.f32 [tilespmem:s9], [sflag:$0x3], $0x80, s16, s11, $0xb8;
	[tilespmem:$0x1E600] =	vst v63  }
0x12c: {  	_ =	swait.ge [sflag:s10], $0x4000  }
0x12d: {  	[sflag:s10] =	ssyncset.done $0x0  }
0x12e: {  	[sflag:s10] =	ssyncadd.s32 $0xFFFFC000  }
0x12f: {  	_ =	swait.ge [sflag:s17], $0x4000  }
0x130: {  	[sflag:s17] =	ssyncset.done $0x0  }
0x131: {  	[sflag:s17] =	ssyncadd.s32 $0xFFFFC000  }
0x132: {  	[spmem:s2] =	stream.indirect.scatter.add.f32 [tilespmem:s14], [sflag:$0x3], $0x80, s18, s11, $0xb8;
	[tilespmem:$0x1E600] =	vst v63  }
0x133: {  	_ =	swait.ge [sflag:s10], $0x4000  }
0x134: {  	s21 =	sadd.s32 $0x1, s21;
	[sflag:s10] =	ssyncset.done $0x0  }
0x135: {  	p0 =	sne.s32 s21, s8;
	[sflag:s10] =	ssyncadd.s32 $0xFFFFC000  }
.Ltmp2:
0x136: {  	[bflag:$0x0] =	sbarrier.arrive $0xFFFF;
	(pc) =	sbr.rel @p0 .LBB2_1-.Ltmp2, $4  }
0x137: {  	[hbm:s7], [sflag:s19] =	dma.local [spmem:s20], $0x2780  }
0x138: {  	_ =	swait.ge [sflag:s10], $0x2780  }
0x139: {  	[sflag:s10] =	ssyncset.done $0x0  }
0x13a: {  	[sflag:s10] =	ssyncadd.s32 $0xFFFFD880  }
0x13b: {  	_ =	sfence.sel $0x180000  }
0x13c: {  	[bflag:$0x0] =	sbarrier.arrive $0xFFFF  }
0x13d: {  	p0 =	sne.s32 s1, $0x0;
	_ =	strace $0x9000004A  }
0x13e: {  	s0 =	sadd.s32 @!p0 $0x100000, s0;
	[bflag:$0x2] =	sbarrier.arrive $0xFFFF  }
0x13f: {  	[sflag:s0] =	ssyncadd.tile.s32 @!p0 $0x1;
	_ =	shalt  }
.Lfunc_end2:
_tile_overlayer_lowered:
.L_overlay_start_2:
0x140: {  	(tag) =	ssettag $0x2  }
0x141: {  	s0 =	rddreg [dreg:$0x0];
	s2 =	stileid.u32  }
0x142: {  	s1 =	rddreg [dreg:$0x1];
	p0 =	sne.s32 s2, $0x0  }
0x143: {  	s3 =	rddreg [dreg:$0x2];
	[bflag:$0x3] =	sbarrier.arrive $0xFFFF;
	s2 =	simm.s32 @!p0 $0x1C03  }
0x144: {  	[timem:s3], [sflag:s2] =	dma.local @!p0 [hbm:s0], s1  }
0x145: {  	s0 =	simm.s32 @!p0 $0x3  }
0x146: {  	_ =	swait.ge @!p0 [sflag:s0], s1  }
0x147: {  	s1 =	ssub.s32 @!p0 $0x0, s1;
	[sflag:s0] =	ssyncset.done @!p0 $0x0  }
0x148: {  	[sflag:s0] =	ssyncadd.s32 @!p0 s1  }
0x149: {  	[bflag:$0x3] =	sbarrier.arrive $0xFFFF  }
0x14a: {  	_ =	shalt  }

// kernel: kernel.14.cloned.1.call-start
scs
__scs_entry_jumppad:
0x0: {  	(pc) =	sbr.rel $0x88, $3  }
0x1: {  	(tag) =	ssettag $0x0;
	lr =	simm.s32 $0x1  }
0x2: {  	[smem:$0x3F92] =	sst lr;
	_ =	strace $0xD0000000  }
0x3: {  	_ = 	snop  }
0x4: {  	_ = 	snop  }
0x5: {  	_ = 	snop  }
0x6: {  	_ = 	snop  }
0x7: {  	_ = 	snop  }
__scs_overlays_trampoline_lowered:
0x8: {  	[smem:$0x3FA1] =	sst s0  }
0x9: {  	[smem:$0x3FA2] =	sst s1  }
0xa: {  	[smem:$0x3FA3] =	sst s2  }
0xb: {  	[smem:$0x3FA4] =	sst s3  }
0xc: {  	[smem:$0x3FA5] =	sst s4  }
0xd: {  	[smem:$0x3FA6] =	sst s5  }
0xe: {  	[smem:$0x3FA7] =	sst s6  }
0xf: {  	[smem:$0x3FA8] =	sst s7  }
0x10: {  	[smem:$0x3FA9] =	sst s8  }
0x11: {  	[smem:$0x3FAA] =	sst s9;
	s0 =	simm.s32 @!p0 $0x0  }
0x12: {  	s1 =	sld [smem:$0x3F90];
	s0 =	simm.s32 @p0 $0x1  }
0x13: {  	[smem:$0x3FAB] =	sst s0;
	s0 =	simm.s32 @!p1 $0x0  }
0x14: {  	s2 =	sld [smem:$0x3F8F];
	s0 =	simm.s32 @p1 $0x1  }
0x15: {  	[smem:$0x3FAC] =	sst s0;
	s0 =	simm.s32 @!p2 $0x0  }
0x16: {  	s3 =	sld [smem:$0x3FDB];
	s0 =	simm.s32 @p2 $0x1  }
0x17: {  	s4 =	simm.s32 $0x1BF5;
	[smem:$0x3FAE] =	sst s0  }
0x18: {  	s0 =	sld [smem:$0x3F91];
	_ =	swait.ge [sflag:s4], $0x0  }
0x19: {  	s7 =	sld [smem:$0x3F92]  }
0x1a: {  	s8 =	sadd.s32 $0xFFFFE003, lr  }
0x1b: {  	s9 =	sadd.s32 $0xFFFFFEF7, lr;
	s5 =	simm.s32 $0xFFFFFFFF;
	p2 =	slt.u32 s8, $0xFFFFF086  }
0x1c: {  	p1 =	slt.u32 s9, $0xF7A;
	s5 =	simm.s32 @!p2 $0x0  }
0x1d: {  	s5 =	simm.s32 @p1 $0x1;
	p0 =	seq.s32 s7, s2  }
0x1e: {  	s7 =	smul.u32 @!p0 $0xF7A, s2;
	p2 =	seq.s32 @!p0 s5, $0x0  }
0x1f: {  	s9 =	smul.u32 $0xF7A, s1;
	s8 =	simm.s32 @!p0 $0x1BF5;
	p2 =	por !p2, p0  }
0x20: {  	[sflag:s8] =	ssyncset.s32 @!p0 $0xFFFFF086;
	s6 =	sadd.s32 @!p0 s3, s7;
	s7 =	simm.s32 @!p0 $0x108  }
0x21: {  	s3 =	sadd.s32 s3, s9;
	s6 =	sadd.s32 @!p0 $0x88, s6;
	s7 =	simm.s32 @p2 $0x1082  }
0x22: {  	[simem:s7], [sflag:s8] =	dma.local @!p0 [hbm:s6], $0xF7A  }
0x23: {  	s9 =	sor.u32 $0xD0000000, s2;
	s6 =	simm.s32 $0x108;
	_ =	swait.ge @!p0 [sflag:s8], $0x0  }
0x24: {  	s3 =	sadd.s32 $0x88, s3;
	s6 =	simm.s32 @!p1 $0x1082;
	[sflag:s4] =	ssyncset.s32 $0xFFFFF086  }
0x25: {  	[simem:s6], [sflag:s4] =	dma.local [hbm:s3], $0xF7A  }
0x26: {  	[smem:$0x3F92] =	sst s1;
	(tag) =	ssettag s2;
	_ =	strace s9  }
0x27: {  	s1 =	sld [smem:$0x3FA2]  }
0x28: {  	s2 =	sld [smem:$0x3FA3]  }
0x29: {  	s4 =	sld [smem:$0x3FA5]  }
0x2a: {  	p0 =	seq.s32 s5, $0x0;
	s5 =	sld [smem:$0x3FA6]  }
0x2b: {  	s6 =	sld [smem:$0x3FA7]  }
0x2c: {  	s7 =	sld [smem:$0x3FA8]  }
0x2d: {  	s3 =	simm.s32 $0x108;
	s8 =	sld [smem:$0x3FA9]  }
0x2e: {  	s3 =	simm.s32 @!p0 $0x1082;
	s9 =	sld [smem:$0x3FAA]  }
0x2f: {  	lr =	sadd.s32 s0, s3;
	s0 =	sld [smem:$0x3FA1]  }
0x30: {  	s3 =	sld [smem:$0x3FA4]  }
0x31: {  	[smem:$0x3FAD] =	sst s10  }
0x32: {  	s10 =	sld [smem:$0x3FAB];
	_ =	sdelay $0x3  }
0x33: {  	p0 =	seq.s32 s10, $0x1;
	s10 =	sld [smem:$0x3FAD];
	_ =	sdelay $0x3  }
0x34: {  	[smem:$0x3FAD] =	sst s10  }
0x35: {  	s10 =	sld [smem:$0x3FAC];
	_ =	sdelay $0x3  }
0x36: {  	p1 =	seq.s32 s10, $0x1;
	s10 =	sld [smem:$0x3FAD];
	_ =	sdelay $0x3  }
0x37: {  	[smem:$0x3FAD] =	sst s10  }
0x38: {  	s10 =	sld [smem:$0x3FAE]  }
0x39: {  	_ = 	snop;
	(pc) =	sbr.ind lr, $3  }
0x3a: {  	_ = 	snop  }
0x3b: {  	_ = 	snop  }
0x3c: {  	p2 =	seq.s32 s10, $0x1;
	s10 =	sld [smem:$0x3FAD]  }
0x3d: {  	_ =	shalt  }
0x3e: {  	_ =	shalt  }
0x3f: {  	_ =	shalt  }
0x40: {  	_ =	shalt  }
0x41: {  	_ =	shalt  }
0x42: {  	_ =	shalt  }
0x43: {  	_ =	shalt  }
0x44: {  	_ =	shalt  }
0x45: {  	_ =	shalt  }
0x46: {  	_ =	shalt  }
0x47: {  	_ =	shalt  }
0x48: {  	_ =	shalt  }
0x49: {  	_ =	shalt  }
0x4a: {  	_ =	shalt  }
0x4b: {  	_ =	shalt  }
0x4c: {  	_ =	shalt  }
0x4d: {  	_ =	shalt  }
0x4e: {  	_ =	shalt  }
0x4f: {  	_ =	shalt  }
0x50: {  	_ =	shalt  }
0x51: {  	_ =	shalt  }
0x52: {  	_ =	shalt  }
0x53: {  	_ =	shalt  }
0x54: {  	_ =	shalt  }
0x55: {  	_ =	shalt  }
0x56: {  	_ =	shalt  }
0x57: {  	_ =	shalt  }
0x58: {  	_ =	shalt  }
0x59: {  	_ =	shalt  }
0x5a: {  	_ =	shalt  }
0x5b: {  	_ =	shalt  }
0x5c: {  	_ =	shalt  }
0x5d: {  	_ =	shalt  }
0x5e: {  	_ =	shalt  }
0x5f: {  	_ =	shalt  }
0x60: {  	_ =	shalt  }
0x61: {  	_ =	shalt  }
0x62: {  	_ =	shalt  }
0x63: {  	_ =	shalt  }
0x64: {  	_ =	shalt  }
0x65: {  	_ =	shalt  }
0x66: {  	_ =	shalt  }
0x67: {  	_ =	shalt  }
0x68: {  	_ =	shalt  }
0x69: {  	_ =	shalt  }
0x6a: {  	_ =	shalt  }
0x6b: {  	_ =	shalt  }
0x6c: {  	_ =	shalt  }
0x6d: {  	_ =	shalt  }
0x6e: {  	_ =	shalt  }
0x6f: {  	_ =	shalt  }
0x70: {  	_ =	shalt  }
0x71: {  	_ =	shalt  }
0x72: {  	_ =	shalt  }
0x73: {  	_ =	shalt  }
0x74: {  	_ =	shalt  }
0x75: {  	_ =	shalt  }
0x76: {  	_ =	shalt  }
0x77: {  	_ =	shalt  }
0x78: {  	_ =	shalt  }
0x79: {  	_ =	shalt  }
0x7a: {  	_ =	shalt  }
0x7b: {  	_ =	shalt  }
0x7c: {  	_ =	shalt  }
0x7d: {  	_ =	shalt  }
0x7e: {  	_ =	shalt  }
0x7f: {  	_ =	shalt  }
0x80: {  	_ =	shalt  }
0x81: {  	_ =	shalt  }
0x82: {  	_ =	shalt  }
0x83: {  	_ =	shalt  }
0x84: {  	_ =	shalt  }
0x85: {  	_ =	shalt  }
0x86: {  	_ =	shalt  }
0x87: {  	_ =	shalt  }
.Lfunc_end0:
.L_simem_size_0:
called_computation.2_lowered:
.L_overlay_start_0:
0x88: {  	s2 =	sld [smem:$0x3FD9]  }
0x89: {  	s3 =	sld [smem:$0x3FFE];
	_ =	sdelay $0x1  }
0x8a: {  	s1 =	srdreg.scid  }
0x8b: {  	s0 =	sand.u32 $0x1, s1  }
0x8c: {  	s16 =	sshll.u32 s0, $0xA;
	s2 =	sadd.s32 s3, s2  }
0x8d: {  	s2 =	sadd.s32 s2, s16  }
0x8e: {  	[smem:$0x3FB9] =	sst s2  }
0x8f: {  	_ = 	snop  }
0x90: {  	(tm) =	ssettm $0x1  }
0x91: {  	s17 =	sld [smem:$0x3FFB];
	_ =	sdelay $0x3  }
0x92: {  	_ =	strace s17  }
0x93: {  	s2 =	sld [smem:$0x3FFC];
	_ =	sdelay $0x3  }
0x94: {  	_ =	strace s2  }
0x95: {  	s2 =	sld [smem:$0x3FFD];
	_ =	sdelay $0x3  }
0x96: {  	_ =	strace s2  }
0x97: {  	_ =	strace $0x8FFFFFFF  }
0x98: {  	s18 =	sld [smem:$0x3FDB];
	_ =	sdelay $0x1  }
0x99: {  	s19 =	simm.s32 $_scs_section_size  }
0x9a: {  	s4 =	simm.s32 $_size__tile_overlayer_lowered;
	s5 =	simm.s32 $_tile_overlayer_lowered  }
0x9b: {  	s22 =	simm.s32 $0x1BFF;
	s21 =	sshll.u32 s5, $0x1;
	s2 =	sadd.s32 s19, s18  }
0x9c: {  	s6 =	simm.s32 $0x0;
	s20 =	sshll.u32 s4, $0x1;
	s4 =	sadd.s32 s21, s2  }
0x9d: {  	[timem:s6], [sflag:s22] =	dma.local [hbm:s4], s20  }
0x9e: {  	_ =	swait.ge [sflag:s22], s20  }
0x9f: {  	s3 =	ssub.s32 $0x0, s20;
	[sflag:s22] =	ssyncset.done $0x0  }
0xa0: {  	[sflag:s22] =	ssyncadd.s32 s3;
	_ =	sdelay $0x1  }
0xa1: {  	s23 =	simm.s32 $0x1B8B  }
0xa2: {  	_ =	swait.ge [sflag:s23], $0x1  }
0xa3: {  	[sflag:s23] =	ssyncset.done $0x0  }
0xa4: {  	s25 =	simm.s32 $0x1B8E;
	s24 =	sld [smem:$0x3FFE];
	[sflag:s23] =	ssyncadd.s32 $0xFFFFFFFF  }
0xa5: {  	s26 =	simm.s32 $execute0_lowered;
	[smem:$0x3FD2] =	sst s25  }
0xa6: {  	s4 =	sshll.u32 s26, $0x1;
	_ =	strace $0x8000004C;
	[dreg:$0x1] =	wrdreg $0xFFFFFFFF  }
0xa7: {  	s28 =	simm.s32 $_size_execute0_lowered;
	s2 =	sadd.s32 s2, s4;
	[dreg:$0x0] =	wrdreg $0x0  }
0xa8: {  	s4 =	sshll.u32 s28, $0x1;
	[dreg:$0x2] =	wrdreg s2  }
0xa9: {  	[dreg:$0x3] =	wrdreg s4  }
0xaa: {  	[dreg:$0x4] =	wrdreg $0xC0  }
0xab: {  	_ =	task [dreg:s6], $0x5FFFF  }
0xac: {  	[dreg:$0x1] =	wrdreg $0xFFFFFFFF  }
0xad: {  	[dreg:$0x0] =	wrdreg $0x60  }
0xae: {  	[dreg:$0x2] =	wrdreg s24  }
0xaf: {  	[dreg:$0x3] =	wrdreg $0xAA000  }
0xb0: {  	[dreg:$0x4] =	wrdreg $0x9  }
0xb1: {  	_ =	task.clear_ibuf [dreg:s6], $0x5FFFF;
	_ =	strace $0x9000004C  }
0xb2: {  	s29 =	simm.s32 $0x9;
	_ =	strace $0x8000004E  }
0xb3: {  	_ =	swait.ge [sflag:s29], $0x1  }
0xb4: {  	[sflag:s29] =	ssyncadd.s32 $0xFFFFFFFF  }
0xb5: {  	_ =	strace $0x9000004E  }
0xb6: {  	_ =	sfence  }
0xb7: {  	s30 =	sld [smem:$0x0];
	_ =	sdelay $0x2  }
0xb8: {  	s31 =	sshll.u32 s1, $0xD;
	s1 =	sshrl.u32 s1, $0x2  }
0xb9: {  	s3 =	sand.u32 $0x4000, s31;
	s1 =	sadd.s32 s1, s30  }
0xba: {  	s0 =	sor.u32 s3, s0;
	s1 =	sshll.u32 s1, $0x11  }
0xbb: {  	s0 =	sor.u32 s1, s0  }
0xbc: {  	s0 =	sadd.s32 $0x8F2B, s0  }
0xbd: {  	[sflag:s0] =	ssyncadd.remote.s32 $0x1  }
0xbe: {  	_ =	sfence.sel $0xFFFF  }
0xbf: {  	[dreg:$0x0] =	wrdreg $0xFFFFFFFF;
	(pc) =	sbr.abs _section_cstart, $3  }
0xc0: {  	[dreg:$0x1] =	wrdreg $0xFFFFFFFF  }
0xc1: {  	_ =	task.clear_ibuf [dreg:s6], $0x2FFFF;
	_ =	strace $0x9FFFFFFF  }
0xc2: {  	(tm) =	ssettm $0x7FFFFFFF  }
0xc3: {  	_ =	shalt  }
tec
execute0_lowered:
.L_overlay_start_1:
0x0: {  	(tag) =	ssettag $0x1  }
0x1: {  	s5 =	rddreg [dreg:$0x0];
	s0 =	srdreg.scid  }
0x2: {  	s2 =	rddreg [dreg:$0x1];
	s1 =	stileid.u32;
	s3 =	simm.s32 $0x0  }
0x3: {  	s12 =	simm.s32 $0x2800;
	s13 =	simm.s32 $0x2900;
	s14 =	simm.s32 $0x6A00  }
0x4: {  	s15 =	simm.s32 $0x1;
	s16 =	simm.s32 $0x2880;
	s7 =	smul.u32 $0x2800, s1  }
0x5: {  	s17 =	simm.s32 $0x2;
	s18 =	simm.s32 $0x2980;
	s9 =	smul.u32 $0x13C00, s1  }
0x6: {  	s6 =	sand.u32 $0x1, s0;
	s0 =	rddreg [dreg:$0x2];
	s10 =	smul.u32 $0x4F000, s1  }
0x7: {  	s21 =	simm.s32 $0x0;
	[smem:$0x7FF] =	sst s3;
	s4 =	smul.u32 $0x28000, s6  }
0x8: {  	s19 =	sshll.u32 s1, $0x6;
	s8 =	smul.u32 $0x13C000, s6;
	s6 =	ssub.s32 $0x2, s6  }
0x9: {  	_ =	strace $0x8000004D;
	s19 =	sor.u32 $0x1C03, s19;
	s11 =	sshrl.u32 s6, $0x1  }
0xa: {  	s10 =	sshrl.u32 s10, $0x2;
	s20 =	sadd.s32 s9, s2;
	s7 =	sadd.s32 s7, s4  }
0xb: {  	s4 =	sadd.s32 $0x22200, s5;
	s8 =	sadd.s32 s9, s8;
	s11 =	ssub.s32 s6, s11  }
0xc: {  	s9 =	simm.s32 $0x2A00;
	s7 =	sshrl.u32 s7, $0x3;
	s8 =	sshrl.u32 s8, $0x3  }
0xd: {  	s20 =	sshrl.u32 s20, $0x3;
	s7 =	sadd.s32 s7, s5;
	s8 =	sadd.s32 s8, s5  }
0xe: {  	s5 =	sadd.s32 s10, s2;
	s10 =	simm.s32 $0x3;
	s6 =	sadd.s32 $0x18200, s7  }
0xf: {  	v0 =	vimm.f32 $0.0e+00;
	s7 =	sadd.s32 $0x49A00, s8;
	s8 =	smax.u32 s11, $0x1;
	s11 =	simm.s32 $0x80  }
.LBB2_1:
0x10: {  	[tilespmem:$0x2A00] =	vst v0  }
0x11: {  	[tilespmem:$0x2A10] =	vst v0  }
0x12: {  	[tilespmem:$0x2A20] =	vst v0  }
0x13: {  	[tilespmem:$0x2A30] =	vst v0  }
0x14: {  	[tilespmem:$0x2A40] =	vst v0  }
0x15: {  	[tilespmem:$0x2A50] =	vst v0  }
0x16: {  	[tilespmem:$0x2A60] =	vst v0  }
0x17: {  	[tilespmem:$0x2A70] =	vst v0  }
0x18: {  	[tilespmem:$0x2A80] =	vst v0  }
0x19: {  	[tilespmem:$0x2A90] =	vst v0  }
0x1a: {  	[tilespmem:$0x2AA0] =	vst v0  }
0x1b: {  	[tilespmem:$0x2AB0] =	vst v0  }
0x1c: {  	[tilespmem:$0x2AC0] =	vst v0  }
0x1d: {  	[tilespmem:$0x2AD0] =	vst v0  }
0x1e: {  	[tilespmem:$0x2AE0] =	vst v0  }
0x1f: {  	[tilespmem:$0x2AF0] =	vst v0  }
0x20: {  	[tilespmem:$0x2B00] =	vst v0  }
0x21: {  	[tilespmem:$0x2B10] =	vst v0  }
0x22: {  	[tilespmem:$0x2B20] =	vst v0  }
0x23: {  	[tilespmem:$0x2B30] =	vst v0  }
0x24: {  	[tilespmem:$0x2B40] =	vst v0  }
0x25: {  	[tilespmem:$0x2B50] =	vst v0  }
0x26: {  	[tilespmem:$0x2B60] =	vst v0  }
0x27: {  	[tilespmem:$0x2B70] =	vst v0  }
0x28: {  	[tilespmem:$0x2B80] =	vst v0  }
0x29: {  	[tilespmem:$0x2B90] =	vst v0  }
0x2a: {  	[tilespmem:$0x2BA0] =	vst v0  }
0x2b: {  	[tilespmem:$0x2BB0] =	vst v0  }
0x2c: {  	[tilespmem:$0x2BC0] =	vst v0  }
0x2d: {  	[tilespmem:$0x2BD0] =	vst v0  }
0x2e: {  	[tilespmem:$0x2BE0] =	vst v0  }
0x2f: {  	[tilespmem:$0x2BF0] =	vst v0  }
0x30: {  	[tilespmem:$0x2C00] =	vst v0  }
0x31: {  	[tilespmem:$0x2C10] =	vst v0  }
0x32: {  	[tilespmem:$0x2C20] =	vst v0  }
0x33: {  	[tilespmem:$0x2C30] =	vst v0  }
0x34: {  	[tilespmem:$0x2C40] =	vst v0  }
0x35: {  	[tilespmem:$0x2C50] =	vst v0  }
0x36: {  	[tilespmem:$0x2C60] =	vst v0  }
0x37: {  	[tilespmem:$0x2C70] =	vst v0  }
0x38: {  	[tilespmem:$0x2C80] =	vst v0  }
0x39: {  	[tilespmem:$0x2C90] =	vst v0  }
0x3a: {  	[tilespmem:$0x2CA0] =	vst v0  }
0x3b: {  	[tilespmem:$0x2CB0] =	vst v0  }
0x3c: {  	[tilespmem:$0x2CC0] =	vst v0  }
0x3d: {  	[tilespmem:$0x2CD0] =	vst v0  }
0x3e: {  	[tilespmem:$0x2CE0] =	vst v0  }
0x3f: {  	[tilespmem:$0x2CF0] =	vst v0  }
0x40: {  	[tilespmem:$0x2D00] =	vst v0  }
0x41: {  	[tilespmem:$0x2D10] =	vst v0  }
0x42: {  	[tilespmem:$0x2D20] =	vst v0  }
0x43: {  	[tilespmem:$0x2D30] =	vst v0  }
0x44: {  	[tilespmem:$0x2D40] =	vst v0  }
0x45: {  	[tilespmem:$0x2D50] =	vst v0  }
0x46: {  	[tilespmem:$0x2D60] =	vst v0  }
0x47: {  	[tilespmem:$0x2D70] =	vst v0  }
0x48: {  	[tilespmem:$0x2D80] =	vst v0  }
0x49: {  	[tilespmem:$0x2D90] =	vst v0  }
0x4a: {  	[tilespmem:$0x2DA0] =	vst v0  }
0x4b: {  	[tilespmem:$0x2DB0] =	vst v0  }
0x4c: {  	[tilespmem:$0x2DC0] =	vst v0  }
0x4d: {  	[tilespmem:$0x2DD0] =	vst v0  }
0x4e: {  	[tilespmem:$0x2DE0] =	vst v0  }
0x4f: {  	[tilespmem:$0x2DF0] =	vst v0;
	s22 =	sadd.s32 $0x0, s5  }
0x50: {  	[spmem:s22] =	stream.linear.scatter [tilespmem:s9], [sflag:$0x3], $0x400, $0x38;
	[tilespmem:$0x1E600] =	vst v63  }
0x51: {  	s22 =	simm.s32 $0x1000;
	_ =	swait.ge [sflag:s10], $0x400  }
.LBB2_2:
0x52: {  	s23 =	sshra.s32 s22, $0x2;
	[sflag:s10] =	ssyncset.done $0x0;
	p0 =	sne.s32 s22, $0x4E000  }
.Ltmp0:
0x53: {  	s23 =	sadd.s32 s23, s5;
	[sflag:s10] =	ssyncadd.s32 $0xFFFFFC00;
	(pc) =	sbr.rel @p0 .LBB2_2-.Ltmp0, $3  }
0x54: {  	[spmem:s23] =	stream.linear.scatter [tilespmem:s9], [sflag:$0x3], $0x400, $0x38;
	[tilespmem:$0x1E600] =	vst v63  }
0x55: {  	s22 =	sadd.s32 $0x1000, s22;
	_ =	sdelay $0x1  }
0x56: {  	_ =	swait.ge [sflag:s10], $0x400  }
0x57: {  	[sflag:s10] =	ssyncset.done $0x0  }
0x58: {  	[sflag:s10] =	ssyncadd.s32 $0xFFFFFC00  }
0x59: {  	[tilespmem:s3], [sflag:$0x3] =	stream.linear.gather [hbm4b:s6+s3], $0x2800, $0x38;
	[tilespmem:$0x1E600] =	vst v63  }
0x5a: {  	_ =	swait.ge [sflag:s10], $0x2800  }
0x5b: {  	[sflag:s10] =	ssyncset.done $0x0  }
0x5c: {  	[sflag:s10] =	ssyncadd.s32 $0xFFFFD800  }
0x5d: {  	[bflag:$0x0] =	sbarrier.arrive $0xFFFF  }
0x5e: {  	v1 =	vld [tilespmem:$0x0];
	_ =	sdelay $0x1  }
0x5f: {  	v2 =	vld [tilespmem:$0x10];
	_ =	sdelay $0x1  }
0x60: {  	v3 =	vld [tilespmem:$0x20]  }
0x61: {  	v4 =	vand.u32 $0xFFFF, v1  }
0x62: {  	v59 =	vld [tilespmem:$0x30];
	v1 =	vshrl.u32 v1, $0x10;
	[tilespmem:$0x2800] =	vst v4  }
0x63: {  	[tilespmem:$0x2880] =	vst v1;
	v1 =	vand.u32 $0xFFFF, v2  }
0x64: {  	[tilespmem:$0x2810] =	vst v1;
	v1 =	vshrl.u32 v2, $0x10;
	v2 =	vld [tilespmem:$0x40]  }
0x65: {  	[tilespmem:$0x2890] =	vst v1;
	v1 =	vand.u32 $0xFFFF, v3  }
0x66: {  	[tilespmem:$0x2820] =	vst v1;
	v1 =	vshrl.u32 v3, $0x10;
	v3 =	vld [tilespmem:$0x50]  }
0x67: {  	[tilespmem:$0x28A0] =	vst v1;
	v1 =	vand.u32 $0xFFFF, v59  }
0x68: {  	v60 =	vld [tilespmem:$0x60];
	[tilespmem:$0x2830] =	vst v1;
	v1 =	vshrl.u32 v59, $0x10  }
0x69: {  	[tilespmem:$0x28B0] =	vst v1;
	v1 =	vand.u32 $0xFFFF, v2  }
0x6a: {  	[tilespmem:$0x2840] =	vst v1;
	v1 =	vshrl.u32 v2, $0x10;
	v2 =	vld [tilespmem:$0x70]  }
0x6b: {  	[tilespmem:$0x28C0] =	vst v1;
	v1 =	vand.u32 $0xFFFF, v3  }
0x6c: {  	[tilespmem:$0x2850] =	vst v1;
	v1 =	vshrl.u32 v3, $0x10;
	v3 =	vld [tilespmem:$0x80]  }
0x6d: {  	[tilespmem:$0x28D0] =	vst v1;
	v1 =	vand.u32 $0xFFFF, v60  }
0x6e: {  	v61 =	vld [tilespmem:$0x90];
	[tilespmem:$0x2860] =	vst v1;
	v1 =	vshrl.u32 v60, $0x10  }
0x6f: {  	[tilespmem:$0x28E0] =	vst v1;
	v1 =	vand.u32 $0xFFFF, v2  }
0x70: {  	[tilespmem:$0x2870] =	vst v1;
	v1 =	vshrl.u32 v2, $0x10;
	v2 =	vld [tilespmem:$0xA0]  }
0x71: {  	[tilespmem:$0x28F0] =	vst v1;
	v1 =	vand.u32 $0xFFFF, v3  }
0x72: {  	[tilespmem:$0x2900] =	vst v1;
	v1 =	vshrl.u32 v3, $0x10;
	v3 =	vld [tilespmem:$0xB0]  }
0x73: {  	[tilespmem:$0x2980] =	vst v1;
	v1 =	vand.u32 $0xFFFF, v61  }
0x74: {  	v62 =	vld [tilespmem:$0xC0];
	[tilespmem:$0x2910] =	vst v1;
	v1 =	vshrl.u32 v61, $0x10  }
0x75: {  	[tilespmem:$0x2990] =	vst v1;
	v1 =	vand.u32 $0xFFFF, v2  }
0x76: {  	[tilespmem:$0x2920] =	vst v1;
	v1 =	vshrl.u32 v2, $0x10;
	v2 =	vld [tilespmem:$0xD0]  }
0x77: {  	[tilespmem:$0x29A0] =	vst v1;
	v1 =	vand.u32 $0xFFFF, v3  }
0x78: {  	[tilespmem:$0x2930] =	vst v1;
	v1 =	vshrl.u32 v3, $0x10;
	v3 =	vld [tilespmem:$0xE0]  }
0x79: {  	[tilespmem:$0x29B0] =	vst v1;
	v1 =	vand.u32 $0xFFFF, v62  }
0x7a: {  	v63 =	vld [tilespmem:$0xF0];
	[tilespmem:$0x2940] =	vst v1;
	v1 =	vshrl.u32 v62, $0x10  }
0x7b: {  	[tilespmem:$0x29C0] =	vst v1;
	v1 =	vand.u32 $0xFFFF, v2  }
0x7c: {  	[tilespmem:$0x2950] =	vst v1;
	v1 =	vshrl.u32 v2, $0x10  }
0x7d: {  	[tilespmem:$0x29D0] =	vst v1;
	v1 =	vand.u32 $0xFFFF, v3  }
0x7e: {  	[tilespmem:$0x2960] =	vst v1;
	v1 =	vshrl.u32 v3, $0x10  }
0x7f: {  	[tilespmem:$0x29E0] =	vst v1;
	v1 =	vand.u32 $0xFFFF, v63  }
0x80: {  	[tilespmem:$0x2970] =	vst v1;
	v1 =	vshrl.u32 v63, $0x10  }
0x81: {  	[tilespmem:$0x29F0] =	vst v1  }
0x82: {  	[tilespmem:s9], [sflag:$0x1] =	stream.indirect.gather [hbm4b:s4+s11], $0x80, s12, s11, $0xb8;
	[tilespmem:$0x1E600] =	vst v63  }
0x83: {  	_ = 	snop  }
0x84: {  	[tilespmem:s14], [sflag:$0x2] =	stream.indirect.gather [hbm4b:s4+s11], $0x80, s13, s11, $0xb8;
	[tilespmem:$0x1E600] =	vst v63  }
0x85: {  	_ =	swait.ge [sflag:s15], $0x4000  }
0x86: {  	[sflag:s15] =	ssyncset.done $0x0  }
0x87: {  	[sflag:s15] =	ssyncadd.s32 $0xFFFFC000  }
0x88: {  	[spmem:s2] =	stream.indirect.scatter.add.f32 [tilespmem:s9], [sflag:$0x3], $0x80, s16, s11, $0xb8;
	[tilespmem:$0x1E600] =	vst v63  }
0x89: {  	_ =	swait.ge [sflag:s10], $0x4000  }
0x8a: {  	[sflag:s10] =	ssyncset.done $0x0  }
0x8b: {  	s22 =	simm.s32 $0x1F0;
	[sflag:s10] =	ssyncadd.s32 $0xFFFFC000  }
0x8c: {  	v1 =	vld [tilespmem:s22+$0xFFFFFF10];
	_ =	sdelay $0x4  }
0x8d: {  	v2 =	vand.u32 $0xFFFF, v1  }
0x8e: {  	v1 =	vshrl.u32 v1, $0x10;
	[tilespmem:$0x2800] =	vst v2  }
0x8f: {  	[tilespmem:$0x2880] =	vst v1  }
0x90: {  	v1 =	vld [tilespmem:s22+$0xFFFFFF20];
	_ =	sdelay $0x4  }
0x91: {  	v2 =	vand.u32 $0xFFFF, v1  }
0x92: {  	v1 =	vshrl.u32 v1, $0x10;
	[tilespmem:$0x2810] =	vst v2  }
0x93: {  	[tilespmem:$0x2890] =	vst v1  }
0x94: {  	v1 =	vld [tilespmem:s22+$0xFFFFFF30];
	_ =	sdelay $0x4  }
0x95: {  	v2 =	vand.u32 $0xFFFF, v1  }
0x96: {  	v1 =	vshrl.u32 v1, $0x10;
	[tilespmem:$0x2820] =	vst v2  }
0x97: {  	[tilespmem:$0x28A0] =	vst v1  }
0x98: {  	v1 =	vld [tilespmem:s22+$0xFFFFFF40];
	_ =	sdelay $0x4  }
0x99: {  	v2 =	vand.u32 $0xFFFF, v1  }
0x9a: {  	v1 =	vshrl.u32 v1, $0x10;
	[tilespmem:$0x2830] =	vst v2  }
0x9b: {  	[tilespmem:$0x28B0] =	vst v1  }
0x9c: {  	v1 =	vld [tilespmem:s22+$0xFFFFFF50];
	_ =	sdelay $0x4  }
0x9d: {  	v2 =	vand.u32 $0xFFFF, v1  }
0x9e: {  	v1 =	vshrl.u32 v1, $0x10;
	[tilespmem:$0x2840] =	vst v2  }
0x9f: {  	[tilespmem:$0x28C0] =	vst v1  }
0xa0: {  	v1 =	vld [tilespmem:s22+$0xFFFFFF60];
	_ =	sdelay $0x4  }
0xa1: {  	v2 =	vand.u32 $0xFFFF, v1  }
0xa2: {  	v1 =	vshrl.u32 v1, $0x10;
	[tilespmem:$0x2850] =	vst v2  }
0xa3: {  	[tilespmem:$0x28D0] =	vst v1  }
0xa4: {  	v1 =	vld [tilespmem:s22+$0xFFFFFF70];
	_ =	sdelay $0x4  }
0xa5: {  	v2 =	vand.u32 $0xFFFF, v1  }
0xa6: {  	v1 =	vshrl.u32 v1, $0x10;
	[tilespmem:$0x2860] =	vst v2  }
0xa7: {  	[tilespmem:$0x28E0] =	vst v1  }
0xa8: {  	v1 =	vld [tilespmem:s22+$0xFFFFFF80];
	_ =	sdelay $0x4  }
0xa9: {  	v2 =	vand.u32 $0xFFFF, v1  }
0xaa: {  	v1 =	vshrl.u32 v1, $0x10;
	[tilespmem:$0x2870] =	vst v2  }
0xab: {  	[tilespmem:$0x28F0] =	vst v1  }
0xac: {  	[tilespmem:s9], [sflag:$0x1] =	stream.indirect.gather [hbm4b:s4+s11], $0x80, s12, s11, $0xb8;
	[tilespmem:$0x1E600] =	vst v63  }
0xad: {  	_ =	swait.ge [sflag:s17], $0x4000  }
0xae: {  	[sflag:s17] =	ssyncset.done $0x0  }
0xaf: {  	[sflag:s17] =	ssyncadd.s32 $0xFFFFC000  }
0xb0: {  	[spmem:s2] =	stream.indirect.scatter.add.f32 [tilespmem:s14], [sflag:$0x3], $0x80, s18, s11, $0xb8;
	[tilespmem:$0x1E600] =	vst v63  }
0xb1: {  	_ =	swait.ge [sflag:s10], $0x4000  }
0xb2: {  	[sflag:s10] =	ssyncset.done $0x0  }
0xb3: {  	[sflag:s10] =	ssyncadd.s32 $0xFFFFC000  }
0xb4: {  	v1 =	vld [tilespmem:s22+$0xFFFFFF90];
	_ =	sdelay $0x4  }
0xb5: {  	v2 =	vand.u32 $0xFFFF, v1  }
0xb6: {  	v1 =	vshrl.u32 v1, $0x10;
	[tilespmem:$0x2900] =	vst v2  }
0xb7: {  	[tilespmem:$0x2980] =	vst v1  }
0xb8: {  	v1 =	vld [tilespmem:s22+$0xFFFFFFA0];
	_ =	sdelay $0x4  }
0xb9: {  	v2 =	vand.u32 $0xFFFF, v1  }
0xba: {  	v1 =	vshrl.u32 v1, $0x10;
	[tilespmem:$0x2910] =	vst v2  }
0xbb: {  	[tilespmem:$0x2990] =	vst v1  }
0xbc: {  	v1 =	vld [tilespmem:s22+$0xFFFFFFB0];
	_ =	sdelay $0x4  }
0xbd: {  	v2 =	vand.u32 $0xFFFF, v1  }
0xbe: {  	v1 =	vshrl.u32 v1, $0x10;
	[tilespmem:$0x2920] =	vst v2  }
0xbf: {  	[tilespmem:$0x29A0] =	vst v1  }
0xc0: {  	v1 =	vld [tilespmem:s22+$0xFFFFFFC0];
	_ =	sdelay $0x4  }
0xc1: {  	v2 =	vand.u32 $0xFFFF, v1  }
0xc2: {  	v1 =	vshrl.u32 v1, $0x10;
	[tilespmem:$0x2930] =	vst v2  }
0xc3: {  	[tilespmem:$0x29B0] =	vst v1  }
0xc4: {  	v1 =	vld [tilespmem:s22+$0xFFFFFFD0];
	_ =	sdelay $0x4  }
0xc5: {  	v2 =	vand.u32 $0xFFFF, v1  }
0xc6: {  	v1 =	vshrl.u32 v1, $0x10;
	[tilespmem:$0x2940] =	vst v2  }
0xc7: {  	[tilespmem:$0x29C0] =	vst v1  }
0xc8: {  	v1 =	vld [tilespmem:s22+$0xFFFFFFE0];
	_ =	sdelay $0x4  }
0xc9: {  	v2 =	vand.u32 $0xFFFF, v1  }
0xca: {  	v1 =	vshrl.u32 v1, $0x10;
	[tilespmem:$0x2950] =	vst v2  }
0xcb: {  	s23 =	simm.s32 $0xBC0;
	[tilespmem:$0x29D0] =	vst v1  }
.LBB2_4:
0xcc: {  	p0 =	sne.s32 s23, $0x9FC0;
	v1 =	vld [tilespmem:s22+$0xFFFFFFF0];
	s24 =	smov.u32 s23;
	s23 =	sadd.s32 $0x400, s23  }
0xcd: {  	_ =	sdelay $0x3  }
0xce: {  	v2 =	vand.u32 $0xFFFF, v1;
	v1 =	vshrl.u32 v1, $0x10  }
0xcf: {  	[tilespmem:$0x2960] =	vst v2  }
0xd0: {  	[tilespmem:$0x29E0] =	vst v1  }
0xd1: {  	v1 =	vld [tilespmem:s22+$0x0];
	_ =	sdelay $0x4  }
0xd2: {  	v2 =	vand.u32 $0xFFFF, v1;
	v1 =	vshrl.u32 v1, $0x10  }
0xd3: {  	[tilespmem:$0x2970] =	vst v2  }
0xd4: {  	[tilespmem:$0x29F0] =	vst v1  }
0xd5: {  	[tilespmem:s14], [sflag:$0x2] =	stream.indirect.gather [hbm4b:s4+s11], $0x80, s13, s11, $0xb8;
	[tilespmem:$0x1E600] =	vst v63  }
0xd6: {  	_ =	swait.ge [sflag:s15], $0x4000  }
0xd7: {  	[sflag:s15] =	ssyncset.done $0x0  }
0xd8: {  	[sflag:s15] =	ssyncadd.s32 $0xFFFFC000  }
0xd9: {  	[spmem:s2] =	stream.indirect.scatter.add.f32 [tilespmem:s9], [sflag:$0x3], $0x80, s16, s11, $0xb8;
	[tilespmem:$0x1E600] =	vst v63  }
0xda: {  	_ =	swait.ge [sflag:s10], $0x4000  }
0xdb: {  	[sflag:s10] =	ssyncset.done $0x0  }
0xdc: {  	s22 =	sshra.s32 s24, $0x2;
	[sflag:s10] =	ssyncadd.s32 $0xFFFFC000  }
0xdd: {  	v1 =	vld [tilespmem:s22+$0xFFFFFF10];
	_ =	sdelay $0x4  }
0xde: {  	v2 =	vand.u32 $0xFFFF, v1;
	v1 =	vshrl.u32 v1, $0x10  }
0xdf: {  	[tilespmem:$0x2800] =	vst v2  }
0xe0: {  	[tilespmem:$0x2880] =	vst v1  }
0xe1: {  	v1 =	vld [tilespmem:s22+$0xFFFFFF20];
	_ =	sdelay $0x4  }
0xe2: {  	v2 =	vand.u32 $0xFFFF, v1;
	v1 =	vshrl.u32 v1, $0x10  }
0xe3: {  	[tilespmem:$0x2810] =	vst v2  }
0xe4: {  	[tilespmem:$0x2890] =	vst v1  }
0xe5: {  	v1 =	vld [tilespmem:s22+$0xFFFFFF30];
	_ =	sdelay $0x4  }
0xe6: {  	v2 =	vand.u32 $0xFFFF, v1;
	v1 =	vshrl.u32 v1, $0x10  }
0xe7: {  	[tilespmem:$0x2820] =	vst v2  }
0xe8: {  	[tilespmem:$0x28A0] =	vst v1  }
0xe9: {  	v1 =	vld [tilespmem:s22+$0xFFFFFF40];
	_ =	sdelay $0x4  }
0xea: {  	v2 =	vand.u32 $0xFFFF, v1;
	v1 =	vshrl.u32 v1, $0x10  }
0xeb: {  	[tilespmem:$0x2830] =	vst v2  }
0xec: {  	[tilespmem:$0x28B0] =	vst v1  }
0xed: {  	v1 =	vld [tilespmem:s22+$0xFFFFFF50];
	_ =	sdelay $0x4  }
0xee: {  	v2 =	vand.u32 $0xFFFF, v1;
	v1 =	vshrl.u32 v1, $0x10  }
0xef: {  	[tilespmem:$0x2840] =	vst v2  }
0xf0: {  	[tilespmem:$0x28C0] =	vst v1  }
0xf1: {  	v1 =	vld [tilespmem:s22+$0xFFFFFF60];
	_ =	sdelay $0x4  }
0xf2: {  	v2 =	vand.u32 $0xFFFF, v1;
	v1 =	vshrl.u32 v1, $0x10  }
0xf3: {  	[tilespmem:$0x2850] =	vst v2  }
0xf4: {  	[tilespmem:$0x28D0] =	vst v1  }
0xf5: {  	v1 =	vld [tilespmem:s22+$0xFFFFFF70];
	_ =	sdelay $0x4  }
0xf6: {  	v2 =	vand.u32 $0xFFFF, v1;
	v1 =	vshrl.u32 v1, $0x10  }
0xf7: {  	[tilespmem:$0x2860] =	vst v2  }
0xf8: {  	[tilespmem:$0x28E0] =	vst v1  }
0xf9: {  	v1 =	vld [tilespmem:s22+$0xFFFFFF80];
	_ =	sdelay $0x4  }
0xfa: {  	v2 =	vand.u32 $0xFFFF, v1;
	v1 =	vshrl.u32 v1, $0x10  }
0xfb: {  	[tilespmem:$0x2870] =	vst v2  }
0xfc: {  	[tilespmem:$0x28F0] =	vst v1  }
0xfd: {  	[tilespmem:s9], [sflag:$0x1] =	stream.indirect.gather [hbm4b:s4+s11], $0x80, s12, s11, $0xb8;
	[tilespmem:$0x1E600] =	vst v63  }
0xfe: {  	_ =	swait.ge [sflag:s17], $0x4000  }
0xff: {  	[sflag:s17] =	ssyncset.done $0x0  }
0x100: {  	[sflag:s17] =	ssyncadd.s32 $0xFFFFC000  }
0x101: {  	[spmem:s2] =	stream.indirect.scatter.add.f32 [tilespmem:s14], [sflag:$0x3], $0x80, s18, s11, $0xb8;
	[tilespmem:$0x1E600] =	vst v63  }
0x102: {  	_ =	swait.ge [sflag:s10], $0x4000  }
0x103: {  	[sflag:s10] =	ssyncset.done $0x0  }
0x104: {  	[sflag:s10] =	ssyncadd.s32 $0xFFFFC000  }
0x105: {  	v1 =	vld [tilespmem:s22+$0xFFFFFF90];
	_ =	sdelay $0x4  }
0x106: {  	v2 =	vand.u32 $0xFFFF, v1;
	v1 =	vshrl.u32 v1, $0x10  }
0x107: {  	[tilespmem:$0x2900] =	vst v2  }
0x108: {  	[tilespmem:$0x2980] =	vst v1  }
0x109: {  	v1 =	vld [tilespmem:s22+$0xFFFFFFA0];
	_ =	sdelay $0x4  }
0x10a: {  	v2 =	vand.u32 $0xFFFF, v1;
	v1 =	vshrl.u32 v1, $0x10  }
0x10b: {  	[tilespmem:$0x2910] =	vst v2  }
0x10c: {  	[tilespmem:$0x2990] =	vst v1  }
0x10d: {  	v1 =	vld [tilespmem:s22+$0xFFFFFFB0];
	_ =	sdelay $0x4  }
0x10e: {  	v2 =	vand.u32 $0xFFFF, v1;
	v1 =	vshrl.u32 v1, $0x10  }
0x10f: {  	[tilespmem:$0x2920] =	vst v2  }
0x110: {  	[tilespmem:$0x29A0] =	vst v1  }
0x111: {  	v1 =	vld [tilespmem:s22+$0xFFFFFFC0];
	_ =	sdelay $0x4  }
0x112: {  	v2 =	vand.u32 $0xFFFF, v1;
	v1 =	vshrl.u32 v1, $0x10  }
0x113: {  	[tilespmem:$0x2930] =	vst v2  }
0x114: {  	[tilespmem:$0x29B0] =	vst v1  }
0x115: {  	v1 =	vld [tilespmem:s22+$0xFFFFFFD0];
	_ =	sdelay $0x4  }
0x116: {  	v2 =	vand.u32 $0xFFFF, v1;
	v1 =	vshrl.u32 v1, $0x10  }
0x117: {  	[tilespmem:$0x2940] =	vst v2  }
0x118: {  	[tilespmem:$0x29C0] =	vst v1  }
0x119: {  	v1 =	vld [tilespmem:s22+$0xFFFFFFE0];
	_ =	sdelay $0x2  }
.Ltmp1:
0x11a: {  	(pc) =	sbr.rel @p0 .LBB2_4-.Ltmp1, $4  }
0x11b: {  	_ = 	snop  }
0x11c: {  	v2 =	vand.u32 $0xFFFF, v1;
	v1 =	vshrl.u32 v1, $0x10  }
0x11d: {  	[tilespmem:$0x2950] =	vst v2  }
0x11e: {  	[tilespmem:$0x29D0] =	vst v1  }
0x11f: {  	v1 =	vld [tilespmem:s22+$0xFFFFFFF0];
	_ =	sdelay $0x4  }
0x120: {  	v2 =	vand.u32 $0xFFFF, v1  }
0x121: {  	v1 =	vshrl.u32 v1, $0x10;
	[tilespmem:$0x2960] =	vst v2  }
0x122: {  	[tilespmem:$0x29E0] =	vst v1  }
0x123: {  	v1 =	vld [tilespmem:s22+$0x0];
	_ =	sdelay $0x4  }
0x124: {  	v2 =	vand.u32 $0xFFFF, v1  }
0x125: {  	v1 =	vshrl.u32 v1, $0x10;
	[tilespmem:$0x2970] =	vst v2  }
0x126: {  	[tilespmem:$0x29F0] =	vst v1  }
0x127: {  	[tilespmem:s14], [sflag:$0x2] =	stream.indirect.gather [hbm4b:s4+s11], $0x80, s13, s11, $0xb8;
	[tilespmem:$0x1E600] =	vst v63  }
0x128: {  	_ =	swait.ge [sflag:s15], $0x4000  }
0x129: {  	[sflag:s15] =	ssyncset.done $0x0  }
0x12a: {  	[sflag:s15] =	ssyncadd.s32 $0xFFFFC000  }
0x12b: {  	[spmem:s2] =	stream.indirect.scatter.add.f32 [tilespmem:s9], [sflag:$0x3], $0x80, s16, s11, $0xb8;
	[tilespmem:$0x1E600] =	vst v63  }
0x12c: {  	_ =	swait.ge [sflag:s10], $0x4000  }
0x12d: {  	[sflag:s10] =	ssyncset.done $0x0  }
0x12e: {  	[sflag:s10] =	ssyncadd.s32 $0xFFFFC000  }
0x12f: {  	_ =	swait.ge [sflag:s17], $0x4000  }
0x130: {  	[sflag:s17] =	ssyncset.done $0x0  }
0x131: {  	[sflag:s17] =	ssyncadd.s32 $0xFFFFC000  }
0x132: {  	[spmem:s2] =	stream.indirect.scatter.add.f32 [tilespmem:s14], [sflag:$0x3], $0x80, s18, s11, $0xb8;
	[tilespmem:$0x1E600] =	vst v63  }
0x133: {  	_ =	swait.ge [sflag:s10], $0x4000  }
0x134: {  	s21 =	sadd.s32 $0x1, s21;
	[sflag:s10] =	ssyncset.done $0x0  }
0x135: {  	p0 =	sne.s32 s21, s8;
	[sflag:s10] =	ssyncadd.s32 $0xFFFFC000  }
.Ltmp2:
0x136: {  	[bflag:$0x0] =	sbarrier.arrive $0xFFFF;
	(pc) =	sbr.rel @p0 .LBB2_1-.Ltmp2, $4  }
0x137: {  	[hbm:s7], [sflag:s19] =	dma.local [spmem:s20], $0x2780  }
0x138: {  	_ =	swait.ge [sflag:s10], $0x2780  }
0x139: {  	[sflag:s10] =	ssyncset.done $0x0  }
0x13a: {  	[sflag:s10] =	ssyncadd.s32 $0xFFFFD880  }
0x13b: {  	_ =	sfence.sel $0x180000  }
0x13c: {  	[bflag:$0x0] =	sbarrier.arrive $0xFFFF  }
0x13d: {  	p0 =	sne.s32 s1, $0x0;
	_ =	strace $0x9000004D  }
0x13e: {  	s0 =	sadd.s32 @!p0 $0x100000, s0;
	[bflag:$0x2] =	sbarrier.arrive $0xFFFF  }
0x13f: {  	[sflag:s0] =	ssyncadd.tile.s32 @!p0 $0x1;
	_ =	shalt  }
.Lfunc_end2:
_tile_overlayer_lowered:
.L_overlay_start_2:
0x140: {  	(tag) =	ssettag $0x2  }
0x141: {  	s0 =	rddreg [dreg:$0x0];
	s2 =	stileid.u32  }
0x142: {  	s1 =	rddreg [dreg:$0x1];
	p0 =	sne.s32 s2, $0x0  }
0x143: {  	s3 =	rddreg [dreg:$0x2];
	[bflag:$0x3] =	sbarrier.arrive $0xFFFF;
	s2 =	simm.s32 @!p0 $0x1C03  }
0x144: {  	[timem:s3], [sflag:s2] =	dma.local @!p0 [hbm:s0], s1  }
0x145: {  	s0 =	simm.s32 @!p0 $0x3  }
0x146: {  	_ =	swait.ge @!p0 [sflag:s0], s1  }
0x147: {  	s1 =	ssub.s32 @!p0 $0x0, s1;
	[sflag:s0] =	ssyncset.done @!p0 $0x0  }
0x148: {  	[sflag:s0] =	ssyncadd.s32 @!p0 s1  }
0x149: {  	[bflag:$0x3] =	sbarrier.arrive $0xFFFF  }
0x14a: {  	_ =	shalt  }

// kernel: kernel.8.cloned.1.call-start
scs
__scs_entry_jumppad:
0x0: {  	(pc) =	sbr.rel $0x88, $3  }
0x1: {  	(tag) =	ssettag $0x0;
	lr =	simm.s32 $0x1  }
0x2: {  	[smem:$0x3F92] =	sst lr;
	_ =	strace $0xD0000000  }
0x3: {  	_ = 	snop  }
0x4: {  	_ = 	snop  }
0x5: {  	_ = 	snop  }
0x6: {  	_ = 	snop  }
0x7: {  	_ = 	snop  }
__scs_overlays_trampoline_lowered:
0x8: {  	[smem:$0x3FA1] =	sst s0  }
0x9: {  	[smem:$0x3FA2] =	sst s1  }
0xa: {  	[smem:$0x3FA3] =	sst s2  }
0xb: {  	[smem:$0x3FA4] =	sst s3  }
0xc: {  	[smem:$0x3FA5] =	sst s4  }
0xd: {  	[smem:$0x3FA6] =	sst s5  }
0xe: {  	[smem:$0x3FA7] =	sst s6  }
0xf: {  	[smem:$0x3FA8] =	sst s7  }
0x10: {  	[smem:$0x3FA9] =	sst s8  }
0x11: {  	[smem:$0x3FAA] =	sst s9;
	s0 =	simm.s32 @!p0 $0x0  }
0x12: {  	s1 =	sld [smem:$0x3F90];
	s0 =	simm.s32 @p0 $0x1  }
0x13: {  	[smem:$0x3FAB] =	sst s0;
	s0 =	simm.s32 @!p1 $0x0  }
0x14: {  	s2 =	sld [smem:$0x3F8F];
	s0 =	simm.s32 @p1 $0x1  }
0x15: {  	[smem:$0x3FAC] =	sst s0;
	s0 =	simm.s32 @!p2 $0x0  }
0x16: {  	s3 =	sld [smem:$0x3FDB];
	s0 =	simm.s32 @p2 $0x1  }
0x17: {  	s4 =	simm.s32 $0x1BF5;
	[smem:$0x3FAE] =	sst s0  }
0x18: {  	s0 =	sld [smem:$0x3F91];
	_ =	swait.ge [sflag:s4], $0x0  }
0x19: {  	s7 =	sld [smem:$0x3F92]  }
0x1a: {  	s8 =	sadd.s32 $0xFFFFE003, lr  }
0x1b: {  	s9 =	sadd.s32 $0xFFFFFEF7, lr;
	s5 =	simm.s32 $0xFFFFFFFF;
	p2 =	slt.u32 s8, $0xFFFFF086  }
0x1c: {  	p1 =	slt.u32 s9, $0xF7A;
	s5 =	simm.s32 @!p2 $0x0  }
0x1d: {  	s5 =	simm.s32 @p1 $0x1;
	p0 =	seq.s32 s7, s2  }
0x1e: {  	s7 =	smul.u32 @!p0 $0xF7A, s2;
	p2 =	seq.s32 @!p0 s5, $0x0  }
0x1f: {  	s9 =	smul.u32 $0xF7A, s1;
	s8 =	simm.s32 @!p0 $0x1BF5;
	p2 =	por !p2, p0  }
0x20: {  	[sflag:s8] =	ssyncset.s32 @!p0 $0xFFFFF086;
	s6 =	sadd.s32 @!p0 s3, s7;
	s7 =	simm.s32 @!p0 $0x108  }
0x21: {  	s3 =	sadd.s32 s3, s9;
	s6 =	sadd.s32 @!p0 $0x88, s6;
	s7 =	simm.s32 @p2 $0x1082  }
0x22: {  	[simem:s7], [sflag:s8] =	dma.local @!p0 [hbm:s6], $0xF7A  }
0x23: {  	s9 =	sor.u32 $0xD0000000, s2;
	s6 =	simm.s32 $0x108;
	_ =	swait.ge @!p0 [sflag:s8], $0x0  }
0x24: {  	s3 =	sadd.s32 $0x88, s3;
	s6 =	simm.s32 @!p1 $0x1082;
	[sflag:s4] =	ssyncset.s32 $0xFFFFF086  }
0x25: {  	[simem:s6], [sflag:s4] =	dma.local [hbm:s3], $0xF7A  }
0x26: {  	[smem:$0x3F92] =	sst s1;
	(tag) =	ssettag s2;
	_ =	strace s9  }
0x27: {  	s1 =	sld [smem:$0x3FA2]  }
0x28: {  	s2 =	sld [smem:$0x3FA3]  }
0x29: {  	s4 =	sld [smem:$0x3FA5]  }
0x2a: {  	p0 =	seq.s32 s5, $0x0;
	s5 =	sld [smem:$0x3FA6]  }
0x2b: {  	s6 =	sld [smem:$0x3FA7]  }
0x2c: {  	s7 =	sld [smem:$0x3FA8]  }
0x2d: {  	s3 =	simm.s32 $0x108;
	s8 =	sld [smem:$0x3FA9]  }
0x2e: {  	s3 =	simm.s32 @!p0 $0x1082;
	s9 =	sld [smem:$0x3FAA]  }
0x2f: {  	lr =	sadd.s32 s0, s3;
	s0 =	sld [smem:$0x3FA1]  }
0x30: {  	s3 =	sld [smem:$0x3FA4]  }
0x31: {  	[smem:$0x3FAD] =	sst s10  }
0x32: {  	s10 =	sld [smem:$0x3FAB];
	_ =	sdelay $0x3  }
0x33: {  	p0 =	seq.s32 s10, $0x1;
	s10 =	sld [smem:$0x3FAD];
	_ =	sdelay $0x3  }
0x34: {  	[smem:$0x3FAD] =	sst s10  }
0x35: {  	s10 =	sld [smem:$0x3FAC];
	_ =	sdelay $0x3  }
0x36: {  	p1 =	seq.s32 s10, $0x1;
	s10 =	sld [smem:$0x3FAD];
	_ =	sdelay $0x3  }
0x37: {  	[smem:$0x3FAD] =	sst s10  }
0x38: {  	s10 =	sld [smem:$0x3FAE]  }
0x39: {  	_ = 	snop;
	(pc) =	sbr.ind lr, $3  }
0x3a: {  	_ = 	snop  }
0x3b: {  	_ = 	snop  }
0x3c: {  	p2 =	seq.s32 s10, $0x1;
	s10 =	sld [smem:$0x3FAD]  }
0x3d: {  	_ =	shalt  }
0x3e: {  	_ =	shalt  }
0x3f: {  	_ =	shalt  }
0x40: {  	_ =	shalt  }
0x41: {  	_ =	shalt  }
0x42: {  	_ =	shalt  }
0x43: {  	_ =	shalt  }
0x44: {  	_ =	shalt  }
0x45: {  	_ =	shalt  }
0x46: {  	_ =	shalt  }
0x47: {  	_ =	shalt  }
0x48: {  	_ =	shalt  }
0x49: {  	_ =	shalt  }
0x4a: {  	_ =	shalt  }
0x4b: {  	_ =	shalt  }
0x4c: {  	_ =	shalt  }
0x4d: {  	_ =	shalt  }
0x4e: {  	_ =	shalt  }
0x4f: {  	_ =	shalt  }
0x50: {  	_ =	shalt  }
0x51: {  	_ =	shalt  }
0x52: {  	_ =	shalt  }
0x53: {  	_ =	shalt  }
0x54: {  	_ =	shalt  }
0x55: {  	_ =	shalt  }
0x56: {  	_ =	shalt  }
0x57: {  	_ =	shalt  }
0x58: {  	_ =	shalt  }
0x59: {  	_ =	shalt  }
0x5a: {  	_ =	shalt  }
0x5b: {  	_ =	shalt  }
0x5c: {  	_ =	shalt  }
0x5d: {  	_ =	shalt  }
0x5e: {  	_ =	shalt  }
0x5f: {  	_ =	shalt  }
0x60: {  	_ =	shalt  }
0x61: {  	_ =	shalt  }
0x62: {  	_ =	shalt  }
0x63: {  	_ =	shalt  }
0x64: {  	_ =	shalt  }
0x65: {  	_ =	shalt  }
0x66: {  	_ =	shalt  }
0x67: {  	_ =	shalt  }
0x68: {  	_ =	shalt  }
0x69: {  	_ =	shalt  }
0x6a: {  	_ =	shalt  }
0x6b: {  	_ =	shalt  }
0x6c: {  	_ =	shalt  }
0x6d: {  	_ =	shalt  }
0x6e: {  	_ =	shalt  }
0x6f: {  	_ =	shalt  }
0x70: {  	_ =	shalt  }
0x71: {  	_ =	shalt  }
0x72: {  	_ =	shalt  }
0x73: {  	_ =	shalt  }
0x74: {  	_ =	shalt  }
0x75: {  	_ =	shalt  }
0x76: {  	_ =	shalt  }
0x77: {  	_ =	shalt  }
0x78: {  	_ =	shalt  }
0x79: {  	_ =	shalt  }
0x7a: {  	_ =	shalt  }
0x7b: {  	_ =	shalt  }
0x7c: {  	_ =	shalt  }
0x7d: {  	_ =	shalt  }
0x7e: {  	_ =	shalt  }
0x7f: {  	_ =	shalt  }
0x80: {  	_ =	shalt  }
0x81: {  	_ =	shalt  }
0x82: {  	_ =	shalt  }
0x83: {  	_ =	shalt  }
0x84: {  	_ =	shalt  }
0x85: {  	_ =	shalt  }
0x86: {  	_ =	shalt  }
0x87: {  	_ =	shalt  }
.Lfunc_end0:
.L_simem_size_0:
called_computation_lowered:
.L_overlay_start_0:
0x88: {  	s2 =	sld [smem:$0x3FD9]  }
0x89: {  	s3 =	sld [smem:$0x3FFE];
	_ =	sdelay $0x1  }
0x8a: {  	s1 =	srdreg.scid  }
0x8b: {  	s0 =	sand.u32 $0x1, s1  }
0x8c: {  	s16 =	sshll.u32 s0, $0xA;
	s2 =	sadd.s32 s3, s2  }
0x8d: {  	s2 =	sadd.s32 s2, s16  }
0x8e: {  	[smem:$0x3FB9] =	sst s2  }
0x8f: {  	_ = 	snop  }
0x90: {  	(tm) =	ssettm $0x1  }
0x91: {  	s17 =	sld [smem:$0x3FFB];
	_ =	sdelay $0x3  }
0x92: {  	_ =	strace s17  }
0x93: {  	s2 =	sld [smem:$0x3FFC];
	_ =	sdelay $0x3  }
0x94: {  	_ =	strace s2  }
0x95: {  	s2 =	sld [smem:$0x3FFD];
	_ =	sdelay $0x3  }
0x96: {  	_ =	strace s2  }
0x97: {  	_ =	strace $0x8FFFFFFF  }
0x98: {  	s18 =	sld [smem:$0x3FDB];
	_ =	sdelay $0x1  }
0x99: {  	s19 =	simm.s32 $_scs_section_size  }
0x9a: {  	s4 =	simm.s32 $_size__tile_overlayer_lowered;
	s5 =	simm.s32 $_tile_overlayer_lowered  }
0x9b: {  	s22 =	simm.s32 $0x1BFF;
	s21 =	sshll.u32 s5, $0x1;
	s2 =	sadd.s32 s19, s18  }
0x9c: {  	s6 =	simm.s32 $0x0;
	s20 =	sshll.u32 s4, $0x1;
	s4 =	sadd.s32 s21, s2  }
0x9d: {  	[timem:s6], [sflag:s22] =	dma.local [hbm:s4], s20  }
0x9e: {  	_ =	swait.ge [sflag:s22], s20  }
0x9f: {  	s3 =	ssub.s32 $0x0, s20;
	[sflag:s22] =	ssyncset.done $0x0  }
0xa0: {  	[sflag:s22] =	ssyncadd.s32 s3;
	_ =	sdelay $0x1  }
0xa1: {  	s23 =	simm.s32 $0x1B8B  }
0xa2: {  	_ =	swait.ge [sflag:s23], $0x1  }
0xa3: {  	[sflag:s23] =	ssyncset.done $0x0  }
0xa4: {  	s25 =	simm.s32 $0x1B8E;
	s24 =	sld [smem:$0x3FFE];
	[sflag:s23] =	ssyncadd.s32 $0xFFFFFFFF  }
0xa5: {  	s26 =	simm.s32 $execute0_lowered;
	[smem:$0x3FD2] =	sst s25  }
0xa6: {  	s4 =	sshll.u32 s26, $0x1;
	_ =	strace $0x80000046;
	[dreg:$0x1] =	wrdreg $0xFFFFFFFF  }
0xa7: {  	s28 =	simm.s32 $_size_execute0_lowered;
	s2 =	sadd.s32 s2, s4;
	[dreg:$0x0] =	wrdreg $0x0  }
0xa8: {  	s4 =	sshll.u32 s28, $0x1;
	[dreg:$0x2] =	wrdreg s2  }
0xa9: {  	[dreg:$0x3] =	wrdreg s4  }
0xaa: {  	[dreg:$0x4] =	wrdreg $0xC0  }
0xab: {  	_ =	task [dreg:s6], $0x5FFFF  }
0xac: {  	[dreg:$0x1] =	wrdreg $0xFFFFFFFF  }
0xad: {  	[dreg:$0x0] =	wrdreg $0x60  }
0xae: {  	[dreg:$0x2] =	wrdreg s24  }
0xaf: {  	[dreg:$0x3] =	wrdreg $0x31800  }
0xb0: {  	[dreg:$0x4] =	wrdreg $0x9  }
0xb1: {  	_ =	task.clear_ibuf [dreg:s6], $0x5FFFF;
	_ =	strace $0x90000046  }
0xb2: {  	s29 =	simm.s32 $0x9;
	_ =	strace $0x80000048  }
0xb3: {  	_ =	swait.ge [sflag:s29], $0x1  }
0xb4: {  	[sflag:s29] =	ssyncadd.s32 $0xFFFFFFFF  }
0xb5: {  	_ =	strace $0x90000048  }
0xb6: {  	_ =	sfence  }
0xb7: {  	s30 =	sld [smem:$0x0];
	_ =	sdelay $0x2  }
0xb8: {  	s31 =	sshll.u32 s1, $0xD;
	s1 =	sshrl.u32 s1, $0x2  }
0xb9: {  	s3 =	sand.u32 $0x4000, s31;
	s1 =	sadd.s32 s1, s30  }
0xba: {  	s0 =	sor.u32 s3, s0;
	s1 =	sshll.u32 s1, $0x11  }
0xbb: {  	s0 =	sor.u32 s1, s0  }
0xbc: {  	s0 =	sadd.s32 $0x8F2B, s0  }
0xbd: {  	[sflag:s0] =	ssyncadd.remote.s32 $0x1  }
0xbe: {  	_ =	sfence.sel $0xFFFF  }
0xbf: {  	[dreg:$0x0] =	wrdreg $0xFFFFFFFF;
	(pc) =	sbr.abs _section_cstart, $3  }
0xc0: {  	[dreg:$0x1] =	wrdreg $0xFFFFFFFF  }
0xc1: {  	_ =	task.clear_ibuf [dreg:s6], $0x2FFFF;
	_ =	strace $0x9FFFFFFF  }
0xc2: {  	(tm) =	ssettm $0x7FFFFFFF  }
0xc3: {  	_ =	shalt  }
tec
execute0_lowered:
.L_overlay_start_1:
0x0: {  	(tag) =	ssettag $0x1  }
0x1: {  	s4 =	rddreg [dreg:$0x0]  }
0x2: {  	s0 =	srdreg.scid;
	s2 =	rddreg [dreg:$0x1]  }
0x3: {  	s1 =	rddreg [dreg:$0x2];
	s5 =	sand.u32 $0x1, s0  }
0x4: {  	s0 =	stileid.u32;
	s6 =	smul.u32 $0x28000, s5  }
0x5: {  	s3 =	simm.s32 $0x0;
	s11 =	simm.s32 $0x2880;
	s7 =	smul.u32 $0x2800, s0  }
0x6: {  	s12 =	simm.s32 $0x2900;
	[smem:$0x7FF] =	sst s3;
	s8 =	smul.u32 $0x27800, s5  }
0x7: {  	s31 =	smul.u32 $0x2780, s0;
	_ =	strace $0x80000047;
	s5 =	ssub.s32 $0x2, s5  }
0x8: {  	s9 =	smul.u32 $0x9E00, s0;
	s13 =	sshll.u32 s0, $0x6;
	s10 =	sshrl.u32 s5, $0x1  }
0x9: {  	s13 =	sor.u32 $0x1C01, s13;
	s6 =	sadd.s32 s7, s6;
	s8 =	sadd.s32 s31, s8  }
0xa: {  	s9 =	sshrl.u32 s9, $0x2;
	s10 =	ssub.s32 s5, s10;
	s14 =	sadd.s32 s31, s2  }
0xb: {  	s6 =	sshrl.u32 s6, $0x3;
	s8 =	sshrl.u32 s8, $0x3;
	s7 =	smax.u32 s10, $0x1  }
0xc: {  	s10 =	simm.s32 $0x80;
	s14 =	sshrl.u32 s14, $0x3;
	s6 =	sadd.s32 s6, s4  }
0xd: {  	s8 =	sadd.s32 s8, s4;
	s4 =	sadd.s32 s9, s2;
	s9 =	simm.s32 $0x1  }
0xe: {  	v0 =	vimm.f32 $0.0e+00;
	v1 =	vimm.f32 $1.000000000e+00;
	s5 =	sadd.s32 $0x4400, s6;
	s6 =	sadd.s32 $0xE400, s8;
	s8 =	simm.s32 $0x3100  }
.LBB2_1:
0xf: {  	[tilespmem:$0x3100] =	vst v0  }
0x10: {  	[tilespmem:$0x3110] =	vst v0  }
0x11: {  	[tilespmem:$0x3120] =	vst v0  }
0x12: {  	[tilespmem:$0x3130] =	vst v0  }
0x13: {  	[tilespmem:$0x3140] =	vst v0  }
0x14: {  	[tilespmem:$0x3150] =	vst v0  }
0x15: {  	[tilespmem:$0x3160] =	vst v0  }
0x16: {  	[tilespmem:$0x3170] =	vst v0;
	s15 =	simm.s32 $0x0  }
.LBB2_2:
0x17: {  	p0 =	sne.s32 s15, $0x1FC0  }
.Ltmp0:
0x18: {  	_ = 	snop;
	(pc) =	sbr.rel @p0 .LBB2_2-.Ltmp0, $3  }
0x19: {  	_ =	sdelay $0x1  }
0x1a: {  	s16 =	sshra.s32 s15, $0x2  }
0x1b: {  	s15 =	sadd.s32 $0x40, s15;
	[tilespmem:s16+$0x2900] =	vst v1  }
0x1c: {  	s15 =	sadd.s32 $0x0, s4  }
0x1d: {  	[spmem:s15] =	stream.linear.scatter [tilespmem:s8], [sflag:$0x1], $0x80, $0x38;
	[tilespmem:$0x5900] =	vst v63  }
0x1e: {  	s15 =	simm.s32 $0x200;
	_ =	swait.ge [sflag:s9], $0x80  }
.LBB2_4:
0x1f: {  	s16 =	sshra.s32 s15, $0x2;
	[sflag:s9] =	ssyncset.done $0x0;
	p0 =	sne.s32 s15, $0x9C00  }
.Ltmp1:
0x20: {  	s16 =	sadd.s32 s16, s4;
	[sflag:s9] =	ssyncadd.s32 $0xFFFFFF80;
	(pc) =	sbr.rel @p0 .LBB2_4-.Ltmp1, $3  }
0x21: {  	[spmem:s16] =	stream.linear.scatter [tilespmem:s8], [sflag:$0x1], $0x80, $0x38;
	[tilespmem:$0x5900] =	vst v63  }
0x22: {  	s15 =	sadd.s32 $0x200, s15;
	_ =	sdelay $0x1  }
0x23: {  	_ =	swait.ge [sflag:s9], $0x80  }
0x24: {  	[sflag:s9] =	ssyncset.done $0x0  }
0x25: {  	s15 =	simm.s32 $0x0;
	[sflag:s9] =	ssyncadd.s32 $0xFFFFFF80  }
0x26: {  	[tilespmem:s15], [sflag:$0x1] =	stream.linear.gather [hbm4b:s5+s15], $0x2800, $0x38;
	[tilespmem:$0x5900] =	vst v63  }
0x27: {  	_ =	swait.ge [sflag:s9], $0x2800  }
0x28: {  	[sflag:s9] =	ssyncset.done $0x0  }
0x29: {  	[sflag:s9] =	ssyncadd.s32 $0xFFFFD800  }
0x2a: {  	s16 =	simm.s32 $0x0;
	[bflag:$0x0] =	sbarrier.arrive $0xFFFF  }
0x2b: {  	v2 =	vld [tilespmem:s16+$0x0];
	_ =	sdelay $0x4  }
0x2c: {  	v3 =	vand.u32 $0xFFFF, v2  }
0x2d: {  	v2 =	vshrl.u32 v2, $0x10;
	[tilespmem:$0x2800] =	vst v3  }
0x2e: {  	[tilespmem:$0x2880] =	vst v2  }
0x2f: {  	v2 =	vld [tilespmem:s16+$0x10];
	_ =	sdelay $0x4  }
0x30: {  	v3 =	vand.u32 $0xFFFF, v2  }
0x31: {  	v2 =	vshrl.u32 v2, $0x10;
	[tilespmem:$0x2810] =	vst v3  }
0x32: {  	[tilespmem:$0x2890] =	vst v2  }
0x33: {  	v2 =	vld [tilespmem:s16+$0x20];
	_ =	sdelay $0x4  }
0x34: {  	v3 =	vand.u32 $0xFFFF, v2  }
0x35: {  	v2 =	vshrl.u32 v2, $0x10;
	[tilespmem:$0x2820] =	vst v3  }
0x36: {  	[tilespmem:$0x28A0] =	vst v2  }
0x37: {  	v2 =	vld [tilespmem:s16+$0x30];
	_ =	sdelay $0x4  }
0x38: {  	v3 =	vand.u32 $0xFFFF, v2  }
0x39: {  	v2 =	vshrl.u32 v2, $0x10;
	[tilespmem:$0x2830] =	vst v3  }
0x3a: {  	[tilespmem:$0x28B0] =	vst v2  }
0x3b: {  	v2 =	vld [tilespmem:s16+$0x40];
	_ =	sdelay $0x4  }
0x3c: {  	v3 =	vand.u32 $0xFFFF, v2  }
0x3d: {  	v2 =	vshrl.u32 v2, $0x10;
	[tilespmem:$0x2840] =	vst v3  }
0x3e: {  	[tilespmem:$0x28C0] =	vst v2  }
0x3f: {  	v2 =	vld [tilespmem:s16+$0x50];
	_ =	sdelay $0x4  }
0x40: {  	v3 =	vand.u32 $0xFFFF, v2  }
0x41: {  	v2 =	vshrl.u32 v2, $0x10;
	[tilespmem:$0x2850] =	vst v3  }
0x42: {  	[tilespmem:$0x28D0] =	vst v2  }
0x43: {  	v2 =	vld [tilespmem:s16+$0x60];
	_ =	sdelay $0x4  }
0x44: {  	v3 =	vand.u32 $0xFFFF, v2  }
0x45: {  	v2 =	vshrl.u32 v2, $0x10;
	[tilespmem:$0x2860] =	vst v3  }
0x46: {  	[tilespmem:$0x28E0] =	vst v2  }
0x47: {  	s15 =	simm.s32 $0x200;
	v2 =	vld [tilespmem:s16+$0x70]  }
.LBB2_6:
0x48: {  	_ =	sdelay $0x1  }
0x49: {  	p0 =	sne.s32 s15, $0x9E00;
	s16 =	smov.u32 s15;
	s15 =	sadd.s32 $0x200, s15  }
0x4a: {  	_ = 	snop  }
0x4b: {  	v3 =	vand.u32 $0xFFFF, v2;
	v2 =	vshrl.u32 v2, $0x10  }
0x4c: {  	[tilespmem:$0x2870] =	vst v3  }
0x4d: {  	[tilespmem:$0x28F0] =	vst v2  }
0x4e: {  	[spmem:s2] =	stream.indirect.scatter.add.f32 [tilespmem:s12], [sflag:$0x1], $0x10, s11, s10, $0xb8;
	[tilespmem:$0x5900] =	vst v63  }
0x4f: {  	_ =	swait.ge [sflag:s9], $0x800  }
0x50: {  	[sflag:s9] =	ssyncset.done $0x0  }
0x51: {  	s16 =	sshra.s32 s16, $0x2;
	[sflag:s9] =	ssyncadd.s32 $0xFFFFF800  }
0x52: {  	v2 =	vld [tilespmem:s16+$0x0];
	_ =	sdelay $0x4  }
0x53: {  	v3 =	vand.u32 $0xFFFF, v2;
	v2 =	vshrl.u32 v2, $0x10  }
0x54: {  	[tilespmem:$0x2800] =	vst v3  }
0x55: {  	[tilespmem:$0x2880] =	vst v2  }
0x56: {  	v2 =	vld [tilespmem:s16+$0x10];
	_ =	sdelay $0x4  }
0x57: {  	v3 =	vand.u32 $0xFFFF, v2;
	v2 =	vshrl.u32 v2, $0x10  }
0x58: {  	[tilespmem:$0x2810] =	vst v3  }
0x59: {  	[tilespmem:$0x2890] =	vst v2  }
0x5a: {  	v2 =	vld [tilespmem:s16+$0x20];
	_ =	sdelay $0x4  }
0x5b: {  	v3 =	vand.u32 $0xFFFF, v2;
	v2 =	vshrl.u32 v2, $0x10  }
0x5c: {  	[tilespmem:$0x2820] =	vst v3  }
0x5d: {  	[tilespmem:$0x28A0] =	vst v2  }
0x5e: {  	v2 =	vld [tilespmem:s16+$0x30];
	_ =	sdelay $0x4  }
0x5f: {  	v3 =	vand.u32 $0xFFFF, v2;
	v2 =	vshrl.u32 v2, $0x10  }
0x60: {  	[tilespmem:$0x2830] =	vst v3  }
0x61: {  	[tilespmem:$0x28B0] =	vst v2  }
0x62: {  	v2 =	vld [tilespmem:s16+$0x40];
	_ =	sdelay $0x4  }
0x63: {  	v3 =	vand.u32 $0xFFFF, v2;
	v2 =	vshrl.u32 v2, $0x10  }
0x64: {  	[tilespmem:$0x2840] =	vst v3  }
0x65: {  	[tilespmem:$0x28C0] =	vst v2  }
0x66: {  	v2 =	vld [tilespmem:s16+$0x50];
	_ =	sdelay $0x4  }
0x67: {  	v3 =	vand.u32 $0xFFFF, v2;
	v2 =	vshrl.u32 v2, $0x10  }
0x68: {  	[tilespmem:$0x2850] =	vst v3  }
0x69: {  	[tilespmem:$0x28D0] =	vst v2  }
0x6a: {  	v2 =	vld [tilespmem:s16+$0x60];
	_ =	sdelay $0x3  }
.Ltmp2:
0x6b: {  	(pc) =	sbr.rel @p0 .LBB2_6-.Ltmp2, $4  }
0x6c: {  	v3 =	vand.u32 $0xFFFF, v2;
	v2 =	vshrl.u32 v2, $0x10  }
0x6d: {  	[tilespmem:$0x2860] =	vst v3  }
0x6e: {  	[tilespmem:$0x28E0] =	vst v2  }
0x6f: {  	v2 =	vld [tilespmem:s16+$0x70]  }
0x70: {  	_ =	sdelay $0x3  }
0x71: {  	v3 =	vand.u32 $0xFFFF, v2  }
0x72: {  	v2 =	vshrl.u32 v2, $0x10;
	[tilespmem:$0x2870] =	vst v3  }
0x73: {  	[tilespmem:$0x28F0] =	vst v2  }
0x74: {  	[spmem:s2] =	stream.indirect.scatter.add.f32 [tilespmem:s12], [sflag:$0x1], $0x10, s11, s10, $0xb8;
	[tilespmem:$0x5900] =	vst v63  }
0x75: {  	_ =	swait.ge [sflag:s9], $0x800  }
0x76: {  	s3 =	sadd.s32 $0x1, s3;
	[sflag:s9] =	ssyncset.done $0x0  }
0x77: {  	p0 =	sne.s32 s3, s7;
	[sflag:s9] =	ssyncadd.s32 $0xFFFFF800  }
.Ltmp3:
0x78: {  	[bflag:$0x0] =	sbarrier.arrive $0xFFFF;
	(pc) =	sbr.rel @p0 .LBB2_1-.Ltmp3, $4  }
0x79: {  	[hbm:s6], [sflag:s13] =	dma.local [spmem:s14], $0x4F0  }
0x7a: {  	_ =	swait.ge [sflag:s9], $0x4F0  }
0x7b: {  	[sflag:s9] =	ssyncset.done $0x0  }
0x7c: {  	[sflag:s9] =	ssyncadd.s32 $0xFFFFFB10  }
0x7d: {  	_ =	sfence.sel $0x180000  }
0x7e: {  	[bflag:$0x0] =	sbarrier.arrive $0xFFFF  }
0x7f: {  	p0 =	sne.s32 s0, $0x0;
	_ =	strace $0x90000047  }
0x80: {  	s0 =	sadd.s32 @!p0 $0x100000, s1;
	[bflag:$0x2] =	sbarrier.arrive $0xFFFF  }
0x81: {  	[sflag:s0] =	ssyncadd.tile.s32 @!p0 $0x1;
	_ =	shalt  }
.Lfunc_end2:
_tile_overlayer_lowered:
.L_overlay_start_2:
0x82: {  	(tag) =	ssettag $0x2  }
0x83: {  	s0 =	rddreg [dreg:$0x0];
	s2 =	stileid.u32  }
0x84: {  	s1 =	rddreg [dreg:$0x1];
	p0 =	sne.s32 s2, $0x0  }
0x85: {  	s3 =	rddreg [dreg:$0x2];
	[bflag:$0x3] =	sbarrier.arrive $0xFFFF;
	s2 =	simm.s32 @!p0 $0x1C01  }
0x86: {  	[timem:s3], [sflag:s2] =	dma.local @!p0 [hbm:s0], s1  }
0x87: {  	s0 =	simm.s32 @!p0 $0x1  }
0x88: {  	_ =	swait.ge @!p0 [sflag:s0], s1  }
0x89: {  	s1 =	ssub.s32 @!p0 $0x0, s1;
	[sflag:s0] =	ssyncset.done @!p0 $0x0  }
0x8a: {  	[sflag:s0] =	ssyncadd.s32 @!p0 s1  }
0x8b: {  	[bflag:$0x3] =	sbarrier.arrive $0xFFFF  }
0x8c: {  	_ =	shalt  }

</sc_bundles>
